<compile_context>
chip_gen: v7x
topology: tpu7x:2x2x1
jax: 0.10.2.dev20260603
libtpu: 0.0.44.dev20260713+nightly
codegen_flags: <defaults>
</compile_context>

<pallas_src>
import functools

import jax
import jax.numpy as jnp
from jax import lax
from jax.experimental import pallas as pl
from jax.experimental.pallas import tpu as pltpu
from jax.experimental.pallas import tpu_sc as plsc

N = 100000
E = 3200000
C = 8
THR = 0.5
EPS = 1e-07

R = 1024
NBLK = 98
NPAD = R * NBLK
PADROW = N

NW = 32
EPW = E // NW
CH = 4000
NCH = EPW // CH
GRP = CH // 16
CAP = CH + 224
DB = 64
DBLOG = 6


def _prep_body(p_ref, cl_ref, tg_ref, u_ref, v_ref, pk_ref):
    i = pl.program_id(0)
    p = p_ref[...]
    cl = cl_ref[...]
    tg = tg_ref[...]
    col = i * R + lax.broadcasted_iota(jnp.int32, (1, R), 1)
    valid = col < N
    validc = jnp.broadcast_to(valid, (C, R))
    L = jnp.log(cl + EPS)
    tsafe = jnp.where(tg > 0, tg, 1.0)
    s = jnp.sum(jnp.where(tg > 0, tg * jnp.log(tsafe), 0.0), axis=0,
                keepdims=True)
    m = jnp.max(tg, axis=0, keepdims=True)
    rows = lax.broadcasted_iota(jnp.int32, (C, R), 0)
    amax = jnp.min(jnp.where(tg == m, rows, C), axis=0, keepdims=True)
    code = amax + C * (p >= THR).astype(jnp.int32)
    sbits = lax.bitcast_convert_type(s, jnp.int32)
    packed = jnp.where(valid, (sbits & jnp.int32(-16)) | code, 0)
    Tm = jnp.where(validc, tg, 0.0)
    Lm = jnp.where(validc, L, 0.0)
    u_ref[0:C, :] = Tm
    u_ref[C:2 * C, :] = Lm
    v_ref[0:C, :] = Lm
    v_ref[C:2 * C, :] = Tm
    for k in range(8):
        pk_ref[k:k + 1, :] = packed[:, 128 * k:128 * (k + 1)]


_prep = pl.pallas_call(
    _prep_body,
    grid=(NBLK,),
    in_specs=[
        pl.BlockSpec((1, R), lambda i: (0, i)),
        pl.BlockSpec((C, R), lambda i: (0, i)),
        pl.BlockSpec((C, R), lambda i: (0, i)),
    ],
    out_specs=[
        pl.BlockSpec((2 * C, R), lambda i: (0, i)),
        pl.BlockSpec((2 * C, R), lambda i: (0, i)),
        pl.BlockSpec((8, 128), lambda i: (i, 0)),
    ],
    out_shape=[
        jax.ShapeDtypeStruct((2 * C, NPAD), jnp.float32),
        jax.ShapeDtypeStruct((2 * C, NPAD), jnp.float32),
        jax.ShapeDtypeStruct((NPAD // 128, 128), jnp.int32),
    ],
)


SLAB2 = (NPAD // 8) // NW
SLAB = NPAD // NW


def _retile_body(ut, vt, utab, vtab, bufa, bufb):
    wid = lax.axis_index("s") * 2 + lax.axis_index("c")
    lane = lax.iota(jnp.int32, 16)

    def one(src, dst):
        for r in range(2 * C):
            pltpu.sync_copy(src.at[r, pl.ds(wid * SLAB, SLAB)],
                            bufa.at[pl.ds(r * SLAB, SLAB)])

        def tr(j, dummy):
            bufb[j, :] = plsc.load_gather(bufa, [j + SLAB * lane])
            return dummy
        lax.fori_loop(0, SLAB, tr, 0)
        pltpu.sync_copy(bufb, dst.at[pl.ds(wid * SLAB, SLAB), :])

    one(ut, utab)
    one(vt, vtab)


@functools.cache
def _retile():
    return functools.partial(
        pl.kernel,
        mesh=plsc.VectorSubcoreMesh(core_axis_name="c", subcore_axis_name="s"),
        compiler_params=pltpu.CompilerParams(
            needs_layout_passes=False, use_tc_tiling_on_sc=False),
        out_type=[jax.ShapeDtypeStruct((NPAD, 2 * C), jnp.float32),
                  jax.ShapeDtypeStruct((NPAD, 2 * C), jnp.float32)],
        scratch_types=[
            pltpu.VMEM((SLAB * 2 * C,), jnp.float32),
            pltpu.VMEM((SLAB, 2 * C), jnp.float32),
        ],
    )(_retile_body)


def _edge_body(ed0_hbm, ed1_hbm, packed_hbm, utab_hbm, vtab_hbm, out_hbm,
               pk_v, ed0_v, ed1_v, uidx, vidx, urows, vrows, part_v,
               sem1, sem2, sem3, sem4):
    wid = lax.axis_index("s") * 2 + lax.axis_index("c")
    base = wid * EPW
    pltpu.sync_copy(packed_hbm, pk_v)
    padv = jnp.full((16,), PADROW, jnp.int32)

    def fire_edges(c):
        p = c & 1
        pltpu.make_async_copy(ed0_hbm.at[pl.ds(base + c * CH, CH)],
                              ed0_v.at[p], sem3.at[p]).start()
        pltpu.make_async_copy(ed1_hbm.at[pl.ds(base + c * CH, CH)],
                              ed1_v.at[p], sem4.at[p]).start()

    fire_edges(0)

    def chunk_body(c, carry):
        np_acc, s_acc, cr_acc = carry

        @pl.when(c + 1 < NCH)
        def _():
            fire_edges(c + 1)
        ep = c & 1
        pltpu.make_async_copy(ed0_hbm.at[pl.ds(base + c * CH, CH)],
                              ed0_v.at[ep], sem3.at[ep]).wait()
        pltpu.make_async_copy(ed1_hbm.at[pl.ds(base + c * CH, CH)],
                              ed1_v.at[ep], sem4.at[ep]).wait()

        def grp_body(g, car):
            cur, npa, sa = car
            e0 = ed0_v[ep, pl.ds(g * 16, 16)]
            e1 = ed1_v[ep, pl.ds(g * 16, 16)]
            w0 = plsc.load_gather(pk_v, [lax.shift_right_logical(e0, 7),
                                         e0 & 127])
            w1 = plsc.load_gather(pk_v, [lax.shift_right_logical(e1, 7),
                                         e1 & 127])
            msk = ((w0 ^ w1) & 15) == 0
            npa = npa + msk.astype(jnp.int32)
            s0 = plsc.bitcast(w0 & jnp.int32(-16), jnp.float32)
            s1 = plsc.bitcast(w1 & jnp.int32(-16), jnp.float32)
            sa = sa + jnp.where(msk, s0 + s1, 0.0)
            plsc.store_compressed(uidx.at[pl.ds(cur, 16)], e1, mask=msk)
            plsc.store_compressed(vidx.at[pl.ds(cur, 16)], e0, mask=msk)
            cnt = jnp.sum(msk.astype(jnp.int32))
            return (cur + cnt, npa, sa)

        cur, np_acc, s_acc = lax.fori_loop(
            0, GRP, grp_body, (jnp.int32(0), np_acc, s_acc))

        for k in range(DB // 16):
            uidx[pl.ds(cur + k * 16, 16)] = padv
            vidx[pl.ds(cur + k * 16, 16)] = padv

        nb = lax.shift_right_logical(cur + (DB - 1), DBLOG)

        def fire(b):
            p = b & 1
            pltpu.make_async_copy(
                utab_hbm.at[uidx.at[pl.ds(b * DB, DB)]], urows.at[p],
                sem1.at[p]).start()
            pltpu.make_async_copy(
                vtab_hbm.at[vidx.at[pl.ds(b * DB, DB)]], vrows.at[p],
                sem2.at[p]).start()

        @pl.when(nb > 0)
        def _():
            fire(0)

        def dr_body(b, cra):
            @pl.when(b + 1 < nb)
            def _():
                fire(b + 1)
            p = b & 1
            pltpu.make_async_copy(
                utab_hbm.at[uidx.at[pl.ds(b * DB, DB)]], urows.at[p],
                sem1.at[p]).wait()
            pltpu.make_async_copy(
                vtab_hbm.at[vidx.at[pl.ds(b * DB, DB)]], vrows.at[p],
                sem2.at[p]).wait()

            def rowb(j, a):
                return a + urows[p, j, :] * vrows[p, j, :]
            return lax.fori_loop(0, DB, rowb, cra, unroll=4)

        cr_acc = lax.fori_loop(0, nb, dr_body, cr_acc)
        return (np_acc, s_acc, cr_acc)

    np_acc, s_acc, cr_acc = lax.fori_loop(
        0, NCH, chunk_body,
        (jnp.zeros((16,), jnp.int32), jnp.zeros((16,), jnp.float32),
         jnp.zeros((16,), jnp.float32)))
    part_v[0, :] = np_acc.astype(jnp.float32)
    part_v[1, :] = s_acc
    part_v[2, :] = cr_acc
    pltpu.sync_copy(part_v, out_hbm.at[wid])


@functools.cache
def _edge():
    return functools.partial(
        pl.kernel,
        mesh=plsc.VectorSubcoreMesh(core_axis_name="c", subcore_axis_name="s"),
        compiler_params=pltpu.CompilerParams(
            needs_layout_passes=False, use_tc_tiling_on_sc=False),
        out_type=jax.ShapeDtypeStruct((NW, 3, 16), jnp.float32),
        scratch_types=[
            pltpu.VMEM((NPAD // 128, 128), jnp.int32),
            pltpu.VMEM((2, CH), jnp.int32),
            pltpu.VMEM((2, CH), jnp.int32),
            pltpu.VMEM((CAP,), jnp.int32),
            pltpu.VMEM((CAP,), jnp.int32),
            pltpu.VMEM((2, DB, 2 * C), jnp.float32),
            pltpu.VMEM((2, DB, 2 * C), jnp.float32),
            pltpu.VMEM((3, 16), jnp.float32),
            pltpu.SemaphoreType.DMA((2,)),
            pltpu.SemaphoreType.DMA((2,)),
            pltpu.SemaphoreType.DMA((2,)),
            pltpu.SemaphoreType.DMA((2,)),
        ],
    )(_edge_body)


def kernel(edges_nn, probas, clusters, targets):
    edges = edges_nn.astype(jnp.int32)
    e0 = edges[:, 0]
    e1 = edges[:, 1]
    ut, vt, packed = _prep(probas.reshape(1, N), clusters.T, targets.T)
    u_tab, v_tab = _retile()(ut, vt)
    parts = _edge()(e0, e1, packed, u_tab, v_tab)
    n_pos = jnp.sum(parts[:, 0])
    s_sum = jnp.sum(parts[:, 1])
    cross = jnp.sum(parts[:, 2])
    loss = (s_sum - cross) / (2.0 * C * n_pos * n_pos)
    return jnp.where(n_pos > 0, loss, jnp.float32(0.0))

# --- scband reference (transcript-rebuilt; emitter-appended) ---
"""Pipeline reference for scband-label-klpairwise-loss-17540646437118 (READ-ONLY COPY).

The authoritative reference and input builder live on the scoring server;
editing this copy changes nothing except your own understanding.
"""

import jax, jax.numpy as jnp
import numpy as np

N = 100000
E = 3200000
C = 8
THR = 0.5
EPS = 1e-07


def setup_inputs(seed: int = 0) -> dict:
    key = jax.random.key(seed)
    k1, k2, k3, k4 = jax.random.split(key, 4)
    edges_nn = jax.random.randint(k1, (E, 2), 0, N)
    probas = jax.random.uniform(k2, (N,), dtype=jnp.float32)
    clusters = jax.random.uniform(k3, (N, C), dtype=jnp.float32)
    targets = jax.random.uniform(k4, (N, C), dtype=jnp.float32)
    return {"edges_nn": edges_nn, "probas": probas, "clusters": clusters, "targets": targets}


def _forward(edges_nn, probas, clusters, targets):
    # get_edges_probas with thrs=[thr, thr] and clusters=targets.
    e0 = edges_nn[:, 0]
    e1 = edges_nn[:, 1]
    p0 = jnp.take(probas, e0, axis=0)
    p1 = jnp.take(probas, e1, axis=0)
    # bool* == AND, bool+ == OR in torch
    mask_sim = ((p0 >= THR) & (p1 >= THR)) | ((p0 < THR) & (p1 < THR))
    t0 = jnp.take(targets, e0, axis=0)
    t1 = jnp.take(targets, e1, axis=0)
    same = jnp.argmax(t1, axis=1) == jnp.argmax(t0, axis=1)
    maskf = (mask_sim & same).astype(jnp.float32)
    n_pos = jnp.sum(maskf)
    c0 = jnp.take(clusters, e0, axis=0)
    c1 = jnp.take(clusters, e1, axis=0)
    Cdim = clusters.shape[1]

    # KLDivLoss(reduction='mean'): mean over all elements of target*(log(target)-input),
    # with target==0 contributing 0 (torch xlogy semantics). Implemented as a masked
    # sum over all edges divided by n_pos*C (equivalent to boolean-gather then mean).
    def kl_mean(inp_log, tgt):
        tsafe = jnp.where(tgt > 0, tgt, 1.0)
        pw = jnp.where(tgt > 0, tgt * (jnp.log(tsafe) - inp_log), 0.0)
        return jnp.sum(pw * maskf[:, None]) / (n_pos * Cdim)

    loss_sim = kl_mean(jnp.log(c0 + EPS), t1) / n_pos
    loss_sim = loss_sim + kl_mean(jnp.log(c1 + EPS), t0) / n_pos
    loss_sim = loss_sim / 2.0
    # loss_pw starts at 0; disim edges only affect pos_weight, which is unused.
    return jnp.where(n_pos > 0, loss_sim, jnp.float32(0.0))


def reference(edges_nn, probas, clusters, targets):
    return _forward(edges_nn, probas, clusters, targets)

if __name__ == "__main__":
    import jax
    _d = setup_inputs()
    print(jax.jit(kernel)(*tuple(_d.values())))

</pallas_src>

<mosaic_0001>
#map = affine_map<(d0, d1) -> (0)>
#map1 = affine_map<(d0, d1) -> (0, 0)>
#map2 = affine_map<(d0, d1) -> (0, 0, 0)>
module attributes {stable_mosaic.version = 14 : i64} {
  func.func @_edge_body(%arg0: i32, %arg1: i32, %arg2: memref<3200000xi32, #tpu.memory_space<hbm>>, %arg3: memref<3200000xi32, #tpu.memory_space<hbm>>, %arg4: memref<784x128xi32, #tpu.memory_space<hbm>>, %arg5: memref<100352x16xf32, #tpu.memory_space<hbm>>, %arg6: memref<100352x16xf32, #tpu.memory_space<hbm>>, %arg7: memref<32x3x16xf32, #tpu.memory_space<hbm>>, %arg8: memref<784x128xi32, #tpu.memory_space<vmem>>, %arg9: memref<2x4000xi32, #tpu.memory_space<vmem>>, %arg10: memref<2x4000xi32, #tpu.memory_space<vmem>>, %arg11: memref<4224xi32, #tpu.memory_space<vmem>>, %arg12: memref<4224xi32, #tpu.memory_space<vmem>>, %arg13: memref<2x64x16xf32, #tpu.memory_space<vmem>>, %arg14: memref<2x64x16xf32, #tpu.memory_space<vmem>>, %arg15: memref<3x16xf32, #tpu.memory_space<vmem>>, %arg16: memref<2x!tpu.dma_semaphore, #tpu.memory_space<semaphore_mem>>, %arg17: memref<2x!tpu.dma_semaphore, #tpu.memory_space<semaphore_mem>>, %arg18: memref<2x!tpu.dma_semaphore, #tpu.memory_space<semaphore_mem>>, %arg19: memref<2x!tpu.dma_semaphore, #tpu.memory_space<semaphore_mem>>) attributes {dimension_semantics = [#tpu.dimension_semantics<core_parallel>, #tpu.dimension_semantics<subcore_parallel>], iteration_bounds = array<i64: 2, 16>, scalar_prefetch = 0 : i64, scratch_operands = 12 : i64, tpu.core_type = #tpu.core_type<sc_vector_subcore>, window_params = [{transform_indices = #map}, {transform_indices = #map}, {transform_indices = #map1}, {transform_indices = #map1}, {transform_indices = #map1}, {transform_indices = #map2}]} {
    %mul3A = arith.constant 2 : i32
    %mul3A_0 = arith.muli %arg1, %mul3A : i32
    %add3A = arith.addi %mul3A_0, %arg0 : i32
    %mul3A_1 = arith.constant 100000 : i32
    %mul3A_2 = arith.muli %add3A, %mul3A_1 : i32
    "tpu.region"() ({
      %run_scoped3A = tpu.sem_alloc : memref<!tpu.dma_semaphore, #tpu.memory_space<semaphore_mem>>
      tpu.enqueue_dma source(%arg4 : memref<784x128xi32, #tpu.memory_space<hbm>>) target(%arg8 : memref<784x128xi32, #tpu.memory_space<vmem>>) target_semaphore(%run_scoped3A : memref<!tpu.dma_semaphore, #tpu.memory_space<semaphore_mem>>)
      tpu.wait_dma2 semaphore(%run_scoped3A : memref<!tpu.dma_semaphore, #tpu.memory_space<semaphore_mem>>) src(%arg4 : memref<784x128xi32, #tpu.memory_space<hbm>>) dst(%arg8 : memref<784x128xi32, #tpu.memory_space<vmem>>)
      tpu.yield
    }) : () -> ()
    %broadcast_in_dim3A = arith.constant 100000 : i32
    %broadcast_in_dim3A_3 = vector.broadcast %broadcast_in_dim3A : i32 to vector<16xi32>
    %add3A_4 = arith.constant 0 : i32
    %add3A_5 = arith.addi %mul3A_2, %add3A_4 : i32
    %dma_start3A = arith.constant 0 : i32
    %dma_start3A_6 = arith.constant 0 : i32
    %dma_start3A_7 = arith.constant 0 : i32
    %dma_start3A_8 = tpu.memref_slice %arg9[%dma_start3A, %dma_start3A_7] : memref<2x4000xi32, #tpu.memory_space<vmem>> -> memref<1x4000xi32, #tpu.memory_space<vmem>>
    %dma_start3A_9 = tpu.memref_squeeze %dma_start3A_8 : memref<1x4000xi32, #tpu.memory_space<vmem>> -> memref<4000xi32, #tpu.memory_space<vmem>>
    %dma_start3A_10 = tpu.memref_slice %arg2[%add3A_5] : memref<3200000xi32, #tpu.memory_space<hbm>> -> memref<4000xi32, #tpu.memory_space<hbm>>
    %dma_start3A_11 = tpu.memref_slice %arg18[%dma_start3A_6] : memref<2x!tpu.dma_semaphore, #tpu.memory_space<semaphore_mem>> -> memref<1x!tpu.dma_semaphore, #tpu.memory_space<semaphore_mem>>
    %dma_start3A_12 = tpu.memref_squeeze %dma_start3A_11 : memref<1x!tpu.dma_semaphore, #tpu.memory_space<semaphore_mem>> -> memref<!tpu.dma_semaphore, #tpu.memory_space<semaphore_mem>>
    %dma_start3A_13 = arith.constant 0 : i32
    %dma_start3A_14 = tpu.memref_slice %arg9[%dma_start3A, %dma_start3A_13] : memref<2x4000xi32, #tpu.memory_space<vmem>> -> memref<1x4000xi32, #tpu.memory_space<vmem>>
    %dma_start3A_15 = tpu.memref_squeeze %dma_start3A_14 : memref<1x4000xi32, #tpu.memory_space<vmem>> -> memref<4000xi32, #tpu.memory_space<vmem>>
    %dma_start3A_16 = tpu.memref_slice %arg2[%add3A_5] : memref<3200000xi32, #tpu.memory_space<hbm>> -> memref<4000xi32, #tpu.memory_space<hbm>>
    tpu.enqueue_dma source(%dma_start3A_16 : memref<4000xi32, #tpu.memory_space<hbm>>) target(%dma_start3A_15 : memref<4000xi32, #tpu.memory_space<vmem>>) target_semaphore(%dma_start3A_12 : memref<!tpu.dma_semaphore, #tpu.memory_space<semaphore_mem>>)
    %add3A_17 = arith.constant 0 : i32
    %add3A_18 = arith.addi %mul3A_2, %add3A_17 : i32
    %dma_start3A_19 = arith.constant 0 : i32
    %dma_start3A_20 = arith.constant 0 : i32
    %dma_start3A_21 = arith.constant 0 : i32
    %dma_start3A_22 = tpu.memref_slice %arg10[%dma_start3A_19, %dma_start3A_21] : memref<2x4000xi32, #tpu.memory_space<vmem>> -> memref<1x4000xi32, #tpu.memory_space<vmem>>
    %dma_start3A_23 = tpu.memref_squeeze %dma_start3A_22 : memref<1x4000xi32, #tpu.memory_space<vmem>> -> memref<4000xi32, #tpu.memory_space<vmem>>
    %dma_start3A_24 = tpu.memref_slice %arg3[%add3A_18] : memref<3200000xi32, #tpu.memory_space<hbm>> -> memref<4000xi32, #tpu.memory_space<hbm>>
    %dma_start3A_25 = tpu.memref_slice %arg19[%dma_start3A_20] : memref<2x!tpu.dma_semaphore, #tpu.memory_space<semaphore_mem>> -> memref<1x!tpu.dma_semaphore, #tpu.memory_space<semaphore_mem>>
    %dma_start3A_26 = tpu.memref_squeeze %dma_start3A_25 : memref<1x!tpu.dma_semaphore, #tpu.memory_space<semaphore_mem>> -> memref<!tpu.dma_semaphore, #tpu.memory_space<semaphore_mem>>
    %dma_start3A_27 = arith.constant 0 : i32
    %dma_start3A_28 = tpu.memref_slice %arg10[%dma_start3A_19, %dma_start3A_27] : memref<2x4000xi32, #tpu.memory_space<vmem>> -> memref<1x4000xi32, #tpu.memory_space<vmem>>
    %dma_start3A_29 = tpu.memref_squeeze %dma_start3A_28 : memref<1x4000xi32, #tpu.memory_space<vmem>> -> memref<4000xi32, #tpu.memory_space<vmem>>
    %dma_start3A_30 = tpu.memref_slice %arg3[%add3A_18] : memref<3200000xi32, #tpu.memory_space<hbm>> -> memref<4000xi32, #tpu.memory_space<hbm>>
    tpu.enqueue_dma source(%dma_start3A_30 : memref<4000xi32, #tpu.memory_space<hbm>>) target(%dma_start3A_29 : memref<4000xi32, #tpu.memory_space<vmem>>) target_semaphore(%dma_start3A_26 : memref<!tpu.dma_semaphore, #tpu.memory_space<semaphore_mem>>)
    %broadcast_in_dim3A_31 = arith.constant 0 : i32
    %broadcast_in_dim3A_32 = vector.broadcast %broadcast_in_dim3A_31 : i32 to vector<16xi32>
    %broadcast_in_dim3A_33 = arith.constant 0.000000e+00 : f32
    %broadcast_in_dim3A_34 = vector.broadcast %broadcast_in_dim3A_33 : f32 to vector<16xf32>
    %broadcast_in_dim3A_35 = arith.constant 0.000000e+00 : f32
    %broadcast_in_dim3A_36 = vector.broadcast %broadcast_in_dim3A_35 : f32 to vector<16xf32>
    %scan3A = arith.constant 0 : i32
    %scan3A_37 = arith.constant 25 : i32
    %scan3A_38 = arith.addi %scan3A, %scan3A_37 : i32
    %scan3A_39 = arith.constant 1 : i32
    %scan3A_40:3 = scf.for %scan3A_53 = %scan3A to %scan3A_38 step %scan3A_39 iter_args(%scan3A_54 = %broadcast_in_dim3A_32, %scan3A_55 = %broadcast_in_dim3A_34, %scan3A_56 = %broadcast_in_dim3A_36) -> (vector<16xi32>, vector<16xf32>, vector<16xf32>)  : i32 {
      %add3A_57 = arith.constant 1 : i32
      %add3A_58 = arith.addi %scan3A_53, %add3A_57 : i32
      %lt3A = arith.constant 25 : i32
      %lt3A_59 = arith.cmpi slt, %add3A_58, %lt3A : i32
      %convert_element_type3A_60 = arith.extui %lt3A_59 : i1 to i32
      %cond3A = arith.constant 0 : i32
      %cond3A_61 = arith.cmpi ne, %convert_element_type3A_60, %cond3A : i32
      scf.if %cond3A_61 {
        %add3A_144 = arith.constant 1 : i32
        %add3A_145 = arith.addi %scan3A_53, %add3A_144 : i32
        %and3A_146 = arith.constant 1 : i32
        %and3A_147 = arith.andi %add3A_145, %and3A_146 : i32
        %mul3A_148 = arith.constant 4000 : i32
        %mul3A_149 = arith.muli %add3A_145, %mul3A_148 : i32
        %add3A_150 = arith.addi %mul3A_2, %mul3A_149 : i32
        %dma_start3A_151 = arith.constant 0 : i32
        %dma_start3A_152 = tpu.memref_slice %arg9[%and3A_147, %dma_start3A_151] : memref<2x4000xi32, #tpu.memory_space<vmem>> -> memref<1x4000xi32, #tpu.memory_space<vmem>>
        %dma_start3A_153 = tpu.memref_squeeze %dma_start3A_152 : memref<1x4000xi32, #tpu.memory_space<vmem>> -> memref<4000xi32, #tpu.memory_space<vmem>>
        %dma_start3A_154 = tpu.memref_slice %arg2[%add3A_150] : memref<3200000xi32, #tpu.memory_space<hbm>> -> memref<4000xi32, #tpu.memory_space<hbm>>
        %dma_start3A_155 = tpu.memref_slice %arg18[%and3A_147] : memref<2x!tpu.dma_semaphore, #tpu.memory_space<semaphore_mem>> -> memref<1x!tpu.dma_semaphore, #tpu.memory_space<semaphore_mem>>
        %dma_start3A_156 = tpu.memref_squeeze %dma_start3A_155 : memref<1x!tpu.dma_semaphore, #tpu.memory_space<semaphore_mem>> -> memref<!tpu.dma_semaphore, #tpu.memory_space<semaphore_mem>>
        %dma_start3A_157 = arith.constant 0 : i32
        %dma_start3A_158 = tpu.memref_slice %arg9[%and3A_147, %dma_start3A_157] : memref<2x4000xi32, #tpu.memory_space<vmem>> -> memref<1x4000xi32, #tpu.memory_space<vmem>>
        %dma_start3A_159 = tpu.memref_squeeze %dma_start3A_158 : memref<1x4000xi32, #tpu.memory_space<vmem>> -> memref<4000xi32, #tpu.memory_space<vmem>>
        %dma_start3A_160 = tpu.memref_slice %arg2[%add3A_150] : memref<3200000xi32, #tpu.memory_space<hbm>> -> memref<4000xi32, #tpu.memory_space<hbm>>
        tpu.enqueue_dma source(%dma_start3A_160 : memref<4000xi32, #tpu.memory_space<hbm>>) target(%dma_start3A_159 : memref<4000xi32, #tpu.memory_space<vmem>>) target_semaphore(%dma_start3A_156 : memref<!tpu.dma_semaphore, #tpu.memory_space<semaphore_mem>>)
        %mul3A_161 = arith.constant 4000 : i32
        %mul3A_162 = arith.muli %add3A_145, %mul3A_161 : i32
        %add3A_163 = arith.addi %mul3A_2, %mul3A_162 : i32
        %dma_start3A_164 = arith.constant 0 : i32
        %dma_start3A_165 = tpu.memref_slice %arg10[%and3A_147, %dma_start3A_164] : memref<2x4000xi32, #tpu.memory_space<vmem>> -> memref<1x4000xi32, #tpu.memory_space<vmem>>
        %dma_start3A_166 = tpu.memref_squeeze %dma_start3A_165 : memref<1x4000xi32, #tpu.memory_space<vmem>> -> memref<4000xi32, #tpu.memory_space<vmem>>
        %dma_start3A_167 = tpu.memref_slice %arg3[%add3A_163] : memref<3200000xi32, #tpu.memory_space<hbm>> -> memref<4000xi32, #tpu.memory_space<hbm>>
        %dma_start3A_168 = tpu.memref_slice %arg19[%and3A_147] : memref<2x!tpu.dma_semaphore, #tpu.memory_space<semaphore_mem>> -> memref<1x!tpu.dma_semaphore, #tpu.memory_space<semaphore_mem>>
        %dma_start3A_169 = tpu.memref_squeeze %dma_start3A_168 : memref<1x!tpu.dma_semaphore, #tpu.memory_space<semaphore_mem>> -> memref<!tpu.dma_semaphore, #tpu.memory_space<semaphore_mem>>
        %dma_start3A_170 = arith.constant 0 : i32
        %dma_start3A_171 = tpu.memref_slice %arg10[%and3A_147, %dma_start3A_170] : memref<2x4000xi32, #tpu.memory_space<vmem>> -> memref<1x4000xi32, #tpu.memory_space<vmem>>
        %dma_start3A_172 = tpu.memref_squeeze %dma_start3A_171 : memref<1x4000xi32, #tpu.memory_space<vmem>> -> memref<4000xi32, #tpu.memory_space<vmem>>
        %dma_start3A_173 = tpu.memref_slice %arg3[%add3A_163] : memref<3200000xi32, #tpu.memory_space<hbm>> -> memref<4000xi32, #tpu.memory_space<hbm>>
        tpu.enqueue_dma source(%dma_start3A_173 : memref<4000xi32, #tpu.memory_space<hbm>>) target(%dma_start3A_172 : memref<4000xi32, #tpu.memory_space<vmem>>) target_semaphore(%dma_start3A_169 : memref<!tpu.dma_semaphore, #tpu.memory_space<semaphore_mem>>)
      } else {
      }
      %and3A = arith.constant 1 : i32
      %and3A_62 = arith.andi %scan3A_53, %and3A : i32
      %mul3A_63 = arith.constant 4000 : i32
      %mul3A_64 = arith.muli %scan3A_53, %mul3A_63 : i32
      %add3A_65 = arith.addi %mul3A_2, %mul3A_64 : i32
      %dma_wait3A = arith.constant 0 : i32
      %dma_wait3A_66 = tpu.memref_slice %arg9[%and3A_62, %dma_wait3A] : memref<2x4000xi32, #tpu.memory_space<vmem>> -> memref<1x4000xi32, #tpu.memory_space<vmem>>
      %dma_wait3A_67 = tpu.memref_squeeze %dma_wait3A_66 : memref<1x4000xi32, #tpu.memory_space<vmem>> -> memref<4000xi32, #tpu.memory_space<vmem>>
      %dma_wait3A_68 = tpu.memref_slice %arg2[%add3A_65] : memref<3200000xi32, #tpu.memory_space<hbm>> -> memref<4000xi32, #tpu.memory_space<hbm>>
      %dma_wait3A_69 = tpu.memref_slice %arg18[%and3A_62] : memref<2x!tpu.dma_semaphore, #tpu.memory_space<semaphore_mem>> -> memref<1x!tpu.dma_semaphore, #tpu.memory_space<semaphore_mem>>
      %dma_wait3A_70 = tpu.memref_squeeze %dma_wait3A_69 : memref<1x!tpu.dma_semaphore, #tpu.memory_space<semaphore_mem>> -> memref<!tpu.dma_semaphore, #tpu.memory_space<semaphore_mem>>
      %dma_wait3A_71 = arith.constant 0 : i32
      %dma_wait3A_72 = tpu.memref_slice %arg9[%and3A_62, %dma_wait3A_71] : memref<2x4000xi32, #tpu.memory_space<vmem>> -> memref<1x4000xi32, #tpu.memory_space<vmem>>
      %dma_wait3A_73 = tpu.memref_squeeze %dma_wait3A_72 : memref<1x4000xi32, #tpu.memory_space<vmem>> -> memref<4000xi32, #tpu.memory_space<vmem>>
      %dma_wait3A_74 = tpu.memref_slice %arg2[%add3A_65] : memref<3200000xi32, #tpu.memory_space<hbm>> -> memref<4000xi32, #tpu.memory_space<hbm>>
      tpu.wait_dma2 semaphore(%dma_wait3A_70 : memref<!tpu.dma_semaphore, #tpu.memory_space<semaphore_mem>>) src(%dma_wait3A_74 : memref<4000xi32, #tpu.memory_space<hbm>>) dst(%dma_wait3A_73 : memref<4000xi32, #tpu.memory_space<vmem>>)
      %mul3A_75 = arith.constant 4000 : i32
      %mul3A_76 = arith.muli %scan3A_53, %mul3A_75 : i32
      %add3A_77 = arith.addi %mul3A_2, %mul3A_76 : i32
      %dma_wait3A_78 = arith.constant 0 : i32
      %dma_wait3A_79 = tpu.memref_slice %arg10[%and3A_62, %dma_wait3A_78] : memref<2x4000xi32, #tpu.memory_space<vmem>> -> memref<1x4000xi32, #tpu.memory_space<vmem>>
      %dma_wait3A_80 = tpu.memref_squeeze %dma_wait3A_79 : memref<1x4000xi32, #tpu.memory_space<vmem>> -> memref<4000xi32, #tpu.memory_space<vmem>>
      %dma_wait3A_81 = tpu.memref_slice %arg3[%add3A_77] : memref<3200000xi32, #tpu.memory_space<hbm>> -> memref<4000xi32, #tpu.memory_space<hbm>>
      %dma_wait3A_82 = tpu.memref_slice %arg19[%and3A_62] : memref<2x!tpu.dma_semaphore, #tpu.memory_space<semaphore_mem>> -> memref<1x!tpu.dma_semaphore, #tpu.memory_space<semaphore_mem>>
      %dma_wait3A_83 = tpu.memref_squeeze %dma_wait3A_82 : memref<1x!tpu.dma_semaphore, #tpu.memory_space<semaphore_mem>> -> memref<!tpu.dma_semaphore, #tpu.memory_space<semaphore_mem>>
      %dma_wait3A_84 = arith.constant 0 : i32
      %dma_wait3A_85 = tpu.memref_slice %arg10[%and3A_62, %dma_wait3A_84] : memref<2x4000xi32, #tpu.memory_space<vmem>> -> memref<1x4000xi32, #tpu.memory_space<vmem>>
      %dma_wait3A_86 = tpu.memref_squeeze %dma_wait3A_85 : memref<1x4000xi32, #tpu.memory_space<vmem>> -> memref<4000xi32, #tpu.memory_space<vmem>>
      %dma_wait3A_87 = tpu.memref_slice %arg3[%add3A_77] : memref<3200000xi32, #tpu.memory_space<hbm>> -> memref<4000xi32, #tpu.memory_space<hbm>>
      tpu.wait_dma2 semaphore(%dma_wait3A_83 : memref<!tpu.dma_semaphore, #tpu.memory_space<semaphore_mem>>) src(%dma_wait3A_87 : memref<4000xi32, #tpu.memory_space<hbm>>) dst(%dma_wait3A_86 : memref<4000xi32, #tpu.memory_space<vmem>>)
      %scan3A_88 = arith.constant 0 : i32
      %scan3A_89 = arith.constant 0 : i32
      %scan3A_90 = arith.constant 250 : i32
      %scan3A_91 = arith.addi %scan3A_89, %scan3A_90 : i32
      %scan3A_92 = arith.constant 1 : i32
      %scan3A_93:3 = scf.for %scan3A_144 = %scan3A_89 to %scan3A_91 step %scan3A_92 iter_args(%scan3A_145 = %scan3A_88, %scan3A_146 = %scan3A_54, %scan3A_147 = %scan3A_55) -> (i32, vector<16xi32>, vector<16xf32>)  : i32 {
        %mul3A_148 = arith.constant 16 : i32
        %mul3A_149 = arith.muli %scan3A_144, %mul3A_148 : i32
        %get3A = arith.index_cast %and3A_62 : i32 to index
        %get3A_150 = arith.index_cast %mul3A_149 : i32 to index
        %get3A_151 = tpu.vector_load %arg9[%get3A, %get3A_150] {strides = array<i32>} : memref<2x4000xi32, #tpu.memory_space<vmem>>, vector<16xi32>,
        %mul3A_152 = arith.constant 16 : i32
        %mul3A_153 = arith.muli %scan3A_144, %mul3A_152 : i32
        %get3A_154 = arith.index_cast %and3A_62 : i32 to index
        %get3A_155 = arith.index_cast %mul3A_153 : i32 to index
        %get3A_156 = tpu.vector_load %arg10[%get3A_154, %get3A_155] {strides = array<i32>} : memref<2x4000xi32, #tpu.memory_space<vmem>>, vector<16xi32>,
        %shift_right_logical3A_157 = arith.constant 7 : i32
        %shift_right_logical3A_158 = vector.broadcast %shift_right_logical3A_157 : i32 to vector<16xi32>
        %shift_right_logical3A_159 = arith.shrui %get3A_151, %shift_right_logical3A_158 : vector<16xi32>
        %and3A_160 = arith.constant 127 : i32
        %and3A_161 = vector.broadcast %and3A_160 : i32 to vector<16xi32>
        %and3A_162 = arith.andi %get3A_151, %and3A_161 : vector<16xi32>
        %gather3A = tpu.vector_load_idx %arg8[%shift_right_logical3A_159, %and3A_162] : memref<784x128xi32, #tpu.memory_space<vmem>>[vector<16xi32>, vector<16xi32>], vector<16xi32>,
        %shift_right_logical3A_163 = arith.constant 7 : i32
        %shift_right_logical3A_164 = vector.broadcast %shift_right_logical3A_163 : i32 to vector<16xi32>
        %shift_right_logical3A_165 = arith.shrui %get3A_156, %shift_right_logical3A_164 : vector<16xi32>
        %and3A_166 = arith.constant 127 : i32
        %and3A_167 = vector.broadcast %and3A_166 : i32 to vector<16xi32>
        %and3A_168 = arith.andi %get3A_156, %and3A_167 : vector<16xi32>
        %gather3A_169 = tpu.vector_load_idx %arg8[%shift_right_logical3A_165, %and3A_168] : memref<784x128xi32, #tpu.memory_space<vmem>>[vector<16xi32>, vector<16xi32>], vector<16xi32>,
        %xor3A = arith.xori %gather3A, %gather3A_169 : vector<16xi32>
        %and3A_170 = arith.constant 15 : i32
        %and3A_171 = vector.broadcast %and3A_170 : i32 to vector<16xi32>
        %and3A_172 = arith.andi %xor3A, %and3A_171 : vector<16xi32>
        %eq3A = arith.constant 0 : i32
        %eq3A_173 = vector.broadcast %eq3A : i32 to vector<16xi32>
        %eq3A_174 = arith.cmpi eq, %and3A_172, %eq3A_173 : vector<16xi32>
        %convert_element_type3A_175 = arith.extui %eq3A_174 : vector<16xi1> to vector<16xi32>
        %add3A_176 = arith.addi %scan3A_146, %convert_element_type3A_175 : vector<16xi32>
        %and3A_177 = arith.constant -16 : i32
        %and3A_178 = vector.broadcast %and3A_177 : i32 to vector<16xi32>
        %and3A_179 = arith.andi %gather3A, %and3A_178 : vector<16xi32>
        %bitcast3A = vector.bitcast %and3A_179 : vector<16xi32> to vector<16xf32>
        %and3A_180 = arith.constant -16 : i32
        %and3A_181 = vector.broadcast %and3A_180 : i32 to vector<16xi32>
        %and3A_182 = arith.andi %gather3A_169, %and3A_181 : vector<16xi32>
        %bitcast3A_183 = vector.bitcast %and3A_182 : vector<16xi32> to vector<16xf32>
        %add3A_184 = arith.addf %bitcast3A, %bitcast3A_183 : vector<16xf32>
        %jit3A = arith.constant 0.000000e+00 : f32
        %broadcast_in_dim3A_185 = vector.broadcast %jit3A : f32 to vector<16xf32>
        %select_n3A = arith.select %eq3A_174, %add3A_184, %broadcast_in_dim3A_185 : vector<16xi1>, vector<16xf32>
        %add3A_186 = arith.addf %scan3A_147, %select_n3A : vector<16xf32>
        %swap3A_187 = arith.index_cast %scan3A_145 : i32 to index
        %swap3A_188 = tpu.vector_load %arg11[%swap3A_187] masked %eq3A_174 {strides = array<i32>} : memref<4224xi32, #tpu.memory_space<vmem>>, vector<16xi32>, vector<16xi1>
        tpu.vector_store %arg11[%swap3A_187], %get3A_156 masked %eq3A_174 {strides = array<i32>} : memref<4224xi32, #tpu.memory_space<vmem>>, vector<16xi32>, vector<16xi1>
        %swap3A_189 = arith.index_cast %scan3A_145 : i32 to index
        %swap3A_190 = tpu.vector_load %arg12[%swap3A_189] masked %eq3A_174 {strides = array<i32>} : memref<4224xi32, #tpu.memory_space<vmem>>, vector<16xi32>, vector<16xi1>
        tpu.vector_store %arg12[%swap3A_189], %get3A_151 masked %eq3A_174 {strides = array<i32>} : memref<4224xi32, #tpu.memory_space<vmem>>, vector<16xi32>, vector<16xi1>
        %convert_element_type3A_191 = arith.extui %eq3A_174 : vector<16xi1> to vector<16xi32>
        %reduce_sum3A = arith.constant true
        %reduce_sum3A_192 = vector.broadcast %reduce_sum3A : i1 to vector<16xi1>
        %reduce_sum3A_193 = tpu.scan <sum>, %convert_element_type3A_191 masked %reduce_sum3A_192 : vector<16xi32>, vector<16xi1> -> vector<16xi32>
        %reduce_sum3A_194 = vector.extract %reduce_sum3A_193[15] : i32 from vector<16xi32>
        %add3A_195 = arith.addi %scan3A_145, %reduce_sum3A_194 : i32
        scf.yield %add3A_195, %add3A_176, %add3A_186 : i32, vector<16xi32>, vector<16xf32>
      }
      %scan3A_94 = arith.constant 250 : i32
      %add3A_95 = arith.constant 0 : i32
      %add3A_96 = arith.addi %scan3A_93#0, %add3A_95 : i32
      %swap3A_97 = arith.index_cast %add3A_96 : i32 to index
      %swap3A_98 = tpu.vector_load %arg11[%swap3A_97] {strides = array<i32>} : memref<4224xi32, #tpu.memory_space<vmem>>, vector<16xi32>,
      tpu.vector_store %arg11[%swap3A_97], %broadcast_in_dim3A_3 {strides = array<i32>} : memref<4224xi32, #tpu.memory_space<vmem>>, vector<16xi32>,
      %add3A_99 = arith.constant 0 : i32
      %add3A_100 = arith.addi %scan3A_93#0, %add3A_99 : i32
      %swap3A_101 = arith.index_cast %add3A_100 : i32 to index
      %swap3A_102 = tpu.vector_load %arg12[%swap3A_101] {strides = array<i32>} : memref<4224xi32, #tpu.memory_space<vmem>>, vector<16xi32>,
      tpu.vector_store %arg12[%swap3A_101], %broadcast_in_dim3A_3 {strides = array<i32>} : memref<4224xi32, #tpu.memory_space<vmem>>, vector<16xi32>,
      %add3A_103 = arith.constant 16 : i32
      %add3A_104 = arith.addi %scan3A_93#0, %add3A_103 : i32
      %swap3A_105 = arith.index_cast %add3A_104 : i32 to index
      %swap3A_106 = tpu.vector_load %arg11[%swap3A_105] {strides = array<i32>} : memref<4224xi32, #tpu.memory_space<vmem>>, vector<16xi32>,
      tpu.vector_store %arg11[%swap3A_105], %broadcast_in_dim3A_3 {strides = array<i32>} : memref<4224xi32, #tpu.memory_space<vmem>>, vector<16xi32>,
      %add3A_107 = arith.constant 16 : i32
      %add3A_108 = arith.addi %scan3A_93#0, %add3A_107 : i32
      %swap3A_109 = arith.index_cast %add3A_108 : i32 to index
      %swap3A_110 = tpu.vector_load %arg12[%swap3A_109] {strides = array<i32>} : memref<4224xi32, #tpu.memory_space<vmem>>, vector<16xi32>,
      tpu.vector_store %arg12[%swap3A_109], %broadcast_in_dim3A_3 {strides = array<i32>} : memref<4224xi32, #tpu.memory_space<vmem>>, vector<16xi32>,
      %add3A_111 = arith.constant 32 : i32
      %add3A_112 = arith.addi %scan3A_93#0, %add3A_111 : i32
      %swap3A_113 = arith.index_cast %add3A_112 : i32 to index
      %swap3A_114 = tpu.vector_load %arg11[%swap3A_113] {strides = array<i32>} : memref<4224xi32, #tpu.memory_space<vmem>>, vector<16xi32>,
      tpu.vector_store %arg11[%swap3A_113], %broadcast_in_dim3A_3 {strides = array<i32>} : memref<4224xi32, #tpu.memory_space<vmem>>, vector<16xi32>,
      %add3A_115 = arith.constant 32 : i32
      %add3A_116 = arith.addi %scan3A_93#0, %add3A_115 : i32
      %swap3A_117 = arith.index_cast %add3A_116 : i32 to index
      %swap3A_118 = tpu.vector_load %arg12[%swap3A_117] {strides = array<i32>} : memref<4224xi32, #tpu.memory_space<vmem>>, vector<16xi32>,
      tpu.vector_store %arg12[%swap3A_117], %broadcast_in_dim3A_3 {strides = array<i32>} : memref<4224xi32, #tpu.memory_space<vmem>>, vector<16xi32>,
      %add3A_119 = arith.constant 48 : i32
      %add3A_120 = arith.addi %scan3A_93#0, %add3A_119 : i32
      %swap3A_121 = arith.index_cast %add3A_120 : i32 to index
      %swap3A_122 = tpu.vector_load %arg11[%swap3A_121] {strides = array<i32>} : memref<4224xi32, #tpu.memory_space<vmem>>, vector<16xi32>,
      tpu.vector_store %arg11[%swap3A_121], %broadcast_in_dim3A_3 {strides = array<i32>} : memref<4224xi32, #tpu.memory_space<vmem>>, vector<16xi32>,
      %add3A_123 = arith.constant 48 : i32
      %add3A_124 = arith.addi %scan3A_93#0, %add3A_123 : i32
      %swap3A_125 = arith.index_cast %add3A_124 : i32 to index
      %swap3A_126 = tpu.vector_load %arg12[%swap3A_125] {strides = array<i32>} : memref<4224xi32, #tpu.memory_space<vmem>>, vector<16xi32>,
      tpu.vector_store %arg12[%swap3A_125], %broadcast_in_dim3A_3 {strides = array<i32>} : memref<4224xi32, #tpu.memory_space<vmem>>, vector<16xi32>,
      %add3A_127 = arith.constant 63 : i32
      %add3A_128 = arith.addi %scan3A_93#0, %add3A_127 : i32
      %shift_right_logical3A = arith.constant 6 : i32
      %shift_right_logical3A_129 = arith.shrui %add3A_128, %shift_right_logical3A : i32
      %gt3A = arith.constant 0 : i32
      %gt3A_130 = arith.cmpi sgt, %shift_right_logical3A_129, %gt3A : i32
      %convert_element_type3A_131 = arith.extui %gt3A_130 : i1 to i32
      %cond3A_132 = arith.constant 0 : i32
      %cond3A_133 = arith.cmpi ne, %convert_element_type3A_131, %cond3A_132 : i32
      scf.if %cond3A_133 {
        %dma_start3A_144 = arith.constant 0 : i32
        %dma_start3A_145 = arith.constant 0 : i32
        %dma_start3A_146 = arith.constant 0 : i32
        %dma_start3A_147 = arith.constant 0 : i32
        %dma_start3A_148 = tpu.memref_slice %arg13[%dma_start3A_144, %dma_start3A_146, %dma_start3A_147] : memref<2x64x16xf32, #tpu.memory_space<vmem>> -> memref<1x64x16xf32, #tpu.memory_space<vmem>>
        %dma_start3A_149 = tpu.memref_squeeze %dma_start3A_148 : memref<1x64x16xf32, #tpu.memory_space<vmem>> -> memref<64x16xf32, #tpu.memory_space<vmem>>
        %dma_start3A_150 = arith.constant 0 : i32
        %dma_start3A_151 = tpu.memref_slice %arg11[%dma_start3A_150] : memref<4224xi32, #tpu.memory_space<vmem>> -> memref<64xi32, #tpu.memory_space<vmem>>
        %dma_start3A_152 = arith.constant 0 : i32
        %dma_start3A_153 = arith.constant 0 : i32
        %dma_start3A_154 = tpu.memref_slice %arg5[%dma_start3A_152, %dma_start3A_153] : memref<100352x16xf32, #tpu.memory_space<hbm>> -> memref<100352x16xf32, #tpu.memory_space<hbm>>
        %dma_start3A_155 = tpu.memref_slice %arg16[%dma_start3A_145] : memref<2x!tpu.dma_semaphore, #tpu.memory_space<semaphore_mem>> -> memref<1x!tpu.dma_semaphore, #tpu.memory_space<semaphore_mem>>
        %dma_start3A_156 = tpu.memref_squeeze %dma_start3A_155 : memref<1x!tpu.dma_semaphore, #tpu.memory_space<semaphore_mem>> -> memref<!tpu.dma_semaphore, #tpu.memory_space<semaphore_mem>>
        tpu.enqueue_indirect_dma source(%dma_start3A_154 : memref<100352x16xf32, #tpu.memory_space<hbm>>) target(%dma_start3A_149 : memref<64x16xf32, #tpu.memory_space<vmem>>) offsets(%dma_start3A_151 : memref<64xi32, #tpu.memory_space<vmem>>) semaphore(%dma_start3A_156 : memref<!tpu.dma_semaphore, #tpu.memory_space<semaphore_mem>>)
        %dma_start3A_157 = arith.constant 0 : i32
        %dma_start3A_158 = arith.constant 0 : i32
        %dma_start3A_159 = arith.constant 0 : i32
        %dma_start3A_160 = arith.constant 0 : i32
        %dma_start3A_161 = tpu.memref_slice %arg14[%dma_start3A_157, %dma_start3A_159, %dma_start3A_160] : memref<2x64x16xf32, #tpu.memory_space<vmem>> -> memref<1x64x16xf32, #tpu.memory_space<vmem>>
        %dma_start3A_162 = tpu.memref_squeeze %dma_start3A_161 : memref<1x64x16xf32, #tpu.memory_space<vmem>> -> memref<64x16xf32, #tpu.memory_space<vmem>>
        %dma_start3A_163 = arith.constant 0 : i32
        %dma_start3A_164 = tpu.memref_slice %arg12[%dma_start3A_163] : memref<4224xi32, #tpu.memory_space<vmem>> -> memref<64xi32, #tpu.memory_space<vmem>>
        %dma_start3A_165 = arith.constant 0 : i32
        %dma_start3A_166 = arith.constant 0 : i32
        %dma_start3A_167 = tpu.memref_slice %arg6[%dma_start3A_165, %dma_start3A_166] : memref<100352x16xf32, #tpu.memory_space<hbm>> -> memref<100352x16xf32, #tpu.memory_space<hbm>>
        %dma_start3A_168 = tpu.memref_slice %arg17[%dma_start3A_158] : memref<2x!tpu.dma_semaphore, #tpu.memory_space<semaphore_mem>> -> memref<1x!tpu.dma_semaphore, #tpu.memory_space<semaphore_mem>>
        %dma_start3A_169 = tpu.memref_squeeze %dma_start3A_168 : memref<1x!tpu.dma_semaphore, #tpu.memory_space<semaphore_mem>> -> memref<!tpu.dma_semaphore, #tpu.memory_space<semaphore_mem>>
        tpu.enqueue_indirect_dma source(%dma_start3A_167 : memref<100352x16xf32, #tpu.memory_space<hbm>>) target(%dma_start3A_162 : memref<64x16xf32, #tpu.memory_space<vmem>>) offsets(%dma_start3A_164 : memref<64xi32, #tpu.memory_space<vmem>>) semaphore(%dma_start3A_169 : memref<!tpu.dma_semaphore, #tpu.memory_space<semaphore_mem>>)
      } else {
      }
      %while3A = arith.constant 0 : i32
      %while3A_134 = arith.subi %shift_right_logical3A_129, %while3A : i32
      %while3A_135 = arith.addi %while3A, %while3A_134 : i32
      %while3A_136 = arith.constant 1 : i32
      %while3A_137 = arith.divsi %while3A_134, %while3A_136 : i32
      %while3A_138 = arith.muli %while3A_137, %while3A_136 : i32
      %while3A_139 = arith.addi %while3A, %while3A_138 : i32
      %while3A_140 = arith.constant 1 : i32
      %while3A_141 = scf.for %while3A_144 = %while3A to %while3A_139 step %while3A_140 iter_args(%while3A_145 = %scan3A_56) -> (vector<16xf32>)  : i32 {
        %add3A_146 = arith.constant 1 : i32
        %add3A_147 = arith.addi %while3A_144, %add3A_146 : i32
        %lt3A_148 = arith.cmpi slt, %add3A_147, %shift_right_logical3A_129 : i32
        %convert_element_type3A_149 = arith.extui %lt3A_148 : i1 to i32
        %cond3A_150 = arith.constant 0 : i32
        %cond3A_151 = arith.cmpi ne, %convert_element_type3A_149, %cond3A_150 : i32
        scf.if %cond3A_151 {
          %add3A_184 = arith.constant 1 : i32
          %add3A_185 = arith.addi %while3A_144, %add3A_184 : i32
          %and3A_186 = arith.constant 1 : i32
          %and3A_187 = arith.andi %add3A_185, %and3A_186 : i32
          %mul3A_188 = arith.constant 64 : i32
          %mul3A_189 = arith.muli %add3A_185, %mul3A_188 : i32
          %dma_start3A_190 = arith.constant 0 : i32
          %dma_start3A_191 = arith.constant 0 : i32
          %dma_start3A_192 = tpu.memref_slice %arg13[%and3A_187, %dma_start3A_190, %dma_start3A_191] : memref<2x64x16xf32, #tpu.memory_space<vmem>> -> memref<1x64x16xf32, #tpu.memory_space<vmem>>
          %dma_start3A_193 = tpu.memref_squeeze %dma_start3A_192 : memref<1x64x16xf32, #tpu.memory_space<vmem>> -> memref<64x16xf32, #tpu.memory_space<vmem>>
          %dma_start3A_194 = tpu.memref_slice %arg11[%mul3A_189] : memref<4224xi32, #tpu.memory_space<vmem>> -> memref<64xi32, #tpu.memory_space<vmem>>
          %dma_start3A_195 = arith.constant 0 : i32
          %dma_start3A_196 = arith.constant 0 : i32
          %dma_start3A_197 = tpu.memref_slice %arg5[%dma_start3A_195, %dma_start3A_196] : memref<100352x16xf32, #tpu.memory_space<hbm>> -> memref<100352x16xf32, #tpu.memory_space<hbm>>
          %dma_start3A_198 = tpu.memref_slice %arg16[%and3A_187] : memref<2x!tpu.dma_semaphore, #tpu.memory_space<semaphore_mem>> -> memref<1x!tpu.dma_semaphore, #tpu.memory_space<semaphore_mem>>
          %dma_start3A_199 = tpu.memref_squeeze %dma_start3A_198 : memref<1x!tpu.dma_semaphore, #tpu.memory_space<semaphore_mem>> -> memref<!tpu.dma_semaphore, #tpu.memory_space<semaphore_mem>>
          tpu.enqueue_indirect_dma source(%dma_start3A_197 : memref<100352x16xf32, #tpu.memory_space<hbm>>) target(%dma_start3A_193 : memref<64x16xf32, #tpu.memory_space<vmem>>) offsets(%dma_start3A_194 : memref<64xi32, #tpu.memory_space<vmem>>) semaphore(%dma_start3A_199 : memref<!tpu.dma_semaphore, #tpu.memory_space<semaphore_mem>>)
          %mul3A_200 = arith.constant 64 : i32
          %mul3A_201 = arith.muli %add3A_185, %mul3A_200 : i32
          %dma_start3A_202 = arith.constant 0 : i32
          %dma_start3A_203 = arith.constant 0 : i32
          %dma_start3A_204 = tpu.memref_slice %arg14[%and3A_187, %dma_start3A_202, %dma_start3A_203] : memref<2x64x16xf32, #tpu.memory_space<vmem>> -> memref<1x64x16xf32, #tpu.memory_space<vmem>>
          %dma_start3A_205 = tpu.memref_squeeze %dma_start3A_204 : memref<1x64x16xf32, #tpu.memory_space<vmem>> -> memref<64x16xf32, #tpu.memory_space<vmem>>
          %dma_start3A_206 = tpu.memref_slice %arg12[%mul3A_201] : memref<4224xi32, #tpu.memory_space<vmem>> -> memref<64xi32, #tpu.memory_space<vmem>>
          %dma_start3A_207 = arith.constant 0 : i32
          %dma_start3A_208 = arith.constant 0 : i32
          %dma_start3A_209 = tpu.memref_slice %arg6[%dma_start3A_207, %dma_start3A_208] : memref<100352x16xf32, #tpu.memory_space<hbm>> -> memref<100352x16xf32, #tpu.memory_space<hbm>>
          %dma_start3A_210 = tpu.memref_slice %arg17[%and3A_187] : memref<2x!tpu.dma_semaphore, #tpu.memory_space<semaphore_mem>> -> memref<1x!tpu.dma_semaphore, #tpu.memory_space<semaphore_mem>>
          %dma_start3A_211 = tpu.memref_squeeze %dma_start3A_210 : memref<1x!tpu.dma_semaphore, #tpu.memory_space<semaphore_mem>> -> memref<!tpu.dma_semaphore, #tpu.memory_space<semaphore_mem>>
          tpu.enqueue_indirect_dma source(%dma_start3A_209 : memref<100352x16xf32, #tpu.memory_space<hbm>>) target(%dma_start3A_205 : memref<64x16xf32, #tpu.memory_space<vmem>>) offsets(%dma_start3A_206 : memref<64xi32, #tpu.memory_space<vmem>>) semaphore(%dma_start3A_211 : memref<!tpu.dma_semaphore, #tpu.memory_space<semaphore_mem>>)
        } else {
        }
        %and3A_152 = arith.constant 1 : i32
        %and3A_153 = arith.andi %while3A_144, %and3A_152 : i32
        %mul3A_154 = arith.constant 64 : i32
        %mul3A_155 = arith.muli %while3A_144, %mul3A_154 : i32
        %dma_wait3A_156 = arith.constant 0 : i32
        %dma_wait3A_157 = arith.constant 0 : i32
        %dma_wait3A_158 = tpu.memref_slice %arg13[%and3A_153, %dma_wait3A_156, %dma_wait3A_157] : memref<2x64x16xf32, #tpu.memory_space<vmem>> -> memref<1x64x16xf32, #tpu.memory_space<vmem>>
        %dma_wait3A_159 = tpu.memref_squeeze %dma_wait3A_158 : memref<1x64x16xf32, #tpu.memory_space<vmem>> -> memref<64x16xf32, #tpu.memory_space<vmem>>
        %dma_wait3A_160 = tpu.memref_slice %arg11[%mul3A_155] : memref<4224xi32, #tpu.memory_space<vmem>> -> memref<64xi32, #tpu.memory_space<vmem>>
        %dma_wait3A_161 = arith.constant 0 : i32
        %dma_wait3A_162 = arith.constant 0 : i32
        %dma_wait3A_163 = tpu.memref_slice %arg5[%dma_wait3A_161, %dma_wait3A_162] : memref<100352x16xf32, #tpu.memory_space<hbm>> -> memref<100352x16xf32, #tpu.memory_space<hbm>>
        %dma_wait3A_164 = tpu.memref_slice %arg16[%and3A_153] : memref<2x!tpu.dma_semaphore, #tpu.memory_space<semaphore_mem>> -> memref<1x!tpu.dma_semaphore, #tpu.memory_space<semaphore_mem>>
        %dma_wait3A_165 = tpu.memref_squeeze %dma_wait3A_164 : memref<1x!tpu.dma_semaphore, #tpu.memory_space<semaphore_mem>> -> memref<!tpu.dma_semaphore, #tpu.memory_space<semaphore_mem>>
        tpu.wait_indirect_dma semaphore(%dma_wait3A_165 : memref<!tpu.dma_semaphore, #tpu.memory_space<semaphore_mem>>) src(%dma_wait3A_163 : memref<100352x16xf32, #tpu.memory_space<hbm>>) dst(%dma_wait3A_159 : memref<64x16xf32, #tpu.memory_space<vmem>>)
        %mul3A_166 = arith.constant 64 : i32
        %mul3A_167 = arith.muli %while3A_144, %mul3A_166 : i32
        %dma_wait3A_168 = arith.constant 0 : i32
        %dma_wait3A_169 = arith.constant 0 : i32
        %dma_wait3A_170 = tpu.memref_slice %arg14[%and3A_153, %dma_wait3A_168, %dma_wait3A_169] : memref<2x64x16xf32, #tpu.memory_space<vmem>> -> memref<1x64x16xf32, #tpu.memory_space<vmem>>
        %dma_wait3A_171 = tpu.memref_squeeze %dma_wait3A_170 : memref<1x64x16xf32, #tpu.memory_space<vmem>> -> memref<64x16xf32, #tpu.memory_space<vmem>>
        %dma_wait3A_172 = tpu.memref_slice %arg12[%mul3A_167] : memref<4224xi32, #tpu.memory_space<vmem>> -> memref<64xi32, #tpu.memory_space<vmem>>
        %dma_wait3A_173 = arith.constant 0 : i32
        %dma_wait3A_174 = arith.constant 0 : i32
        %dma_wait3A_175 = tpu.memref_slice %arg6[%dma_wait3A_173, %dma_wait3A_174] : memref<100352x16xf32, #tpu.memory_space<hbm>> -> memref<100352x16xf32, #tpu.memory_space<hbm>>
        %dma_wait3A_176 = tpu.memref_slice %arg17[%and3A_153] : memref<2x!tpu.dma_semaphore, #tpu.memory_space<semaphore_mem>> -> memref<1x!tpu.dma_semaphore, #tpu.memory_space<semaphore_mem>>
        %dma_wait3A_177 = tpu.memref_squeeze %dma_wait3A_176 : memref<1x!tpu.dma_semaphore, #tpu.memory_space<semaphore_mem>> -> memref<!tpu.dma_semaphore, #tpu.memory_space<semaphore_mem>>
        tpu.wait_indirect_dma semaphore(%dma_wait3A_177 : memref<!tpu.dma_semaphore, #tpu.memory_space<semaphore_mem>>) src(%dma_wait3A_175 : memref<100352x16xf32, #tpu.memory_space<hbm>>) dst(%dma_wait3A_171 : memref<64x16xf32, #tpu.memory_space<vmem>>)
        %scan3A_178 = arith.constant 0 : i32
        %scan3A_179 = arith.constant 64 : i32
        %scan3A_180 = arith.addi %scan3A_178, %scan3A_179 : i32
        %scan3A_181 = arith.constant 4 : i32
        %scan3A_182 = scf.for %scan3A_184 = %scan3A_178 to %scan3A_180 step %scan3A_181 iter_args(%scan3A_185 = %while3A_145) -> (vector<16xf32>)  : i32 {
          %get3A = arith.index_cast %and3A_153 : i32 to index
          %get3A_186 = arith.index_cast %scan3A_184 : i32 to index
          %get3A_187 = arith.constant 0 : index
          %get3A_188 = tpu.vector_load %arg13[%get3A, %get3A_186, %get3A_187] {strides = array<i32>} : memref<2x64x16xf32, #tpu.memory_space<vmem>>, vector<16xf32>,
          %get3A_189 = arith.index_cast %and3A_153 : i32 to index
          %get3A_190 = arith.index_cast %scan3A_184 : i32 to index
          %get3A_191 = arith.constant 0 : index
          %get3A_192 = tpu.vector_load %arg14[%get3A_189, %get3A_190, %get3A_191] {strides = array<i32>} : memref<2x64x16xf32, #tpu.memory_space<vmem>>, vector<16xf32>,
          %mul3A_193 = arith.mulf %get3A_188, %get3A_192 : vector<16xf32>
          %add3A_194 = arith.addf %scan3A_185, %mul3A_193 : vector<16xf32>
          %scan3A_195 = arith.constant 1 : i32
          %scan3A_196 = arith.addi %scan3A_184, %scan3A_195 : i32
          %get3A_197 = arith.index_cast %and3A_153 : i32 to index
          %get3A_198 = arith.index_cast %scan3A_196 : i32 to index
          %get3A_199 = arith.constant 0 : index
          %get3A_200 = tpu.vector_load %arg13[%get3A_197, %get3A_198, %get3A_199] {strides = array<i32>} : memref<2x64x16xf32, #tpu.memory_space<vmem>>, vector<16xf32>,
          %get3A_201 = arith.index_cast %and3A_153 : i32 to index
          %get3A_202 = arith.index_cast %scan3A_196 : i32 to index
          %get3A_203 = arith.constant 0 : index
          %get3A_204 = tpu.vector_load %arg14[%get3A_201, %get3A_202, %get3A_203] {strides = array<i32>} : memref<2x64x16xf32, #tpu.memory_space<vmem>>, vector<16xf32>,
          %mul3A_205 = arith.mulf %get3A_200, %get3A_204 : vector<16xf32>
          %add3A_206 = arith.addf %add3A_194, %mul3A_205 : vector<16xf32>
          %scan3A_207 = arith.constant 2 : i32
          %scan3A_208 = arith.addi %scan3A_184, %scan3A_207 : i32
          %get3A_209 = arith.index_cast %and3A_153 : i32 to index
          %get3A_210 = arith.index_cast %scan3A_208 : i32 to index
          %get3A_211 = arith.constant 0 : index
          %get3A_212 = tpu.vector_load %arg13[%get3A_209, %get3A_210, %get3A_211] {strides = array<i32>} : memref<2x64x16xf32, #tpu.memory_space<vmem>>, vector<16xf32>,
          %get3A_213 = arith.index_cast %and3A_153 : i32 to index
          %get3A_214 = arith.index_cast %scan3A_208 : i32 to index
          %get3A_215 = arith.constant 0 : index
          %get3A_216 = tpu.vector_load %arg14[%get3A_213, %get3A_214, %get3A_215] {strides = array<i32>} : memref<2x64x16xf32, #tpu.memory_space<vmem>>, vector<16xf32>,
          %mul3A_217 = arith.mulf %get3A_212, %get3A_216 : vector<16xf32>
          %add3A_218 = arith.addf %add3A_206, %mul3A_217 : vector<16xf32>
          %scan3A_219 = arith.constant 3 : i32
          %scan3A_220 = arith.addi %scan3A_184, %scan3A_219 : i32
          %get3A_221 = arith.index_cast %and3A_153 : i32 to index
          %get3A_222 = arith.index_cast %scan3A_220 : i32 to index
          %get3A_223 = arith.constant 0 : index
          %get3A_224 = tpu.vector_load %arg13[%get3A_221, %get3A_222, %get3A_223] {strides = array<i32>} : memref<2x64x16xf32, #tpu.memory_space<vmem>>, vector<16xf32>,
          %get3A_225 = arith.index_cast %and3A_153 : i32 to index
          %get3A_226 = arith.index_cast %scan3A_220 : i32 to index
          %get3A_227 = arith.constant 0 : index
          %get3A_228 = tpu.vector_load %arg14[%get3A_225, %get3A_226, %get3A_227] {strides = array<i32>} : memref<2x64x16xf32, #tpu.memory_space<vmem>>, vector<16xf32>,
          %mul3A_229 = arith.mulf %get3A_224, %get3A_228 : vector<16xf32>
          %add3A_230 = arith.addf %add3A_218, %mul3A_229 : vector<16xf32>
          scf.yield %add3A_230 : vector<16xf32>
        }
        %scan3A_183 = arith.constant 64 : i32
        scf.yield %scan3A_182 : vector<16xf32>
      }
      %while3A_142 = arith.constant 1 : i32
      %while3A_143 = scf.for %while3A_144 = %while3A_139 to %while3A_135 step %while3A_142 iter_args(%while3A_145 = %while3A_141) -> (vector<16xf32>)  : i32 {
        %add3A_146 = arith.constant 1 : i32
        %add3A_147 = arith.addi %while3A_144, %add3A_146 : i32
        %lt3A_148 = arith.cmpi slt, %add3A_147, %shift_right_logical3A_129 : i32
        %convert_element_type3A_149 = arith.extui %lt3A_148 : i1 to i32
        %cond3A_150 = arith.constant 0 : i32
        %cond3A_151 = arith.cmpi ne, %convert_element_type3A_149, %cond3A_150 : i32
        scf.if %cond3A_151 {
          %add3A_184 = arith.constant 1 : i32
          %add3A_185 = arith.addi %while3A_144, %add3A_184 : i32
          %and3A_186 = arith.constant 1 : i32
          %and3A_187 = arith.andi %add3A_185, %and3A_186 : i32
          %mul3A_188 = arith.constant 64 : i32
          %mul3A_189 = arith.muli %add3A_185, %mul3A_188 : i32
          %dma_start3A_190 = arith.constant 0 : i32
          %dma_start3A_191 = arith.constant 0 : i32
          %dma_start3A_192 = tpu.memref_slice %arg13[%and3A_187, %dma_start3A_190, %dma_start3A_191] : memref<2x64x16xf32, #tpu.memory_space<vmem>> -> memref<1x64x16xf32, #tpu.memory_space<vmem>>
          %dma_start3A_193 = tpu.memref_squeeze %dma_start3A_192 : memref<1x64x16xf32, #tpu.memory_space<vmem>> -> memref<64x16xf32, #tpu.memory_space<vmem>>
          %dma_start3A_194 = tpu.memref_slice %arg11[%mul3A_189] : memref<4224xi32, #tpu.memory_space<vmem>> -> memref<64xi32, #tpu.memory_space<vmem>>
          %dma_start3A_195 = arith.constant 0 : i32
          %dma_start3A_196 = arith.constant 0 : i32
          %dma_start3A_197 = tpu.memref_slice %arg5[%dma_start3A_195, %dma_start3A_196] : memref<100352x16xf32, #tpu.memory_space<hbm>> -> memref<100352x16xf32, #tpu.memory_space<hbm>>
          %dma_start3A_198 = tpu.memref_slice %arg16[%and3A_187] : memref<2x!tpu.dma_semaphore, #tpu.memory_space<semaphore_mem>> -> memref<1x!tpu.dma_semaphore, #tpu.memory_space<semaphore_mem>>
          %dma_start3A_199 = tpu.memref_squeeze %dma_start3A_198 : memref<1x!tpu.dma_semaphore, #tpu.memory_space<semaphore_mem>> -> memref<!tpu.dma_semaphore, #tpu.memory_space<semaphore_mem>>
          tpu.enqueue_indirect_dma source(%dma_start3A_197 : memref<100352x16xf32, #tpu.memory_space<hbm>>) target(%dma_start3A_193 : memref<64x16xf32, #tpu.memory_space<vmem>>) offsets(%dma_start3A_194 : memref<64xi32, #tpu.memory_space<vmem>>) semaphore(%dma_start3A_199 : memref<!tpu.dma_semaphore, #tpu.memory_space<semaphore_mem>>)
          %mul3A_200 = arith.constant 64 : i32
          %mul3A_201 = arith.muli %add3A_185, %mul3A_200 : i32
          %dma_start3A_202 = arith.constant 0 : i32
          %dma_start3A_203 = arith.constant 0 : i32
          %dma_start3A_204 = tpu.memref_slice %arg14[%and3A_187, %dma_start3A_202, %dma_start3A_203] : memref<2x64x16xf32, #tpu.memory_space<vmem>> -> memref<1x64x16xf32, #tpu.memory_space<vmem>>
          %dma_start3A_205 = tpu.memref_squeeze %dma_start3A_204 : memref<1x64x16xf32, #tpu.memory_space<vmem>> -> memref<64x16xf32, #tpu.memory_space<vmem>>
          %dma_start3A_206 = tpu.memref_slice %arg12[%mul3A_201] : memref<4224xi32, #tpu.memory_space<vmem>> -> memref<64xi32, #tpu.memory_space<vmem>>
          %dma_start3A_207 = arith.constant 0 : i32
          %dma_start3A_208 = arith.constant 0 : i32
          %dma_start3A_209 = tpu.memref_slice %arg6[%dma_start3A_207, %dma_start3A_208] : memref<100352x16xf32, #tpu.memory_space<hbm>> -> memref<100352x16xf32, #tpu.memory_space<hbm>>
          %dma_start3A_210 = tpu.memref_slice %arg17[%and3A_187] : memref<2x!tpu.dma_semaphore, #tpu.memory_space<semaphore_mem>> -> memref<1x!tpu.dma_semaphore, #tpu.memory_space<semaphore_mem>>
          %dma_start3A_211 = tpu.memref_squeeze %dma_start3A_210 : memref<1x!tpu.dma_semaphore, #tpu.memory_space<semaphore_mem>> -> memref<!tpu.dma_semaphore, #tpu.memory_space<semaphore_mem>>
          tpu.enqueue_indirect_dma source(%dma_start3A_209 : memref<100352x16xf32, #tpu.memory_space<hbm>>) target(%dma_start3A_205 : memref<64x16xf32, #tpu.memory_space<vmem>>) offsets(%dma_start3A_206 : memref<64xi32, #tpu.memory_space<vmem>>) semaphore(%dma_start3A_211 : memref<!tpu.dma_semaphore, #tpu.memory_space<semaphore_mem>>)
        } else {
        }
        %and3A_152 = arith.constant 1 : i32
        %and3A_153 = arith.andi %while3A_144, %and3A_152 : i32
        %mul3A_154 = arith.constant 64 : i32
        %mul3A_155 = arith.muli %while3A_144, %mul3A_154 : i32
        %dma_wait3A_156 = arith.constant 0 : i32
        %dma_wait3A_157 = arith.constant 0 : i32
        %dma_wait3A_158 = tpu.memref_slice %arg13[%and3A_153, %dma_wait3A_156, %dma_wait3A_157] : memref<2x64x16xf32, #tpu.memory_space<vmem>> -> memref<1x64x16xf32, #tpu.memory_space<vmem>>
        %dma_wait3A_159 = tpu.memref_squeeze %dma_wait3A_158 : memref<1x64x16xf32, #tpu.memory_space<vmem>> -> memref<64x16xf32, #tpu.memory_space<vmem>>
        %dma_wait3A_160 = tpu.memref_slice %arg11[%mul3A_155] : memref<4224xi32, #tpu.memory_space<vmem>> -> memref<64xi32, #tpu.memory_space<vmem>>
        %dma_wait3A_161 = arith.constant 0 : i32
        %dma_wait3A_162 = arith.constant 0 : i32
        %dma_wait3A_163 = tpu.memref_slice %arg5[%dma_wait3A_161, %dma_wait3A_162] : memref<100352x16xf32, #tpu.memory_space<hbm>> -> memref<100352x16xf32, #tpu.memory_space<hbm>>
        %dma_wait3A_164 = tpu.memref_slice %arg16[%and3A_153] : memref<2x!tpu.dma_semaphore, #tpu.memory_space<semaphore_mem>> -> memref<1x!tpu.dma_semaphore, #tpu.memory_space<semaphore_mem>>
        %dma_wait3A_165 = tpu.memref_squeeze %dma_wait3A_164 : memref<1x!tpu.dma_semaphore, #tpu.memory_space<semaphore_mem>> -> memref<!tpu.dma_semaphore, #tpu.memory_space<semaphore_mem>>
        tpu.wait_indirect_dma semaphore(%dma_wait3A_165 : memref<!tpu.dma_semaphore, #tpu.memory_space<semaphore_mem>>) src(%dma_wait3A_163 : memref<100352x16xf32, #tpu.memory_space<hbm>>) dst(%dma_wait3A_159 : memref<64x16xf32, #tpu.memory_space<vmem>>)
        %mul3A_166 = arith.constant 64 : i32
        %mul3A_167 = arith.muli %while3A_144, %mul3A_166 : i32
        %dma_wait3A_168 = arith.constant 0 : i32
        %dma_wait3A_169 = arith.constant 0 : i32
        %dma_wait3A_170 = tpu.memref_slice %arg14[%and3A_153, %dma_wait3A_168, %dma_wait3A_169] : memref<2x64x16xf32, #tpu.memory_space<vmem>> -> memref<1x64x16xf32, #tpu.memory_space<vmem>>
        %dma_wait3A_171 = tpu.memref_squeeze %dma_wait3A_170 : memref<1x64x16xf32, #tpu.memory_space<vmem>> -> memref<64x16xf32, #tpu.memory_space<vmem>>
        %dma_wait3A_172 = tpu.memref_slice %arg12[%mul3A_167] : memref<4224xi32, #tpu.memory_space<vmem>> -> memref<64xi32, #tpu.memory_space<vmem>>
        %dma_wait3A_173 = arith.constant 0 : i32
        %dma_wait3A_174 = arith.constant 0 : i32
        %dma_wait3A_175 = tpu.memref_slice %arg6[%dma_wait3A_173, %dma_wait3A_174] : memref<100352x16xf32, #tpu.memory_space<hbm>> -> memref<100352x16xf32, #tpu.memory_space<hbm>>
        %dma_wait3A_176 = tpu.memref_slice %arg17[%and3A_153] : memref<2x!tpu.dma_semaphore, #tpu.memory_space<semaphore_mem>> -> memref<1x!tpu.dma_semaphore, #tpu.memory_space<semaphore_mem>>
        %dma_wait3A_177 = tpu.memref_squeeze %dma_wait3A_176 : memref<1x!tpu.dma_semaphore, #tpu.memory_space<semaphore_mem>> -> memref<!tpu.dma_semaphore, #tpu.memory_space<semaphore_mem>>
        tpu.wait_indirect_dma semaphore(%dma_wait3A_177 : memref<!tpu.dma_semaphore, #tpu.memory_space<semaphore_mem>>) src(%dma_wait3A_175 : memref<100352x16xf32, #tpu.memory_space<hbm>>) dst(%dma_wait3A_171 : memref<64x16xf32, #tpu.memory_space<vmem>>)
        %scan3A_178 = arith.constant 0 : i32
        %scan3A_179 = arith.constant 64 : i32
        %scan3A_180 = arith.addi %scan3A_178, %scan3A_179 : i32
        %scan3A_181 = arith.constant 4 : i32
        %scan3A_182 = scf.for %scan3A_184 = %scan3A_178 to %scan3A_180 step %scan3A_181 iter_args(%scan3A_185 = %while3A_145) -> (vector<16xf32>)  : i32 {
          %get3A = arith.index_cast %and3A_153 : i32 to index
          %get3A_186 = arith.index_cast %scan3A_184 : i32 to index
          %get3A_187 = arith.constant 0 : index
          %get3A_188 = tpu.vector_load %arg13[%get3A, %get3A_186, %get3A_187] {strides = array<i32>} : memref<2x64x16xf32, #tpu.memory_space<vmem>>, vector<16xf32>,
          %get3A_189 = arith.index_cast %and3A_153 : i32 to index
          %get3A_190 = arith.index_cast %scan3A_184 : i32 to index
          %get3A_191 = arith.constant 0 : index
          %get3A_192 = tpu.vector_load %arg14[%get3A_189, %get3A_190, %get3A_191] {strides = array<i32>} : memref<2x64x16xf32, #tpu.memory_space<vmem>>, vector<16xf32>,
          %mul3A_193 = arith.mulf %get3A_188, %get3A_192 : vector<16xf32>
          %add3A_194 = arith.addf %scan3A_185, %mul3A_193 : vector<16xf32>
          %scan3A_195 = arith.constant 1 : i32
          %scan3A_196 = arith.addi %scan3A_184, %scan3A_195 : i32
          %get3A_197 = arith.index_cast %and3A_153 : i32 to index
          %get3A_198 = arith.index_cast %scan3A_196 : i32 to index
          %get3A_199 = arith.constant 0 : index
          %get3A_200 = tpu.vector_load %arg13[%get3A_197, %get3A_198, %get3A_199] {strides = array<i32>} : memref<2x64x16xf32, #tpu.memory_space<vmem>>, vector<16xf32>,
          %get3A_201 = arith.index_cast %and3A_153 : i32 to index
          %get3A_202 = arith.index_cast %scan3A_196 : i32 to index
          %get3A_203 = arith.constant 0 : index
          %get3A_204 = tpu.vector_load %arg14[%get3A_201, %get3A_202, %get3A_203] {strides = array<i32>} : memref<2x64x16xf32, #tpu.memory_space<vmem>>, vector<16xf32>,
          %mul3A_205 = arith.mulf %get3A_200, %get3A_204 : vector<16xf32>
          %add3A_206 = arith.addf %add3A_194, %mul3A_205 : vector<16xf32>
          %scan3A_207 = arith.constant 2 : i32
          %scan3A_208 = arith.addi %scan3A_184, %scan3A_207 : i32
          %get3A_209 = arith.index_cast %and3A_153 : i32 to index
          %get3A_210 = arith.index_cast %scan3A_208 : i32 to index
          %get3A_211 = arith.constant 0 : index
          %get3A_212 = tpu.vector_load %arg13[%get3A_209, %get3A_210, %get3A_211] {strides = array<i32>} : memref<2x64x16xf32, #tpu.memory_space<vmem>>, vector<16xf32>,
          %get3A_213 = arith.index_cast %and3A_153 : i32 to index
          %get3A_214 = arith.index_cast %scan3A_208 : i32 to index
          %get3A_215 = arith.constant 0 : index
          %get3A_216 = tpu.vector_load %arg14[%get3A_213, %get3A_214, %get3A_215] {strides = array<i32>} : memref<2x64x16xf32, #tpu.memory_space<vmem>>, vector<16xf32>,
          %mul3A_217 = arith.mulf %get3A_212, %get3A_216 : vector<16xf32>
          %add3A_218 = arith.addf %add3A_206, %mul3A_217 : vector<16xf32>
          %scan3A_219 = arith.constant 3 : i32
          %scan3A_220 = arith.addi %scan3A_184, %scan3A_219 : i32
          %get3A_221 = arith.index_cast %and3A_153 : i32 to index
          %get3A_222 = arith.index_cast %scan3A_220 : i32 to index
          %get3A_223 = arith.constant 0 : index
          %get3A_224 = tpu.vector_load %arg13[%get3A_221, %get3A_222, %get3A_223] {strides = array<i32>} : memref<2x64x16xf32, #tpu.memory_space<vmem>>, vector<16xf32>,
          %get3A_225 = arith.index_cast %and3A_153 : i32 to index
          %get3A_226 = arith.index_cast %scan3A_220 : i32 to index
          %get3A_227 = arith.constant 0 : index
          %get3A_228 = tpu.vector_load %arg14[%get3A_225, %get3A_226, %get3A_227] {strides = array<i32>} : memref<2x64x16xf32, #tpu.memory_space<vmem>>, vector<16xf32>,
          %mul3A_229 = arith.mulf %get3A_224, %get3A_228 : vector<16xf32>
          %add3A_230 = arith.addf %add3A_218, %mul3A_229 : vector<16xf32>
          scf.yield %add3A_230 : vector<16xf32>
        }
        %scan3A_183 = arith.constant 64 : i32
        scf.yield %scan3A_182 : vector<16xf32>
      }
      scf.yield %scan3A_93#1, %scan3A_93#2, %while3A_143 : vector<16xi32>, vector<16xf32>, vector<16xf32>
    }
    %scan3A_41 = arith.constant 25 : i32
    %convert_element_type3A = arith.sitofp %scan3A_40#0 : vector<16xi32> to vector<16xf32>
    %swap3A = arith.constant 0 : i32
    %swap3A_42 = arith.index_cast %swap3A : i32 to index
    %swap3A_43 = arith.constant 0 : index
    %swap3A_44 = tpu.vector_load %arg15[%swap3A_42, %swap3A_43] {strides = array<i32>} : memref<3x16xf32, #tpu.memory_space<vmem>>, vector<16xf32>,
    tpu.vector_store %arg15[%swap3A_42, %swap3A_43], %convert_element_type3A {strides = array<i32>} : memref<3x16xf32, #tpu.memory_space<vmem>>, vector<16xf32>,
    %swap3A_45 = arith.constant 1 : i32
    %swap3A_46 = arith.index_cast %swap3A_45 : i32 to index
    %swap3A_47 = arith.constant 0 : index
    %swap3A_48 = tpu.vector_load %arg15[%swap3A_46, %swap3A_47] {strides = array<i32>} : memref<3x16xf32, #tpu.memory_space<vmem>>, vector<16xf32>,
    tpu.vector_store %arg15[%swap3A_46, %swap3A_47], %scan3A_40#1 {strides = array<i32>} : memref<3x16xf32, #tpu.memory_space<vmem>>, vector<16xf32>,
    %swap3A_49 = arith.constant 2 : i32
    %swap3A_50 = arith.index_cast %swap3A_49 : i32 to index
    %swap3A_51 = arith.constant 0 : index
    %swap3A_52 = tpu.vector_load %arg15[%swap3A_50, %swap3A_51] {strides = array<i32>} : memref<3x16xf32, #tpu.memory_space<vmem>>, vector<16xf32>,
    tpu.vector_store %arg15[%swap3A_50, %swap3A_51], %scan3A_40#2 {strides = array<i32>} : memref<3x16xf32, #tpu.memory_space<vmem>>, vector<16xf32>,
    "tpu.region"() ({
      %run_scoped3A = tpu.sem_alloc : memref<!tpu.dma_semaphore, #tpu.memory_space<semaphore_mem>>
      %dma_start3A_53 = arith.constant 0 : i32
      %dma_start3A_54 = arith.constant 0 : i32
      %dma_start3A_55 = tpu.memref_slice %arg7[%add3A, %dma_start3A_53, %dma_start3A_54] : memref<32x3x16xf32, #tpu.memory_space<hbm>> -> memref<1x3x16xf32, #tpu.memory_space<hbm>>
      %dma_start3A_56 = tpu.memref_squeeze %dma_start3A_55 : memref<1x3x16xf32, #tpu.memory_space<hbm>> -> memref<3x16xf32, #tpu.memory_space<hbm>>
      %dma_start3A_57 = arith.constant 0 : i32
      %dma_start3A_58 = arith.constant 0 : i32
      %dma_start3A_59 = tpu.memref_slice %arg7[%add3A, %dma_start3A_57, %dma_start3A_58] : memref<32x3x16xf32, #tpu.memory_space<hbm>> -> memref<1x3x16xf32, #tpu.memory_space<hbm>>
      %dma_start3A_60 = tpu.memref_squeeze %dma_start3A_59 : memref<1x3x16xf32, #tpu.memory_space<hbm>> -> memref<3x16xf32, #tpu.memory_space<hbm>>
      tpu.enqueue_dma source(%arg15 : memref<3x16xf32, #tpu.memory_space<vmem>>) target(%dma_start3A_60 : memref<3x16xf32, #tpu.memory_space<hbm>>) target_semaphore(%run_scoped3A : memref<!tpu.dma_semaphore, #tpu.memory_space<semaphore_mem>>)
      %dma_wait3A = arith.constant 0 : i32
      %dma_wait3A_61 = arith.constant 0 : i32
      %dma_wait3A_62 = tpu.memref_slice %arg7[%add3A, %dma_wait3A, %dma_wait3A_61] : memref<32x3x16xf32, #tpu.memory_space<hbm>> -> memref<1x3x16xf32, #tpu.memory_space<hbm>>
      %dma_wait3A_63 = tpu.memref_squeeze %dma_wait3A_62 : memref<1x3x16xf32, #tpu.memory_space<hbm>> -> memref<3x16xf32, #tpu.memory_space<hbm>>
      %dma_wait3A_64 = arith.constant 0 : i32
      %dma_wait3A_65 = arith.constant 0 : i32
      %dma_wait3A_66 = tpu.memref_slice %arg7[%add3A, %dma_wait3A_64, %dma_wait3A_65] : memref<32x3x16xf32, #tpu.memory_space<hbm>> -> memref<1x3x16xf32, #tpu.memory_space<hbm>>
      %dma_wait3A_67 = tpu.memref_squeeze %dma_wait3A_66 : memref<1x3x16xf32, #tpu.memory_space<hbm>> -> memref<3x16xf32, #tpu.memory_space<hbm>>
      tpu.wait_dma2 semaphore(%run_scoped3A : memref<!tpu.dma_semaphore, #tpu.memory_space<semaphore_mem>>) src(%arg15 : memref<3x16xf32, #tpu.memory_space<vmem>>) dst(%dma_wait3A_67 : memref<3x16xf32, #tpu.memory_space<hbm>>)
      tpu.yield
    }) : () -> ()
    return
  }
}

#map = affine_map<(d0, d1) -> (0, 0)>
module attributes {stable_mosaic.version = 14 : i64} {
  func.func @_retile_body(%arg0: i32, %arg1: i32, %arg2: memref<16x100352xf32, #tpu.memory_space<hbm>>, %arg3: memref<16x100352xf32, #tpu.memory_space<hbm>>, %arg4: memref<100352x16xf32, #tpu.memory_space<hbm>>, %arg5: memref<100352x16xf32, #tpu.memory_space<hbm>>, %arg6: memref<50176xf32, #tpu.memory_space<vmem>>, %arg7: memref<3136x16xf32, #tpu.memory_space<vmem>>) attributes {dimension_semantics = [#tpu.dimension_semantics<core_parallel>, #tpu.dimension_semantics<subcore_parallel>], iteration_bounds = array<i64: 2, 16>, scalar_prefetch = 0 : i64, scratch_operands = 2 : i64, tpu.core_type = #tpu.core_type<sc_vector_subcore>, window_params = [{transform_indices = #map}, {transform_indices = #map}, {transform_indices = #map}, {transform_indices = #map}]} {
    %mul3A = arith.constant 2 : i32
    %mul3A_0 = arith.muli %arg1, %mul3A : i32
    %add3A = arith.addi %mul3A_0, %arg0 : i32
    %iota3A = tpu.iota {dimensions = array<i32: 0>} : vector<16xi32>
    %mul3A_1 = arith.constant 3136 : i32
    %mul3A_2 = arith.muli %add3A, %mul3A_1 : i32
    %run_scoped3A = arith.constant 0 : i32
    "tpu.region"() ({
      %run_scoped3A_111 = tpu.sem_alloc : memref<!tpu.dma_semaphore, #tpu.memory_space<semaphore_mem>>
      %dma_start3A = arith.constant 0 : i32
      %dma_start3A_112 = tpu.memref_slice %arg6[%dma_start3A] : memref<50176xf32, #tpu.memory_space<vmem>> -> memref<3136xf32, #tpu.memory_space<vmem>>
      %dma_start3A_113 = tpu.memref_slice %arg2[%run_scoped3A, %mul3A_2] : memref<16x100352xf32, #tpu.memory_space<hbm>> -> memref<1x3136xf32, #tpu.memory_space<hbm>>
      %dma_start3A_114 = tpu.memref_squeeze %dma_start3A_113 : memref<1x3136xf32, #tpu.memory_space<hbm>> -> memref<3136xf32, #tpu.memory_space<hbm>>
      %dma_start3A_115 = arith.constant 0 : i32
      %dma_start3A_116 = tpu.memref_slice %arg6[%dma_start3A_115] : memref<50176xf32, #tpu.memory_space<vmem>> -> memref<3136xf32, #tpu.memory_space<vmem>>
      %dma_start3A_117 = tpu.memref_slice %arg2[%run_scoped3A, %mul3A_2] : memref<16x100352xf32, #tpu.memory_space<hbm>> -> memref<1x3136xf32, #tpu.memory_space<hbm>>
      %dma_start3A_118 = tpu.memref_squeeze %dma_start3A_117 : memref<1x3136xf32, #tpu.memory_space<hbm>> -> memref<3136xf32, #tpu.memory_space<hbm>>
      tpu.enqueue_dma source(%dma_start3A_118 : memref<3136xf32, #tpu.memory_space<hbm>>) target(%dma_start3A_116 : memref<3136xf32, #tpu.memory_space<vmem>>) target_semaphore(%run_scoped3A_111 : memref<!tpu.dma_semaphore, #tpu.memory_space<semaphore_mem>>)
      %dma_wait3A = arith.constant 0 : i32
      %dma_wait3A_119 = tpu.memref_slice %arg6[%dma_wait3A] : memref<50176xf32, #tpu.memory_space<vmem>> -> memref<3136xf32, #tpu.memory_space<vmem>>
      %dma_wait3A_120 = tpu.memref_slice %arg2[%run_scoped3A, %mul3A_2] : memref<16x100352xf32, #tpu.memory_space<hbm>> -> memref<1x3136xf32, #tpu.memory_space<hbm>>
      %dma_wait3A_121 = tpu.memref_squeeze %dma_wait3A_120 : memref<1x3136xf32, #tpu.memory_space<hbm>> -> memref<3136xf32, #tpu.memory_space<hbm>>
      %dma_wait3A_122 = arith.constant 0 : i32
      %dma_wait3A_123 = tpu.memref_slice %arg6[%dma_wait3A_122] : memref<50176xf32, #tpu.memory_space<vmem>> -> memref<3136xf32, #tpu.memory_space<vmem>>
      %dma_wait3A_124 = tpu.memref_slice %arg2[%run_scoped3A, %mul3A_2] : memref<16x100352xf32, #tpu.memory_space<hbm>> -> memref<1x3136xf32, #tpu.memory_space<hbm>>
      %dma_wait3A_125 = tpu.memref_squeeze %dma_wait3A_124 : memref<1x3136xf32, #tpu.memory_space<hbm>> -> memref<3136xf32, #tpu.memory_space<hbm>>
      tpu.wait_dma2 semaphore(%run_scoped3A_111 : memref<!tpu.dma_semaphore, #tpu.memory_space<semaphore_mem>>) src(%dma_wait3A_125 : memref<3136xf32, #tpu.memory_space<hbm>>) dst(%dma_wait3A_123 : memref<3136xf32, #tpu.memory_space<vmem>>)
      tpu.yield
    }) : () -> ()
    %mul3A_3 = arith.constant 3136 : i32
    %mul3A_4 = arith.muli %add3A, %mul3A_3 : i32
    %run_scoped3A_5 = arith.constant 1 : i32
    "tpu.region"() ({
      %run_scoped3A_111 = tpu.sem_alloc : memref<!tpu.dma_semaphore, #tpu.memory_space<semaphore_mem>>
      %dma_start3A = arith.constant 3136 : i32
      %dma_start3A_112 = tpu.memref_slice %arg6[%dma_start3A] : memref<50176xf32, #tpu.memory_space<vmem>> -> memref<3136xf32, #tpu.memory_space<vmem>>
      %dma_start3A_113 = tpu.memref_slice %arg2[%run_scoped3A_5, %mul3A_4] : memref<16x100352xf32, #tpu.memory_space<hbm>> -> memref<1x3136xf32, #tpu.memory_space<hbm>>
      %dma_start3A_114 = tpu.memref_squeeze %dma_start3A_113 : memref<1x3136xf32, #tpu.memory_space<hbm>> -> memref<3136xf32, #tpu.memory_space<hbm>>
      %dma_start3A_115 = arith.constant 3136 : i32
      %dma_start3A_116 = tpu.memref_slice %arg6[%dma_start3A_115] : memref<50176xf32, #tpu.memory_space<vmem>> -> memref<3136xf32, #tpu.memory_space<vmem>>
      %dma_start3A_117 = tpu.memref_slice %arg2[%run_scoped3A_5, %mul3A_4] : memref<16x100352xf32, #tpu.memory_space<hbm>> -> memref<1x3136xf32, #tpu.memory_space<hbm>>
      %dma_start3A_118 = tpu.memref_squeeze %dma_start3A_117 : memref<1x3136xf32, #tpu.memory_space<hbm>> -> memref<3136xf32, #tpu.memory_space<hbm>>
      tpu.enqueue_dma source(%dma_start3A_118 : memref<3136xf32, #tpu.memory_space<hbm>>) target(%dma_start3A_116 : memref<3136xf32, #tpu.memory_space<vmem>>) target_semaphore(%run_scoped3A_111 : memref<!tpu.dma_semaphore, #tpu.memory_space<semaphore_mem>>)
      %dma_wait3A = arith.constant 3136 : i32
      %dma_wait3A_119 = tpu.memref_slice %arg6[%dma_wait3A] : memref<50176xf32, #tpu.memory_space<vmem>> -> memref<3136xf32, #tpu.memory_space<vmem>>
      %dma_wait3A_120 = tpu.memref_slice %arg2[%run_scoped3A_5, %mul3A_4] : memref<16x100352xf32, #tpu.memory_space<hbm>> -> memref<1x3136xf32, #tpu.memory_space<hbm>>
      %dma_wait3A_121 = tpu.memref_squeeze %dma_wait3A_120 : memref<1x3136xf32, #tpu.memory_space<hbm>> -> memref<3136xf32, #tpu.memory_space<hbm>>
      %dma_wait3A_122 = arith.constant 3136 : i32
      %dma_wait3A_123 = tpu.memref_slice %arg6[%dma_wait3A_122] : memref<50176xf32, #tpu.memory_space<vmem>> -> memref<3136xf32, #tpu.memory_space<vmem>>
      %dma_wait3A_124 = tpu.memref_slice %arg2[%run_scoped3A_5, %mul3A_4] : memref<16x100352xf32, #tpu.memory_space<hbm>> -> memref<1x3136xf32, #tpu.memory_space<hbm>>
      %dma_wait3A_125 = tpu.memref_squeeze %dma_wait3A_124 : memref<1x3136xf32, #tpu.memory_space<hbm>> -> memref<3136xf32, #tpu.memory_space<hbm>>
      tpu.wait_dma2 semaphore(%run_scoped3A_111 : memref<!tpu.dma_semaphore, #tpu.memory_space<semaphore_mem>>) src(%dma_wait3A_125 : memref<3136xf32, #tpu.memory_space<hbm>>) dst(%dma_wait3A_123 : memref<3136xf32, #tpu.memory_space<vmem>>)
      tpu.yield
    }) : () -> ()
    %mul3A_6 = arith.constant 3136 : i32
    %mul3A_7 = arith.muli %add3A, %mul3A_6 : i32
    %run_scoped3A_8 = arith.constant 2 : i32
    "tpu.region"() ({
      %run_scoped3A_111 = tpu.sem_alloc : memref<!tpu.dma_semaphore, #tpu.memory_space<semaphore_mem>>
      %dma_start3A = arith.constant 6272 : i32
      %dma_start3A_112 = tpu.memref_slice %arg6[%dma_start3A] : memref<50176xf32, #tpu.memory_space<vmem>> -> memref<3136xf32, #tpu.memory_space<vmem>>
      %dma_start3A_113 = tpu.memref_slice %arg2[%run_scoped3A_8, %mul3A_7] : memref<16x100352xf32, #tpu.memory_space<hbm>> -> memref<1x3136xf32, #tpu.memory_space<hbm>>
      %dma_start3A_114 = tpu.memref_squeeze %dma_start3A_113 : memref<1x3136xf32, #tpu.memory_space<hbm>> -> memref<3136xf32, #tpu.memory_space<hbm>>
      %dma_start3A_115 = arith.constant 6272 : i32
      %dma_start3A_116 = tpu.memref_slice %arg6[%dma_start3A_115] : memref<50176xf32, #tpu.memory_space<vmem>> -> memref<3136xf32, #tpu.memory_space<vmem>>
      %dma_start3A_117 = tpu.memref_slice %arg2[%run_scoped3A_8, %mul3A_7] : memref<16x100352xf32, #tpu.memory_space<hbm>> -> memref<1x3136xf32, #tpu.memory_space<hbm>>
      %dma_start3A_118 = tpu.memref_squeeze %dma_start3A_117 : memref<1x3136xf32, #tpu.memory_space<hbm>> -> memref<3136xf32, #tpu.memory_space<hbm>>
      tpu.enqueue_dma source(%dma_start3A_118 : memref<3136xf32, #tpu.memory_space<hbm>>) target(%dma_start3A_116 : memref<3136xf32, #tpu.memory_space<vmem>>) target_semaphore(%run_scoped3A_111 : memref<!tpu.dma_semaphore, #tpu.memory_space<semaphore_mem>>)
      %dma_wait3A = arith.constant 6272 : i32
      %dma_wait3A_119 = tpu.memref_slice %arg6[%dma_wait3A] : memref<50176xf32, #tpu.memory_space<vmem>> -> memref<3136xf32, #tpu.memory_space<vmem>>
      %dma_wait3A_120 = tpu.memref_slice %arg2[%run_scoped3A_8, %mul3A_7] : memref<16x100352xf32, #tpu.memory_space<hbm>> -> memref<1x3136xf32, #tpu.memory_space<hbm>>
      %dma_wait3A_121 = tpu.memref_squeeze %dma_wait3A_120 : memref<1x3136xf32, #tpu.memory_space<hbm>> -> memref<3136xf32, #tpu.memory_space<hbm>>
      %dma_wait3A_122 = arith.constant 6272 : i32
      %dma_wait3A_123 = tpu.memref_slice %arg6[%dma_wait3A_122] : memref<50176xf32, #tpu.memory_space<vmem>> -> memref<3136xf32, #tpu.memory_space<vmem>>
      %dma_wait3A_124 = tpu.memref_slice %arg2[%run_scoped3A_8, %mul3A_7] : memref<16x100352xf32, #tpu.memory_space<hbm>> -> memref<1x3136xf32, #tpu.memory_space<hbm>>
      %dma_wait3A_125 = tpu.memref_squeeze %dma_wait3A_124 : memref<1x3136xf32, #tpu.memory_space<hbm>> -> memref<3136xf32, #tpu.memory_space<hbm>>
      tpu.wait_dma2 semaphore(%run_scoped3A_111 : memref<!tpu.dma_semaphore, #tpu.memory_space<semaphore_mem>>) src(%dma_wait3A_125 : memref<3136xf32, #tpu.memory_space<hbm>>) dst(%dma_wait3A_123 : memref<3136xf32, #tpu.memory_space<vmem>>)
      tpu.yield
    }) : () -> ()
    %mul3A_9 = arith.constant 3136 : i32
    %mul3A_10 = arith.muli %add3A, %mul3A_9 : i32
    %run_scoped3A_11 = arith.constant 3 : i32
    "tpu.region"() ({
      %run_scoped3A_111 = tpu.sem_alloc : memref<!tpu.dma_semaphore, #tpu.memory_space<semaphore_mem>>
      %dma_start3A = arith.constant 9408 : i32
      %dma_start3A_112 = tpu.memref_slice %arg6[%dma_start3A] : memref<50176xf32, #tpu.memory_space<vmem>> -> memref<3136xf32, #tpu.memory_space<vmem>>
      %dma_start3A_113 = tpu.memref_slice %arg2[%run_scoped3A_11, %mul3A_10] : memref<16x100352xf32, #tpu.memory_space<hbm>> -> memref<1x3136xf32, #tpu.memory_space<hbm>>
      %dma_start3A_114 = tpu.memref_squeeze %dma_start3A_113 : memref<1x3136xf32, #tpu.memory_space<hbm>> -> memref<3136xf32, #tpu.memory_space<hbm>>
      %dma_start3A_115 = arith.constant 9408 : i32
      %dma_start3A_116 = tpu.memref_slice %arg6[%dma_start3A_115] : memref<50176xf32, #tpu.memory_space<vmem>> -> memref<3136xf32, #tpu.memory_space<vmem>>
      %dma_start3A_117 = tpu.memref_slice %arg2[%run_scoped3A_11, %mul3A_10] : memref<16x100352xf32, #tpu.memory_space<hbm>> -> memref<1x3136xf32, #tpu.memory_space<hbm>>
      %dma_start3A_118 = tpu.memref_squeeze %dma_start3A_117 : memref<1x3136xf32, #tpu.memory_space<hbm>> -> memref<3136xf32, #tpu.memory_space<hbm>>
      tpu.enqueue_dma source(%dma_start3A_118 : memref<3136xf32, #tpu.memory_space<hbm>>) target(%dma_start3A_116 : memref<3136xf32, #tpu.memory_space<vmem>>) target_semaphore(%run_scoped3A_111 : memref<!tpu.dma_semaphore, #tpu.memory_space<semaphore_mem>>)
      %dma_wait3A = arith.constant 9408 : i32
      %dma_wait3A_119 = tpu.memref_slice %arg6[%dma_wait3A] : memref<50176xf32, #tpu.memory_space<vmem>> -> memref<3136xf32, #tpu.memory_space<vmem>>
      %dma_wait3A_120 = tpu.memref_slice %arg2[%run_scoped3A_11, %mul3A_10] : memref<16x100352xf32, #tpu.memory_space<hbm>> -> memref<1x3136xf32, #tpu.memory_space<hbm>>
      %dma_wait3A_121 = tpu.memref_squeeze %dma_wait3A_120 : memref<1x3136xf32, #tpu.memory_space<hbm>> -> memref<3136xf32, #tpu.memory_space<hbm>>
      %dma_wait3A_122 = arith.constant 9408 : i32
      %dma_wait3A_123 = tpu.memref_slice %arg6[%dma_wait3A_122] : memref<50176xf32, #tpu.memory_space<vmem>> -> memref<3136xf32, #tpu.memory_space<vmem>>
      %dma_wait3A_124 = tpu.memref_slice %arg2[%run_scoped3A_11, %mul3A_10] : memref<16x100352xf32, #tpu.memory_space<hbm>> -> memref<1x3136xf32, #tpu.memory_space<hbm>>
      %dma_wait3A_125 = tpu.memref_squeeze %dma_wait3A_124 : memref<1x3136xf32, #tpu.memory_space<hbm>> -> memref<3136xf32, #tpu.memory_space<hbm>>
      tpu.wait_dma2 semaphore(%run_scoped3A_111 : memref<!tpu.dma_semaphore, #tpu.memory_space<semaphore_mem>>) src(%dma_wait3A_125 : memref<3136xf32, #tpu.memory_space<hbm>>) dst(%dma_wait3A_123 : memref<3136xf32, #tpu.memory_space<vmem>>)
      tpu.yield
    }) : () -> ()
    %mul3A_12 = arith.constant 3136 : i32
    %mul3A_13 = arith.muli %add3A, %mul3A_12 : i32
    %run_scoped3A_14 = arith.constant 4 : i32
    "tpu.region"() ({
      %run_scoped3A_111 = tpu.sem_alloc : memref<!tpu.dma_semaphore, #tpu.memory_space<semaphore_mem>>
      %dma_start3A = arith.constant 12544 : i32
      %dma_start3A_112 = tpu.memref_slice %arg6[%dma_start3A] : memref<50176xf32, #tpu.memory_space<vmem>> -> memref<3136xf32, #tpu.memory_space<vmem>>
      %dma_start3A_113 = tpu.memref_slice %arg2[%run_scoped3A_14, %mul3A_13] : memref<16x100352xf32, #tpu.memory_space<hbm>> -> memref<1x3136xf32, #tpu.memory_space<hbm>>
      %dma_start3A_114 = tpu.memref_squeeze %dma_start3A_113 : memref<1x3136xf32, #tpu.memory_space<hbm>> -> memref<3136xf32, #tpu.memory_space<hbm>>
      %dma_start3A_115 = arith.constant 12544 : i32
      %dma_start3A_116 = tpu.memref_slice %arg6[%dma_start3A_115] : memref<50176xf32, #tpu.memory_space<vmem>> -> memref<3136xf32, #tpu.memory_space<vmem>>
      %dma_start3A_117 = tpu.memref_slice %arg2[%run_scoped3A_14, %mul3A_13] : memref<16x100352xf32, #tpu.memory_space<hbm>> -> memref<1x3136xf32, #tpu.memory_space<hbm>>
      %dma_start3A_118 = tpu.memref_squeeze %dma_start3A_117 : memref<1x3136xf32, #tpu.memory_space<hbm>> -> memref<3136xf32, #tpu.memory_space<hbm>>
      tpu.enqueue_dma source(%dma_start3A_118 : memref<3136xf32, #tpu.memory_space<hbm>>) target(%dma_start3A_116 : memref<3136xf32, #tpu.memory_space<vmem>>) target_semaphore(%run_scoped3A_111 : memref<!tpu.dma_semaphore, #tpu.memory_space<semaphore_mem>>)
      %dma_wait3A = arith.constant 12544 : i32
      %dma_wait3A_119 = tpu.memref_slice %arg6[%dma_wait3A] : memref<50176xf32, #tpu.memory_space<vmem>> -> memref<3136xf32, #tpu.memory_space<vmem>>
      %dma_wait3A_120 = tpu.memref_slice %arg2[%run_scoped3A_14, %mul3A_13] : memref<16x100352xf32, #tpu.memory_space<hbm>> -> memref<1x3136xf32, #tpu.memory_space<hbm>>
      %dma_wait3A_121 = tpu.memref_squeeze %dma_wait3A_120 : memref<1x3136xf32, #tpu.memory_space<hbm>> -> memref<3136xf32, #tpu.memory_space<hbm>>
      %dma_wait3A_122 = arith.constant 12544 : i32
      %dma_wait3A_123 = tpu.memref_slice %arg6[%dma_wait3A_122] : memref<50176xf32, #tpu.memory_space<vmem>> -> memref<3136xf32, #tpu.memory_space<vmem>>
      %dma_wait3A_124 = tpu.memref_slice %arg2[%run_scoped3A_14, %mul3A_13] : memref<16x100352xf32, #tpu.memory_space<hbm>> -> memref<1x3136xf32, #tpu.memory_space<hbm>>
      %dma_wait3A_125 = tpu.memref_squeeze %dma_wait3A_124 : memref<1x3136xf32, #tpu.memory_space<hbm>> -> memref<3136xf32, #tpu.memory_space<hbm>>
      tpu.wait_dma2 semaphore(%run_scoped3A_111 : memref<!tpu.dma_semaphore, #tpu.memory_space<semaphore_mem>>) src(%dma_wait3A_125 : memref<3136xf32, #tpu.memory_space<hbm>>) dst(%dma_wait3A_123 : memref<3136xf32, #tpu.memory_space<vmem>>)
      tpu.yield
    }) : () -> ()
    %mul3A_15 = arith.constant 3136 : i32
    %mul3A_16 = arith.muli %add3A, %mul3A_15 : i32
    %run_scoped3A_17 = arith.constant 5 : i32
    "tpu.region"() ({
      %run_scoped3A_111 = tpu.sem_alloc : memref<!tpu.dma_semaphore, #tpu.memory_space<semaphore_mem>>
      %dma_start3A = arith.constant 15680 : i32
      %dma_start3A_112 = tpu.memref_slice %arg6[%dma_start3A] : memref<50176xf32, #tpu.memory_space<vmem>> -> memref<3136xf32, #tpu.memory_space<vmem>>
      %dma_start3A_113 = tpu.memref_slice %arg2[%run_scoped3A_17, %mul3A_16] : memref<16x100352xf32, #tpu.memory_space<hbm>> -> memref<1x3136xf32, #tpu.memory_space<hbm>>
      %dma_start3A_114 = tpu.memref_squeeze %dma_start3A_113 : memref<1x3136xf32, #tpu.memory_space<hbm>> -> memref<3136xf32, #tpu.memory_space<hbm>>
      %dma_start3A_115 = arith.constant 15680 : i32
      %dma_start3A_116 = tpu.memref_slice %arg6[%dma_start3A_115] : memref<50176xf32, #tpu.memory_space<vmem>> -> memref<3136xf32, #tpu.memory_space<vmem>>
      %dma_start3A_117 = tpu.memref_slice %arg2[%run_scoped3A_17, %mul3A_16] : memref<16x100352xf32, #tpu.memory_space<hbm>> -> memref<1x3136xf32, #tpu.memory_space<hbm>>
      %dma_start3A_118 = tpu.memref_squeeze %dma_start3A_117 : memref<1x3136xf32, #tpu.memory_space<hbm>> -> memref<3136xf32, #tpu.memory_space<hbm>>
      tpu.enqueue_dma source(%dma_start3A_118 : memref<3136xf32, #tpu.memory_space<hbm>>) target(%dma_start3A_116 : memref<3136xf32, #tpu.memory_space<vmem>>) target_semaphore(%run_scoped3A_111 : memref<!tpu.dma_semaphore, #tpu.memory_space<semaphore_mem>>)
      %dma_wait3A = arith.constant 15680 : i32
      %dma_wait3A_119 = tpu.memref_slice %arg6[%dma_wait3A] : memref<50176xf32, #tpu.memory_space<vmem>> -> memref<3136xf32, #tpu.memory_space<vmem>>
      %dma_wait3A_120 = tpu.memref_slice %arg2[%run_scoped3A_17, %mul3A_16] : memref<16x100352xf32, #tpu.memory_space<hbm>> -> memref<1x3136xf32, #tpu.memory_space<hbm>>
      %dma_wait3A_121 = tpu.memref_squeeze %dma_wait3A_120 : memref<1x3136xf32, #tpu.memory_space<hbm>> -> memref<3136xf32, #tpu.memory_space<hbm>>
      %dma_wait3A_122 = arith.constant 15680 : i32
      %dma_wait3A_123 = tpu.memref_slice %arg6[%dma_wait3A_122] : memref<50176xf32, #tpu.memory_space<vmem>> -> memref<3136xf32, #tpu.memory_space<vmem>>
      %dma_wait3A_124 = tpu.memref_slice %arg2[%run_scoped3A_17, %mul3A_16] : memref<16x100352xf32, #tpu.memory_space<hbm>> -> memref<1x3136xf32, #tpu.memory_space<hbm>>
      %dma_wait3A_125 = tpu.memref_squeeze %dma_wait3A_124 : memref<1x3136xf32, #tpu.memory_space<hbm>> -> memref<3136xf32, #tpu.memory_space<hbm>>
      tpu.wait_dma2 semaphore(%run_scoped3A_111 : memref<!tpu.dma_semaphore, #tpu.memory_space<semaphore_mem>>) src(%dma_wait3A_125 : memref<3136xf32, #tpu.memory_space<hbm>>) dst(%dma_wait3A_123 : memref<3136xf32, #tpu.memory_space<vmem>>)
      tpu.yield
    }) : () -> ()
    %mul3A_18 = arith.constant 3136 : i32
    %mul3A_19 = arith.muli %add3A, %mul3A_18 : i32
    %run_scoped3A_20 = arith.constant 6 : i32
    "tpu.region"() ({
      %run_scoped3A_111 = tpu.sem_alloc : memref<!tpu.dma_semaphore, #tpu.memory_space<semaphore_mem>>
      %dma_start3A = arith.constant 18816 : i32
      %dma_start3A_112 = tpu.memref_slice %arg6[%dma_start3A] : memref<50176xf32, #tpu.memory_space<vmem>> -> memref<3136xf32, #tpu.memory_space<vmem>>
      %dma_start3A_113 = tpu.memref_slice %arg2[%run_scoped3A_20, %mul3A_19] : memref<16x100352xf32, #tpu.memory_space<hbm>> -> memref<1x3136xf32, #tpu.memory_space<hbm>>
      %dma_start3A_114 = tpu.memref_squeeze %dma_start3A_113 : memref<1x3136xf32, #tpu.memory_space<hbm>> -> memref<3136xf32, #tpu.memory_space<hbm>>
      %dma_start3A_115 = arith.constant 18816 : i32
      %dma_start3A_116 = tpu.memref_slice %arg6[%dma_start3A_115] : memref<50176xf32, #tpu.memory_space<vmem>> -> memref<3136xf32, #tpu.memory_space<vmem>>
      %dma_start3A_117 = tpu.memref_slice %arg2[%run_scoped3A_20, %mul3A_19] : memref<16x100352xf32, #tpu.memory_space<hbm>> -> memref<1x3136xf32, #tpu.memory_space<hbm>>
      %dma_start3A_118 = tpu.memref_squeeze %dma_start3A_117 : memref<1x3136xf32, #tpu.memory_space<hbm>> -> memref<3136xf32, #tpu.memory_space<hbm>>
      tpu.enqueue_dma source(%dma_start3A_118 : memref<3136xf32, #tpu.memory_space<hbm>>) target(%dma_start3A_116 : memref<3136xf32, #tpu.memory_space<vmem>>) target_semaphore(%run_scoped3A_111 : memref<!tpu.dma_semaphore, #tpu.memory_space<semaphore_mem>>)
      %dma_wait3A = arith.constant 18816 : i32
      %dma_wait3A_119 = tpu.memref_slice %arg6[%dma_wait3A] : memref<50176xf32, #tpu.memory_space<vmem>> -> memref<3136xf32, #tpu.memory_space<vmem>>
      %dma_wait3A_120 = tpu.memref_slice %arg2[%run_scoped3A_20, %mul3A_19] : memref<16x100352xf32, #tpu.memory_space<hbm>> -> memref<1x3136xf32, #tpu.memory_space<hbm>>
      %dma_wait3A_121 = tpu.memref_squeeze %dma_wait3A_120 : memref<1x3136xf32, #tpu.memory_space<hbm>> -> memref<3136xf32, #tpu.memory_space<hbm>>
      %dma_wait3A_122 = arith.constant 18816 : i32
      %dma_wait3A_123 = tpu.memref_slice %arg6[%dma_wait3A_122] : memref<50176xf32, #tpu.memory_space<vmem>> -> memref<3136xf32, #tpu.memory_space<vmem>>
      %dma_wait3A_124 = tpu.memref_slice %arg2[%run_scoped3A_20, %mul3A_19] : memref<16x100352xf32, #tpu.memory_space<hbm>> -> memref<1x3136xf32, #tpu.memory_space<hbm>>
      %dma_wait3A_125 = tpu.memref_squeeze %dma_wait3A_124 : memref<1x3136xf32, #tpu.memory_space<hbm>> -> memref<3136xf32, #tpu.memory_space<hbm>>
      tpu.wait_dma2 semaphore(%run_scoped3A_111 : memref<!tpu.dma_semaphore, #tpu.memory_space<semaphore_mem>>) src(%dma_wait3A_125 : memref<3136xf32, #tpu.memory_space<hbm>>) dst(%dma_wait3A_123 : memref<3136xf32, #tpu.memory_space<vmem>>)
      tpu.yield
    }) : () -> ()
    %mul3A_21 = arith.constant 3136 : i32
    %mul3A_22 = arith.muli %add3A, %mul3A_21 : i32
    %run_scoped3A_23 = arith.constant 7 : i32
    "tpu.region"() ({
      %run_scoped3A_111 = tpu.sem_alloc : memref<!tpu.dma_semaphore, #tpu.memory_space<semaphore_mem>>
      %dma_start3A = arith.constant 21952 : i32
      %dma_start3A_112 = tpu.memref_slice %arg6[%dma_start3A] : memref<50176xf32, #tpu.memory_space<vmem>> -> memref<3136xf32, #tpu.memory_space<vmem>>
      %dma_start3A_113 = tpu.memref_slice %arg2[%run_scoped3A_23, %mul3A_22] : memref<16x100352xf32, #tpu.memory_space<hbm>> -> memref<1x3136xf32, #tpu.memory_space<hbm>>
      %dma_start3A_114 = tpu.memref_squeeze %dma_start3A_113 : memref<1x3136xf32, #tpu.memory_space<hbm>> -> memref<3136xf32, #tpu.memory_space<hbm>>
      %dma_start3A_115 = arith.constant 21952 : i32
      %dma_start3A_116 = tpu.memref_slice %arg6[%dma_start3A_115] : memref<50176xf32, #tpu.memory_space<vmem>> -> memref<3136xf32, #tpu.memory_space<vmem>>
      %dma_start3A_117 = tpu.memref_slice %arg2[%run_scoped3A_23, %mul3A_22] : memref<16x100352xf32, #tpu.memory_space<hbm>> -> memref<1x3136xf32, #tpu.memory_space<hbm>>
      %dma_start3A_118 = tpu.memref_squeeze %dma_start3A_117 : memref<1x3136xf32, #tpu.memory_space<hbm>> -> memref<3136xf32, #tpu.memory_space<hbm>>
      tpu.enqueue_dma source(%dma_start3A_118 : memref<3136xf32, #tpu.memory_space<hbm>>) target(%dma_start3A_116 : memref<3136xf32, #tpu.memory_space<vmem>>) target_semaphore(%run_scoped3A_111 : memref<!tpu.dma_semaphore, #tpu.memory_space<semaphore_mem>>)
      %dma_wait3A = arith.constant 21952 : i32
      %dma_wait3A_119 = tpu.memref_slice %arg6[%dma_wait3A] : memref<50176xf32, #tpu.memory_space<vmem>> -> memref<3136xf32, #tpu.memory_space<vmem>>
      %dma_wait3A_120 = tpu.memref_slice %arg2[%run_scoped3A_23, %mul3A_22] : memref<16x100352xf32, #tpu.memory_space<hbm>> -> memref<1x3136xf32, #tpu.memory_space<hbm>>
      %dma_wait3A_121 = tpu.memref_squeeze %dma_wait3A_120 : memref<1x3136xf32, #tpu.memory_space<hbm>> -> memref<3136xf32, #tpu.memory_space<hbm>>
      %dma_wait3A_122 = arith.constant 21952 : i32
      %dma_wait3A_123 = tpu.memref_slice %arg6[%dma_wait3A_122] : memref<50176xf32, #tpu.memory_space<vmem>> -> memref<3136xf32, #tpu.memory_space<vmem>>
      %dma_wait3A_124 = tpu.memref_slice %arg2[%run_scoped3A_23, %mul3A_22] : memref<16x100352xf32, #tpu.memory_space<hbm>> -> memref<1x3136xf32, #tpu.memory_space<hbm>>
      %dma_wait3A_125 = tpu.memref_squeeze %dma_wait3A_124 : memref<1x3136xf32, #tpu.memory_space<hbm>> -> memref<3136xf32, #tpu.memory_space<hbm>>
      tpu.wait_dma2 semaphore(%run_scoped3A_111 : memref<!tpu.dma_semaphore, #tpu.memory_space<semaphore_mem>>) src(%dma_wait3A_125 : memref<3136xf32, #tpu.memory_space<hbm>>) dst(%dma_wait3A_123 : memref<3136xf32, #tpu.memory_space<vmem>>)
      tpu.yield
    }) : () -> ()
    %mul3A_24 = arith.constant 3136 : i32
    %mul3A_25 = arith.muli %add3A, %mul3A_24 : i32
    %run_scoped3A_26 = arith.constant 8 : i32
    "tpu.region"() ({
      %run_scoped3A_111 = tpu.sem_alloc : memref<!tpu.dma_semaphore, #tpu.memory_space<semaphore_mem>>
      %dma_start3A = arith.constant 25088 : i32
      %dma_start3A_112 = tpu.memref_slice %arg6[%dma_start3A] : memref<50176xf32, #tpu.memory_space<vmem>> -> memref<3136xf32, #tpu.memory_space<vmem>>
      %dma_start3A_113 = tpu.memref_slice %arg2[%run_scoped3A_26, %mul3A_25] : memref<16x100352xf32, #tpu.memory_space<hbm>> -> memref<1x3136xf32, #tpu.memory_space<hbm>>
      %dma_start3A_114 = tpu.memref_squeeze %dma_start3A_113 : memref<1x3136xf32, #tpu.memory_space<hbm>> -> memref<3136xf32, #tpu.memory_space<hbm>>
      %dma_start3A_115 = arith.constant 25088 : i32
      %dma_start3A_116 = tpu.memref_slice %arg6[%dma_start3A_115] : memref<50176xf32, #tpu.memory_space<vmem>> -> memref<3136xf32, #tpu.memory_space<vmem>>
      %dma_start3A_117 = tpu.memref_slice %arg2[%run_scoped3A_26, %mul3A_25] : memref<16x100352xf32, #tpu.memory_space<hbm>> -> memref<1x3136xf32, #tpu.memory_space<hbm>>
      %dma_start3A_118 = tpu.memref_squeeze %dma_start3A_117 : memref<1x3136xf32, #tpu.memory_space<hbm>> -> memref<3136xf32, #tpu.memory_space<hbm>>
      tpu.enqueue_dma source(%dma_start3A_118 : memref<3136xf32, #tpu.memory_space<hbm>>) target(%dma_start3A_116 : memref<3136xf32, #tpu.memory_space<vmem>>) target_semaphore(%run_scoped3A_111 : memref<!tpu.dma_semaphore, #tpu.memory_space<semaphore_mem>>)
      %dma_wait3A = arith.constant 25088 : i32
      %dma_wait3A_119 = tpu.memref_slice %arg6[%dma_wait3A] : memref<50176xf32, #tpu.memory_space<vmem>> -> memref<3136xf32, #tpu.memory_space<vmem>>
      %dma_wait3A_120 = tpu.memref_slice %arg2[%run_scoped3A_26, %mul3A_25] : memref<16x100352xf32, #tpu.memory_space<hbm>> -> memref<1x3136xf32, #tpu.memory_space<hbm>>
      %dma_wait3A_121 = tpu.memref_squeeze %dma_wait3A_120 : memref<1x3136xf32, #tpu.memory_space<hbm>> -> memref<3136xf32, #tpu.memory_space<hbm>>
      %dma_wait3A_122 = arith.constant 25088 : i32
      %dma_wait3A_123 = tpu.memref_slice %arg6[%dma_wait3A_122] : memref<50176xf32, #tpu.memory_space<vmem>> -> memref<3136xf32, #tpu.memory_space<vmem>>
      %dma_wait3A_124 = tpu.memref_slice %arg2[%run_scoped3A_26, %mul3A_25] : memref<16x100352xf32, #tpu.memory_space<hbm>> -> memref<1x3136xf32, #tpu.memory_space<hbm>>
      %dma_wait3A_125 = tpu.memref_squeeze %dma_wait3A_124 : memref<1x3136xf32, #tpu.memory_space<hbm>> -> memref<3136xf32, #tpu.memory_space<hbm>>
      tpu.wait_dma2 semaphore(%run_scoped3A_111 : memref<!tpu.dma_semaphore, #tpu.memory_space<semaphore_mem>>) src(%dma_wait3A_125 : memref<3136xf32, #tpu.memory_space<hbm>>) dst(%dma_wait3A_123 : memref<3136xf32, #tpu.memory_space<vmem>>)
      tpu.yield
    }) : () -> ()
    %mul3A_27 = arith.constant 3136 : i32
    %mul3A_28 = arith.muli %add3A, %mul3A_27 : i32
    %run_scoped3A_29 = arith.constant 9 : i32
    "tpu.region"() ({
      %run_scoped3A_111 = tpu.sem_alloc : memref<!tpu.dma_semaphore, #tpu.memory_space<semaphore_mem>>
      %dma_start3A = arith.constant 28224 : i32
      %dma_start3A_112 = tpu.memref_slice %arg6[%dma_start3A] : memref<50176xf32, #tpu.memory_space<vmem>> -> memref<3136xf32, #tpu.memory_space<vmem>>
      %dma_start3A_113 = tpu.memref_slice %arg2[%run_scoped3A_29, %mul3A_28] : memref<16x100352xf32, #tpu.memory_space<hbm>> -> memref<1x3136xf32, #tpu.memory_space<hbm>>
      %dma_start3A_114 = tpu.memref_squeeze %dma_start3A_113 : memref<1x3136xf32, #tpu.memory_space<hbm>> -> memref<3136xf32, #tpu.memory_space<hbm>>
      %dma_start3A_115 = arith.constant 28224 : i32
      %dma_start3A_116 = tpu.memref_slice %arg6[%dma_start3A_115] : memref<50176xf32, #tpu.memory_space<vmem>> -> memref<3136xf32, #tpu.memory_space<vmem>>
      %dma_start3A_117 = tpu.memref_slice %arg2[%run_scoped3A_29, %mul3A_28] : memref<16x100352xf32, #tpu.memory_space<hbm>> -> memref<1x3136xf32, #tpu.memory_space<hbm>>
      %dma_start3A_118 = tpu.memref_squeeze %dma_start3A_117 : memref<1x3136xf32, #tpu.memory_space<hbm>> -> memref<3136xf32, #tpu.memory_space<hbm>>
      tpu.enqueue_dma source(%dma_start3A_118 : memref<3136xf32, #tpu.memory_space<hbm>>) target(%dma_start3A_116 : memref<3136xf32, #tpu.memory_space<vmem>>) target_semaphore(%run_scoped3A_111 : memref<!tpu.dma_semaphore, #tpu.memory_space<semaphore_mem>>)
      %dma_wait3A = arith.constant 28224 : i32
      %dma_wait3A_119 = tpu.memref_slice %arg6[%dma_wait3A] : memref<50176xf32, #tpu.memory_space<vmem>> -> memref<3136xf32, #tpu.memory_space<vmem>>
      %dma_wait3A_120 = tpu.memref_slice %arg2[%run_scoped3A_29, %mul3A_28] : memref<16x100352xf32, #tpu.memory_space<hbm>> -> memref<1x3136xf32, #tpu.memory_space<hbm>>
      %dma_wait3A_121 = tpu.memref_squeeze %dma_wait3A_120 : memref<1x3136xf32, #tpu.memory_space<hbm>> -> memref<3136xf32, #tpu.memory_space<hbm>>
      %dma_wait3A_122 = arith.constant 28224 : i32
      %dma_wait3A_123 = tpu.memref_slice %arg6[%dma_wait3A_122] : memref<50176xf32, #tpu.memory_space<vmem>> -> memref<3136xf32, #tpu.memory_space<vmem>>
      %dma_wait3A_124 = tpu.memref_slice %arg2[%run_scoped3A_29, %mul3A_28] : memref<16x100352xf32, #tpu.memory_space<hbm>> -> memref<1x3136xf32, #tpu.memory_space<hbm>>
      %dma_wait3A_125 = tpu.memref_squeeze %dma_wait3A_124 : memref<1x3136xf32, #tpu.memory_space<hbm>> -> memref<3136xf32, #tpu.memory_space<hbm>>
      tpu.wait_dma2 semaphore(%run_scoped3A_111 : memref<!tpu.dma_semaphore, #tpu.memory_space<semaphore_mem>>) src(%dma_wait3A_125 : memref<3136xf32, #tpu.memory_space<hbm>>) dst(%dma_wait3A_123 : memref<3136xf32, #tpu.memory_space<vmem>>)
      tpu.yield
    }) : () -> ()
    %mul3A_30 = arith.constant 3136 : i32
    %mul3A_31 = arith.muli %add3A, %mul3A_30 : i32
    %run_scoped3A_32 = arith.constant 10 : i32
    "tpu.region"() ({
      %run_scoped3A_111 = tpu.sem_alloc : memref<!tpu.dma_semaphore, #tpu.memory_space<semaphore_mem>>
      %dma_start3A = arith.constant 31360 : i32
      %dma_start3A_112 = tpu.memref_slice %arg6[%dma_start3A] : memref<50176xf32, #tpu.memory_space<vmem>> -> memref<3136xf32, #tpu.memory_space<vmem>>
      %dma_start3A_113 = tpu.memref_slice %arg2[%run_scoped3A_32, %mul3A_31] : memref<16x100352xf32, #tpu.memory_space<hbm>> -> memref<1x3136xf32, #tpu.memory_space<hbm>>
      %dma_start3A_114 = tpu.memref_squeeze %dma_start3A_113 : memref<1x3136xf32, #tpu.memory_space<hbm>> -> memref<3136xf32, #tpu.memory_space<hbm>>
      %dma_start3A_115 = arith.constant 31360 : i32
      %dma_start3A_116 = tpu.memref_slice %arg6[%dma_start3A_115] : memref<50176xf32, #tpu.memory_space<vmem>> -> memref<3136xf32, #tpu.memory_space<vmem>>
      %dma_start3A_117 = tpu.memref_slice %arg2[%run_scoped3A_32, %mul3A_31] : memref<16x100352xf32, #tpu.memory_space<hbm>> -> memref<1x3136xf32, #tpu.memory_space<hbm>>
      %dma_start3A_118 = tpu.memref_squeeze %dma_start3A_117 : memref<1x3136xf32, #tpu.memory_space<hbm>> -> memref<3136xf32, #tpu.memory_space<hbm>>
      tpu.enqueue_dma source(%dma_start3A_118 : memref<3136xf32, #tpu.memory_space<hbm>>) target(%dma_start3A_116 : memref<3136xf32, #tpu.memory_space<vmem>>) target_semaphore(%run_scoped3A_111 : memref<!tpu.dma_semaphore, #tpu.memory_space<semaphore_mem>>)
      %dma_wait3A = arith.constant 31360 : i32
      %dma_wait3A_119 = tpu.memref_slice %arg6[%dma_wait3A] : memref<50176xf32, #tpu.memory_space<vmem>> -> memref<3136xf32, #tpu.memory_space<vmem>>
      %dma_wait3A_120 = tpu.memref_slice %arg2[%run_scoped3A_32, %mul3A_31] : memref<16x100352xf32, #tpu.memory_space<hbm>> -> memref<1x3136xf32, #tpu.memory_space<hbm>>
      %dma_wait3A_121 = tpu.memref_squeeze %dma_wait3A_120 : memref<1x3136xf32, #tpu.memory_space<hbm>> -> memref<3136xf32, #tpu.memory_space<hbm>>
      %dma_wait3A_122 = arith.constant 31360 : i32
      %dma_wait3A_123 = tpu.memref_slice %arg6[%dma_wait3A_122] : memref<50176xf32, #tpu.memory_space<vmem>> -> memref<3136xf32, #tpu.memory_space<vmem>>
      %dma_wait3A_124 = tpu.memref_slice %arg2[%run_scoped3A_32, %mul3A_31] : memref<16x100352xf32, #tpu.memory_space<hbm>> -> memref<1x3136xf32, #tpu.memory_space<hbm>>
      %dma_wait3A_125 = tpu.memref_squeeze %dma_wait3A_124 : memref<1x3136xf32, #tpu.memory_space<hbm>> -> memref<3136xf32, #tpu.memory_space<hbm>>
      tpu.wait_dma2 semaphore(%run_scoped3A_111 : memref<!tpu.dma_semaphore, #tpu.memory_space<semaphore_mem>>) src(%dma_wait3A_125 : memref<3136xf32, #tpu.memory_space<hbm>>) dst(%dma_wait3A_123 : memref<3136xf32, #tpu.memory_space<vmem>>)
      tpu.yield
    }) : () -> ()
    %mul3A_33 = arith.constant 3136 : i32
    %mul3A_34 = arith.muli %add3A, %mul3A_33 : i32
    %run_scoped3A_35 = arith.constant 11 : i32
    "tpu.region"() ({
      %run_scoped3A_111 = tpu.sem_alloc : memref<!tpu.dma_semaphore, #tpu.memory_space<semaphore_mem>>
      %dma_start3A = arith.constant 34496 : i32
      %dma_start3A_112 = tpu.memref_slice %arg6[%dma_start3A] : memref<50176xf32, #tpu.memory_space<vmem>> -> memref<3136xf32, #tpu.memory_space<vmem>>
      %dma_start3A_113 = tpu.memref_slice %arg2[%run_scoped3A_35, %mul3A_34] : memref<16x100352xf32, #tpu.memory_space<hbm>> -> memref<1x3136xf32, #tpu.memory_space<hbm>>
      %dma_start3A_114 = tpu.memref_squeeze %dma_start3A_113 : memref<1x3136xf32, #tpu.memory_space<hbm>> -> memref<3136xf32, #tpu.memory_space<hbm>>
      %dma_start3A_115 = arith.constant 34496 : i32
      %dma_start3A_116 = tpu.memref_slice %arg6[%dma_start3A_115] : memref<50176xf32, #tpu.memory_space<vmem>> -> memref<3136xf32, #tpu.memory_space<vmem>>
      %dma_start3A_117 = tpu.memref_slice %arg2[%run_scoped3A_35, %mul3A_34] : memref<16x100352xf32, #tpu.memory_space<hbm>> -> memref<1x3136xf32, #tpu.memory_space<hbm>>
      %dma_start3A_118 = tpu.memref_squeeze %dma_start3A_117 : memref<1x3136xf32, #tpu.memory_space<hbm>> -> memref<3136xf32, #tpu.memory_space<hbm>>
      tpu.enqueue_dma source(%dma_start3A_118 : memref<3136xf32, #tpu.memory_space<hbm>>) target(%dma_start3A_116 : memref<3136xf32, #tpu.memory_space<vmem>>) target_semaphore(%run_scoped3A_111 : memref<!tpu.dma_semaphore, #tpu.memory_space<semaphore_mem>>)
      %dma_wait3A = arith.constant 34496 : i32
      %dma_wait3A_119 = tpu.memref_slice %arg6[%dma_wait3A] : memref<50176xf32, #tpu.memory_space<vmem>> -> memref<3136xf32, #tpu.memory_space<vmem>>
      %dma_wait3A_120 = tpu.memref_slice %arg2[%run_scoped3A_35, %mul3A_34] : memref<16x100352xf32, #tpu.memory_space<hbm>> -> memref<1x3136xf32, #tpu.memory_space<hbm>>
      %dma_wait3A_121 = tpu.memref_squeeze %dma_wait3A_120 : memref<1x3136xf32, #tpu.memory_space<hbm>> -> memref<3136xf32, #tpu.memory_space<hbm>>
      %dma_wait3A_122 = arith.constant 34496 : i32
      %dma_wait3A_123 = tpu.memref_slice %arg6[%dma_wait3A_122] : memref<50176xf32, #tpu.memory_space<vmem>> -> memref<3136xf32, #tpu.memory_space<vmem>>
      %dma_wait3A_124 = tpu.memref_slice %arg2[%run_scoped3A_35, %mul3A_34] : memref<16x100352xf32, #tpu.memory_space<hbm>> -> memref<1x3136xf32, #tpu.memory_space<hbm>>
      %dma_wait3A_125 = tpu.memref_squeeze %dma_wait3A_124 : memref<1x3136xf32, #tpu.memory_space<hbm>> -> memref<3136xf32, #tpu.memory_space<hbm>>
      tpu.wait_dma2 semaphore(%run_scoped3A_111 : memref<!tpu.dma_semaphore, #tpu.memory_space<semaphore_mem>>) src(%dma_wait3A_125 : memref<3136xf32, #tpu.memory_space<hbm>>) dst(%dma_wait3A_123 : memref<3136xf32, #tpu.memory_space<vmem>>)
      tpu.yield
    }) : () -> ()
    %mul3A_36 = arith.constant 3136 : i32
    %mul3A_37 = arith.muli %add3A, %mul3A_36 : i32
    %run_scoped3A_38 = arith.constant 12 : i32
    "tpu.region"() ({
      %run_scoped3A_111 = tpu.sem_alloc : memref<!tpu.dma_semaphore, #tpu.memory_space<semaphore_mem>>
      %dma_start3A = arith.constant 37632 : i32
      %dma_start3A_112 = tpu.memref_slice %arg6[%dma_start3A] : memref<50176xf32, #tpu.memory_space<vmem>> -> memref<3136xf32, #tpu.memory_space<vmem>>
      %dma_start3A_113 = tpu.memref_slice %arg2[%run_scoped3A_38, %mul3A_37] : memref<16x100352xf32, #tpu.memory_space<hbm>> -> memref<1x3136xf32, #tpu.memory_space<hbm>>
      %dma_start3A_114 = tpu.memref_squeeze %dma_start3A_113 : memref<1x3136xf32, #tpu.memory_space<hbm>> -> memref<3136xf32, #tpu.memory_space<hbm>>
      %dma_start3A_115 = arith.constant 37632 : i32
      %dma_start3A_116 = tpu.memref_slice %arg6[%dma_start3A_115] : memref<50176xf32, #tpu.memory_space<vmem>> -> memref<3136xf32, #tpu.memory_space<vmem>>
      %dma_start3A_117 = tpu.memref_slice %arg2[%run_scoped3A_38, %mul3A_37] : memref<16x100352xf32, #tpu.memory_space<hbm>> -> memref<1x3136xf32, #tpu.memory_space<hbm>>
      %dma_start3A_118 = tpu.memref_squeeze %dma_start3A_117 : memref<1x3136xf32, #tpu.memory_space<hbm>> -> memref<3136xf32, #tpu.memory_space<hbm>>
      tpu.enqueue_dma source(%dma_start3A_118 : memref<3136xf32, #tpu.memory_space<hbm>>) target(%dma_start3A_116 : memref<3136xf32, #tpu.memory_space<vmem>>) target_semaphore(%run_scoped3A_111 : memref<!tpu.dma_semaphore, #tpu.memory_space<semaphore_mem>>)
      %dma_wait3A = arith.constant 37632 : i32
      %dma_wait3A_119 = tpu.memref_slice %arg6[%dma_wait3A] : memref<50176xf32, #tpu.memory_space<vmem>> -> memref<3136xf32, #tpu.memory_space<vmem>>
      %dma_wait3A_120 = tpu.memref_slice %arg2[%run_scoped3A_38, %mul3A_37] : memref<16x100352xf32, #tpu.memory_space<hbm>> -> memref<1x3136xf32, #tpu.memory_space<hbm>>
      %dma_wait3A_121 = tpu.memref_squeeze %dma_wait3A_120 : memref<1x3136xf32, #tpu.memory_space<hbm>> -> memref<3136xf32, #tpu.memory_space<hbm>>
      %dma_wait3A_122 = arith.constant 37632 : i32
      %dma_wait3A_123 = tpu.memref_slice %arg6[%dma_wait3A_122] : memref<50176xf32, #tpu.memory_space<vmem>> -> memref<3136xf32, #tpu.memory_space<vmem>>
      %dma_wait3A_124 = tpu.memref_slice %arg2[%run_scoped3A_38, %mul3A_37] : memref<16x100352xf32, #tpu.memory_space<hbm>> -> memref<1x3136xf32, #tpu.memory_space<hbm>>
      %dma_wait3A_125 = tpu.memref_squeeze %dma_wait3A_124 : memref<1x3136xf32, #tpu.memory_space<hbm>> -> memref<3136xf32, #tpu.memory_space<hbm>>
      tpu.wait_dma2 semaphore(%run_scoped3A_111 : memref<!tpu.dma_semaphore, #tpu.memory_space<semaphore_mem>>) src(%dma_wait3A_125 : memref<3136xf32, #tpu.memory_space<hbm>>) dst(%dma_wait3A_123 : memref<3136xf32, #tpu.memory_space<vmem>>)
      tpu.yield
    }) : () -> ()
    %mul3A_39 = arith.constant 3136 : i32
    %mul3A_40 = arith.muli %add3A, %mul3A_39 : i32
    %run_scoped3A_41 = arith.constant 13 : i32
    "tpu.region"() ({
      %run_scoped3A_111 = tpu.sem_alloc : memref<!tpu.dma_semaphore, #tpu.memory_space<semaphore_mem>>
      %dma_start3A = arith.constant 40768 : i32
      %dma_start3A_112 = tpu.memref_slice %arg6[%dma_start3A] : memref<50176xf32, #tpu.memory_space<vmem>> -> memref<3136xf32, #tpu.memory_space<vmem>>
      %dma_start3A_113 = tpu.memref_slice %arg2[%run_scoped3A_41, %mul3A_40] : memref<16x100352xf32, #tpu.memory_space<hbm>> -> memref<1x3136xf32, #tpu.memory_space<hbm>>
      %dma_start3A_114 = tpu.memref_squeeze %dma_start3A_113 : memref<1x3136xf32, #tpu.memory_space<hbm>> -> memref<3136xf32, #tpu.memory_space<hbm>>
      %dma_start3A_115 = arith.constant 40768 : i32
      %dma_start3A_116 = tpu.memref_slice %arg6[%dma_start3A_115] : memref<50176xf32, #tpu.memory_space<vmem>> -> memref<3136xf32, #tpu.memory_space<vmem>>
      %dma_start3A_117 = tpu.memref_slice %arg2[%run_scoped3A_41, %mul3A_40] : memref<16x100352xf32, #tpu.memory_space<hbm>> -> memref<1x3136xf32, #tpu.memory_space<hbm>>
      %dma_start3A_118 = tpu.memref_squeeze %dma_start3A_117 : memref<1x3136xf32, #tpu.memory_space<hbm>> -> memref<3136xf32, #tpu.memory_space<hbm>>
      tpu.enqueue_dma source(%dma_start3A_118 : memref<3136xf32, #tpu.memory_space<hbm>>) target(%dma_start3A_116 : memref<3136xf32, #tpu.memory_space<vmem>>) target_semaphore(%run_scoped3A_111 : memref<!tpu.dma_semaphore, #tpu.memory_space<semaphore_mem>>)
      %dma_wait3A = arith.constant 40768 : i32
      %dma_wait3A_119 = tpu.memref_slice %arg6[%dma_wait3A] : memref<50176xf32, #tpu.memory_space<vmem>> -> memref<3136xf32, #tpu.memory_space<vmem>>
      %dma_wait3A_120 = tpu.memref_slice %arg2[%run_scoped3A_41, %mul3A_40] : memref<16x100352xf32, #tpu.memory_space<hbm>> -> memref<1x3136xf32, #tpu.memory_space<hbm>>
      %dma_wait3A_121 = tpu.memref_squeeze %dma_wait3A_120 : memref<1x3136xf32, #tpu.memory_space<hbm>> -> memref<3136xf32, #tpu.memory_space<hbm>>
      %dma_wait3A_122 = arith.constant 40768 : i32
      %dma_wait3A_123 = tpu.memref_slice %arg6[%dma_wait3A_122] : memref<50176xf32, #tpu.memory_space<vmem>> -> memref<3136xf32, #tpu.memory_space<vmem>>
      %dma_wait3A_124 = tpu.memref_slice %arg2[%run_scoped3A_41, %mul3A_40] : memref<16x100352xf32, #tpu.memory_space<hbm>> -> memref<1x3136xf32, #tpu.memory_space<hbm>>
      %dma_wait3A_125 = tpu.memref_squeeze %dma_wait3A_124 : memref<1x3136xf32, #tpu.memory_space<hbm>> -> memref<3136xf32, #tpu.memory_space<hbm>>
      tpu.wait_dma2 semaphore(%run_scoped3A_111 : memref<!tpu.dma_semaphore, #tpu.memory_space<semaphore_mem>>) src(%dma_wait3A_125 : memref<3136xf32, #tpu.memory_space<hbm>>) dst(%dma_wait3A_123 : memref<3136xf32, #tpu.memory_space<vmem>>)
      tpu.yield
    }) : () -> ()
    %mul3A_42 = arith.constant 3136 : i32
    %mul3A_43 = arith.muli %add3A, %mul3A_42 : i32
    %run_scoped3A_44 = arith.constant 14 : i32
    "tpu.region"() ({
      %run_scoped3A_111 = tpu.sem_alloc : memref<!tpu.dma_semaphore, #tpu.memory_space<semaphore_mem>>
      %dma_start3A = arith.constant 43904 : i32
      %dma_start3A_112 = tpu.memref_slice %arg6[%dma_start3A] : memref<50176xf32, #tpu.memory_space<vmem>> -> memref<3136xf32, #tpu.memory_space<vmem>>
      %dma_start3A_113 = tpu.memref_slice %arg2[%run_scoped3A_44, %mul3A_43] : memref<16x100352xf32, #tpu.memory_space<hbm>> -> memref<1x3136xf32, #tpu.memory_space<hbm>>
      %dma_start3A_114 = tpu.memref_squeeze %dma_start3A_113 : memref<1x3136xf32, #tpu.memory_space<hbm>> -> memref<3136xf32, #tpu.memory_space<hbm>>
      %dma_start3A_115 = arith.constant 43904 : i32
      %dma_start3A_116 = tpu.memref_slice %arg6[%dma_start3A_115] : memref<50176xf32, #tpu.memory_space<vmem>> -> memref<3136xf32, #tpu.memory_space<vmem>>
      %dma_start3A_117 = tpu.memref_slice %arg2[%run_scoped3A_44, %mul3A_43] : memref<16x100352xf32, #tpu.memory_space<hbm>> -> memref<1x3136xf32, #tpu.memory_space<hbm>>
      %dma_start3A_118 = tpu.memref_squeeze %dma_start3A_117 : memref<1x3136xf32, #tpu.memory_space<hbm>> -> memref<3136xf32, #tpu.memory_space<hbm>>
      tpu.enqueue_dma source(%dma_start3A_118 : memref<3136xf32, #tpu.memory_space<hbm>>) target(%dma_start3A_116 : memref<3136xf32, #tpu.memory_space<vmem>>) target_semaphore(%run_scoped3A_111 : memref<!tpu.dma_semaphore, #tpu.memory_space<semaphore_mem>>)
      %dma_wait3A = arith.constant 43904 : i32
      %dma_wait3A_119 = tpu.memref_slice %arg6[%dma_wait3A] : memref<50176xf32, #tpu.memory_space<vmem>> -> memref<3136xf32, #tpu.memory_space<vmem>>
      %dma_wait3A_120 = tpu.memref_slice %arg2[%run_scoped3A_44, %mul3A_43] : memref<16x100352xf32, #tpu.memory_space<hbm>> -> memref<1x3136xf32, #tpu.memory_space<hbm>>
      %dma_wait3A_121 = tpu.memref_squeeze %dma_wait3A_120 : memref<1x3136xf32, #tpu.memory_space<hbm>> -> memref<3136xf32, #tpu.memory_space<hbm>>
      %dma_wait3A_122 = arith.constant 43904 : i32
      %dma_wait3A_123 = tpu.memref_slice %arg6[%dma_wait3A_122] : memref<50176xf32, #tpu.memory_space<vmem>> -> memref<3136xf32, #tpu.memory_space<vmem>>
      %dma_wait3A_124 = tpu.memref_slice %arg2[%run_scoped3A_44, %mul3A_43] : memref<16x100352xf32, #tpu.memory_space<hbm>> -> memref<1x3136xf32, #tpu.memory_space<hbm>>
      %dma_wait3A_125 = tpu.memref_squeeze %dma_wait3A_124 : memref<1x3136xf32, #tpu.memory_space<hbm>> -> memref<3136xf32, #tpu.memory_space<hbm>>
      tpu.wait_dma2 semaphore(%run_scoped3A_111 : memref<!tpu.dma_semaphore, #tpu.memory_space<semaphore_mem>>) src(%dma_wait3A_125 : memref<3136xf32, #tpu.memory_space<hbm>>) dst(%dma_wait3A_123 : memref<3136xf32, #tpu.memory_space<vmem>>)
      tpu.yield
    }) : () -> ()
    %mul3A_45 = arith.constant 3136 : i32
    %mul3A_46 = arith.muli %add3A, %mul3A_45 : i32
    %run_scoped3A_47 = arith.constant 15 : i32
    "tpu.region"() ({
      %run_scoped3A_111 = tpu.sem_alloc : memref<!tpu.dma_semaphore, #tpu.memory_space<semaphore_mem>>
      %dma_start3A = arith.constant 47040 : i32
      %dma_start3A_112 = tpu.memref_slice %arg6[%dma_start3A] : memref<50176xf32, #tpu.memory_space<vmem>> -> memref<3136xf32, #tpu.memory_space<vmem>>
      %dma_start3A_113 = tpu.memref_slice %arg2[%run_scoped3A_47, %mul3A_46] : memref<16x100352xf32, #tpu.memory_space<hbm>> -> memref<1x3136xf32, #tpu.memory_space<hbm>>
      %dma_start3A_114 = tpu.memref_squeeze %dma_start3A_113 : memref<1x3136xf32, #tpu.memory_space<hbm>> -> memref<3136xf32, #tpu.memory_space<hbm>>
      %dma_start3A_115 = arith.constant 47040 : i32
      %dma_start3A_116 = tpu.memref_slice %arg6[%dma_start3A_115] : memref<50176xf32, #tpu.memory_space<vmem>> -> memref<3136xf32, #tpu.memory_space<vmem>>
      %dma_start3A_117 = tpu.memref_slice %arg2[%run_scoped3A_47, %mul3A_46] : memref<16x100352xf32, #tpu.memory_space<hbm>> -> memref<1x3136xf32, #tpu.memory_space<hbm>>
      %dma_start3A_118 = tpu.memref_squeeze %dma_start3A_117 : memref<1x3136xf32, #tpu.memory_space<hbm>> -> memref<3136xf32, #tpu.memory_space<hbm>>
      tpu.enqueue_dma source(%dma_start3A_118 : memref<3136xf32, #tpu.memory_space<hbm>>) target(%dma_start3A_116 : memref<3136xf32, #tpu.memory_space<vmem>>) target_semaphore(%run_scoped3A_111 : memref<!tpu.dma_semaphore, #tpu.memory_space<semaphore_mem>>)
      %dma_wait3A = arith.constant 47040 : i32
      %dma_wait3A_119 = tpu.memref_slice %arg6[%dma_wait3A] : memref<50176xf32, #tpu.memory_space<vmem>> -> memref<3136xf32, #tpu.memory_space<vmem>>
      %dma_wait3A_120 = tpu.memref_slice %arg2[%run_scoped3A_47, %mul3A_46] : memref<16x100352xf32, #tpu.memory_space<hbm>> -> memref<1x3136xf32, #tpu.memory_space<hbm>>
      %dma_wait3A_121 = tpu.memref_squeeze %dma_wait3A_120 : memref<1x3136xf32, #tpu.memory_space<hbm>> -> memref<3136xf32, #tpu.memory_space<hbm>>
      %dma_wait3A_122 = arith.constant 47040 : i32
      %dma_wait3A_123 = tpu.memref_slice %arg6[%dma_wait3A_122] : memref<50176xf32, #tpu.memory_space<vmem>> -> memref<3136xf32, #tpu.memory_space<vmem>>
      %dma_wait3A_124 = tpu.memref_slice %arg2[%run_scoped3A_47, %mul3A_46] : memref<16x100352xf32, #tpu.memory_space<hbm>> -> memref<1x3136xf32, #tpu.memory_space<hbm>>
      %dma_wait3A_125 = tpu.memref_squeeze %dma_wait3A_124 : memref<1x3136xf32, #tpu.memory_space<hbm>> -> memref<3136xf32, #tpu.memory_space<hbm>>
      tpu.wait_dma2 semaphore(%run_scoped3A_111 : memref<!tpu.dma_semaphore, #tpu.memory_space<semaphore_mem>>) src(%dma_wait3A_125 : memref<3136xf32, #tpu.memory_space<hbm>>) dst(%dma_wait3A_123 : memref<3136xf32, #tpu.memory_space<vmem>>)
      tpu.yield
    }) : () -> ()
    %scan3A = arith.constant 0 : i32
    %scan3A_48 = arith.constant 0 : i32
    %scan3A_49 = arith.constant 3136 : i32
    %scan3A_50 = arith.addi %scan3A_48, %scan3A_49 : i32
    %scan3A_51 = arith.constant 1 : i32
    scf.for %scan3A_111 = %scan3A_48 to %scan3A_50 step %scan3A_51  : i32 {
      %mul3A_112 = arith.constant 3136 : i32
      %mul3A_113 = vector.broadcast %mul3A_112 : i32 to vector<16xi32>
      %mul3A_114 = arith.muli %mul3A_113, %iota3A : vector<16xi32>
      %add3A_115 = vector.broadcast %scan3A_111 : i32 to vector<16xi32>
      %add3A_116 = arith.addi %add3A_115, %mul3A_114 : vector<16xi32>
      %gather3A = tpu.vector_load_idx %arg6[%add3A_116] : memref<50176xf32, #tpu.memory_space<vmem>>[vector<16xi32>], vector<16xf32>,
      %swap3A = arith.index_cast %scan3A_111 : i32 to index
      %swap3A_117 = arith.constant 0 : index
      %swap3A_118 = tpu.vector_load %arg7[%swap3A, %swap3A_117] {strides = array<i32>} : memref<3136x16xf32, #tpu.memory_space<vmem>>, vector<16xf32>,
      tpu.vector_store %arg7[%swap3A, %swap3A_117], %gather3A {strides = array<i32>} : memref<3136x16xf32, #tpu.memory_space<vmem>>, vector<16xf32>,
    }
    %scan3A_52 = arith.constant 3136 : i32
    %mul3A_53 = arith.constant 3136 : i32
    %mul3A_54 = arith.muli %add3A, %mul3A_53 : i32
    "tpu.region"() ({
      %run_scoped3A_111 = tpu.sem_alloc : memref<!tpu.dma_semaphore, #tpu.memory_space<semaphore_mem>>
      %dma_start3A = arith.constant 0 : i32
      %dma_start3A_112 = tpu.memref_slice %arg4[%mul3A_54, %dma_start3A] : memref<100352x16xf32, #tpu.memory_space<hbm>> -> memref<3136x16xf32, #tpu.memory_space<hbm>>
      %dma_start3A_113 = arith.constant 0 : i32
      %dma_start3A_114 = tpu.memref_slice %arg4[%mul3A_54, %dma_start3A_113] : memref<100352x16xf32, #tpu.memory_space<hbm>> -> memref<3136x16xf32, #tpu.memory_space<hbm>>
      tpu.enqueue_dma source(%arg7 : memref<3136x16xf32, #tpu.memory_space<vmem>>) target(%dma_start3A_114 : memref<3136x16xf32, #tpu.memory_space<hbm>>) target_semaphore(%run_scoped3A_111 : memref<!tpu.dma_semaphore, #tpu.memory_space<semaphore_mem>>)
      %dma_wait3A = arith.constant 0 : i32
      %dma_wait3A_115 = tpu.memref_slice %arg4[%mul3A_54, %dma_wait3A] : memref<100352x16xf32, #tpu.memory_space<hbm>> -> memref<3136x16xf32, #tpu.memory_space<hbm>>
      %dma_wait3A_116 = arith.constant 0 : i32
      %dma_wait3A_117 = tpu.memref_slice %arg4[%mul3A_54, %dma_wait3A_116] : memref<100352x16xf32, #tpu.memory_space<hbm>> -> memref<3136x16xf32, #tpu.memory_space<hbm>>
      tpu.wait_dma2 semaphore(%run_scoped3A_111 : memref<!tpu.dma_semaphore, #tpu.memory_space<semaphore_mem>>) src(%arg7 : memref<3136x16xf32, #tpu.memory_space<vmem>>) dst(%dma_wait3A_117 : memref<3136x16xf32, #tpu.memory_space<hbm>>)
      tpu.yield
    }) : () -> ()
    %mul3A_55 = arith.constant 3136 : i32
    %mul3A_56 = arith.muli %add3A, %mul3A_55 : i32
    %run_scoped3A_57 = arith.constant 0 : i32
    "tpu.region"() ({
      %run_scoped3A_111 = tpu.sem_alloc : memref<!tpu.dma_semaphore, #tpu.memory_space<semaphore_mem>>
      %dma_start3A = arith.constant 0 : i32
      %dma_start3A_112 = tpu.memref_slice %arg6[%dma_start3A] : memref<50176xf32, #tpu.memory_space<vmem>> -> memref<3136xf32, #tpu.memory_space<vmem>>
      %dma_start3A_113 = tpu.memref_slice %arg3[%run_scoped3A_57, %mul3A_56] : memref<16x100352xf32, #tpu.memory_space<hbm>> -> memref<1x3136xf32, #tpu.memory_space<hbm>>
      %dma_start3A_114 = tpu.memref_squeeze %dma_start3A_113 : memref<1x3136xf32, #tpu.memory_space<hbm>> -> memref<3136xf32, #tpu.memory_space<hbm>>
      %dma_start3A_115 = arith.constant 0 : i32
      %dma_start3A_116 = tpu.memref_slice %arg6[%dma_start3A_115] : memref<50176xf32, #tpu.memory_space<vmem>> -> memref<3136xf32, #tpu.memory_space<vmem>>
      %dma_start3A_117 = tpu.memref_slice %arg3[%run_scoped3A_57, %mul3A_56] : memref<16x100352xf32, #tpu.memory_space<hbm>> -> memref<1x3136xf32, #tpu.memory_space<hbm>>
      %dma_start3A_118 = tpu.memref_squeeze %dma_start3A_117 : memref<1x3136xf32, #tpu.memory_space<hbm>> -> memref<3136xf32, #tpu.memory_space<hbm>>
      tpu.enqueue_dma source(%dma_start3A_118 : memref<3136xf32, #tpu.memory_space<hbm>>) target(%dma_start3A_116 : memref<3136xf32, #tpu.memory_space<vmem>>) target_semaphore(%run_scoped3A_111 : memref<!tpu.dma_semaphore, #tpu.memory_space<semaphore_mem>>)
      %dma_wait3A = arith.constant 0 : i32
      %dma_wait3A_119 = tpu.memref_slice %arg6[%dma_wait3A] : memref<50176xf32, #tpu.memory_space<vmem>> -> memref<3136xf32, #tpu.memory_space<vmem>>
      %dma_wait3A_120 = tpu.memref_slice %arg3[%run_scoped3A_57, %mul3A_56] : memref<16x100352xf32, #tpu.memory_space<hbm>> -> memref<1x3136xf32, #tpu.memory_space<hbm>>
      %dma_wait3A_121 = tpu.memref_squeeze %dma_wait3A_120 : memref<1x3136xf32, #tpu.memory_space<hbm>> -> memref<3136xf32, #tpu.memory_space<hbm>>
      %dma_wait3A_122 = arith.constant 0 : i32
      %dma_wait3A_123 = tpu.memref_slice %arg6[%dma_wait3A_122] : memref<50176xf32, #tpu.memory_space<vmem>> -> memref<3136xf32, #tpu.memory_space<vmem>>
      %dma_wait3A_124 = tpu.memref_slice %arg3[%run_scoped3A_57, %mul3A_56] : memref<16x100352xf32, #tpu.memory_space<hbm>> -> memref<1x3136xf32, #tpu.memory_space<hbm>>
      %dma_wait3A_125 = tpu.memref_squeeze %dma_wait3A_124 : memref<1x3136xf32, #tpu.memory_space<hbm>> -> memref<3136xf32, #tpu.memory_space<hbm>>
      tpu.wait_dma2 semaphore(%run_scoped3A_111 : memref<!tpu.dma_semaphore, #tpu.memory_space<semaphore_mem>>) src(%dma_wait3A_125 : memref<3136xf32, #tpu.memory_space<hbm>>) dst(%dma_wait3A_123 : memref<3136xf32, #tpu.memory_space<vmem>>)
      tpu.yield
    }) : () -> ()
    %mul3A_58 = arith.constant 3136 : i32
    %mul3A_59 = arith.muli %add3A, %mul3A_58 : i32
    %run_scoped3A_60 = arith.constant 1 : i32
    "tpu.region"() ({
      %run_scoped3A_111 = tpu.sem_alloc : memref<!tpu.dma_semaphore, #tpu.memory_space<semaphore_mem>>
      %dma_start3A = arith.constant 3136 : i32
      %dma_start3A_112 = tpu.memref_slice %arg6[%dma_start3A] : memref<50176xf32, #tpu.memory_space<vmem>> -> memref<3136xf32, #tpu.memory_space<vmem>>
      %dma_start3A_113 = tpu.memref_slice %arg3[%run_scoped3A_60, %mul3A_59] : memref<16x100352xf32, #tpu.memory_space<hbm>> -> memref<1x3136xf32, #tpu.memory_space<hbm>>
      %dma_start3A_114 = tpu.memref_squeeze %dma_start3A_113 : memref<1x3136xf32, #tpu.memory_space<hbm>> -> memref<3136xf32, #tpu.memory_space<hbm>>
      %dma_start3A_115 = arith.constant 3136 : i32
      %dma_start3A_116 = tpu.memref_slice %arg6[%dma_start3A_115] : memref<50176xf32, #tpu.memory_space<vmem>> -> memref<3136xf32, #tpu.memory_space<vmem>>
      %dma_start3A_117 = tpu.memref_slice %arg3[%run_scoped3A_60, %mul3A_59] : memref<16x100352xf32, #tpu.memory_space<hbm>> -> memref<1x3136xf32, #tpu.memory_space<hbm>>
      %dma_start3A_118 = tpu.memref_squeeze %dma_start3A_117 : memref<1x3136xf32, #tpu.memory_space<hbm>> -> memref<3136xf32, #tpu.memory_space<hbm>>
      tpu.enqueue_dma source(%dma_start3A_118 : memref<3136xf32, #tpu.memory_space<hbm>>) target(%dma_start3A_116 : memref<3136xf32, #tpu.memory_space<vmem>>) target_semaphore(%run_scoped3A_111 : memref<!tpu.dma_semaphore, #tpu.memory_space<semaphore_mem>>)
      %dma_wait3A = arith.constant 3136 : i32
      %dma_wait3A_119 = tpu.memref_slice %arg6[%dma_wait3A] : memref<50176xf32, #tpu.memory_space<vmem>> -> memref<3136xf32, #tpu.memory_space<vmem>>
      %dma_wait3A_120 = tpu.memref_slice %arg3[%run_scoped3A_60, %mul3A_59] : memref<16x100352xf32, #tpu.memory_space<hbm>> -> memref<1x3136xf32, #tpu.memory_space<hbm>>
      %dma_wait3A_121 = tpu.memref_squeeze %dma_wait3A_120 : memref<1x3136xf32, #tpu.memory_space<hbm>> -> memref<3136xf32, #tpu.memory_space<hbm>>
      %dma_wait3A_122 = arith.constant 3136 : i32
      %dma_wait3A_123 = tpu.memref_slice %arg6[%dma_wait3A_122] : memref<50176xf32, #tpu.memory_space<vmem>> -> memref<3136xf32, #tpu.memory_space<vmem>>
      %dma_wait3A_124 = tpu.memref_slice %arg3[%run_scoped3A_60, %mul3A_59] : memref<16x100352xf32, #tpu.memory_space<hbm>> -> memref<1x3136xf32, #tpu.memory_space<hbm>>
      %dma_wait3A_125 = tpu.memref_squeeze %dma_wait3A_124 : memref<1x3136xf32, #tpu.memory_space<hbm>> -> memref<3136xf32, #tpu.memory_space<hbm>>
      tpu.wait_dma2 semaphore(%run_scoped3A_111 : memref<!tpu.dma_semaphore, #tpu.memory_space<semaphore_mem>>) src(%dma_wait3A_125 : memref<3136xf32, #tpu.memory_space<hbm>>) dst(%dma_wait3A_123 : memref<3136xf32, #tpu.memory_space<vmem>>)
      tpu.yield
    }) : () -> ()
    %mul3A_61 = arith.constant 3136 : i32
    %mul3A_62 = arith.muli %add3A, %mul3A_61 : i32
    %run_scoped3A_63 = arith.constant 2 : i32
    "tpu.region"() ({
      %run_scoped3A_111 = tpu.sem_alloc : memref<!tpu.dma_semaphore, #tpu.memory_space<semaphore_mem>>
      %dma_start3A = arith.constant 6272 : i32
      %dma_start3A_112 = tpu.memref_slice %arg6[%dma_start3A] : memref<50176xf32, #tpu.memory_space<vmem>> -> memref<3136xf32, #tpu.memory_space<vmem>>
      %dma_start3A_113 = tpu.memref_slice %arg3[%run_scoped3A_63, %mul3A_62] : memref<16x100352xf32, #tpu.memory_space<hbm>> -> memref<1x3136xf32, #tpu.memory_space<hbm>>
      %dma_start3A_114 = tpu.memref_squeeze %dma_start3A_113 : memref<1x3136xf32, #tpu.memory_space<hbm>> -> memref<3136xf32, #tpu.memory_space<hbm>>
      %dma_start3A_115 = arith.constant 6272 : i32
      %dma_start3A_116 = tpu.memref_slice %arg6[%dma_start3A_115] : memref<50176xf32, #tpu.memory_space<vmem>> -> memref<3136xf32, #tpu.memory_space<vmem>>
      %dma_start3A_117 = tpu.memref_slice %arg3[%run_scoped3A_63, %mul3A_62] : memref<16x100352xf32, #tpu.memory_space<hbm>> -> memref<1x3136xf32, #tpu.memory_space<hbm>>
      %dma_start3A_118 = tpu.memref_squeeze %dma_start3A_117 : memref<1x3136xf32, #tpu.memory_space<hbm>> -> memref<3136xf32, #tpu.memory_space<hbm>>
      tpu.enqueue_dma source(%dma_start3A_118 : memref<3136xf32, #tpu.memory_space<hbm>>) target(%dma_start3A_116 : memref<3136xf32, #tpu.memory_space<vmem>>) target_semaphore(%run_scoped3A_111 : memref<!tpu.dma_semaphore, #tpu.memory_space<semaphore_mem>>)
      %dma_wait3A = arith.constant 6272 : i32
      %dma_wait3A_119 = tpu.memref_slice %arg6[%dma_wait3A] : memref<50176xf32, #tpu.memory_space<vmem>> -> memref<3136xf32, #tpu.memory_space<vmem>>
      %dma_wait3A_120 = tpu.memref_slice %arg3[%run_scoped3A_63, %mul3A_62] : memref<16x100352xf32, #tpu.memory_space<hbm>> -> memref<1x3136xf32, #tpu.memory_space<hbm>>
      %dma_wait3A_121 = tpu.memref_squeeze %dma_wait3A_120 : memref<1x3136xf32, #tpu.memory_space<hbm>> -> memref<3136xf32, #tpu.memory_space<hbm>>
      %dma_wait3A_122 = arith.constant 6272 : i32
      %dma_wait3A_123 = tpu.memref_slice %arg6[%dma_wait3A_122] : memref<50176xf32, #tpu.memory_space<vmem>> -> memref<3136xf32, #tpu.memory_space<vmem>>
      %dma_wait3A_124 = tpu.memref_slice %arg3[%run_scoped3A_63, %mul3A_62] : memref<16x100352xf32, #tpu.memory_space<hbm>> -> memref<1x3136xf32, #tpu.memory_space<hbm>>
      %dma_wait3A_125 = tpu.memref_squeeze %dma_wait3A_124 : memref<1x3136xf32, #tpu.memory_space<hbm>> -> memref<3136xf32, #tpu.memory_space<hbm>>
      tpu.wait_dma2 semaphore(%run_scoped3A_111 : memref<!tpu.dma_semaphore, #tpu.memory_space<semaphore_mem>>) src(%dma_wait3A_125 : memref<3136xf32, #tpu.memory_space<hbm>>) dst(%dma_wait3A_123 : memref<3136xf32, #tpu.memory_space<vmem>>)
      tpu.yield
    }) : () -> ()
    %mul3A_64 = arith.constant 3136 : i32
    %mul3A_65 = arith.muli %add3A, %mul3A_64 : i32
    %run_scoped3A_66 = arith.constant 3 : i32
    "tpu.region"() ({
      %run_scoped3A_111 = tpu.sem_alloc : memref<!tpu.dma_semaphore, #tpu.memory_space<semaphore_mem>>
      %dma_start3A = arith.constant 9408 : i32
      %dma_start3A_112 = tpu.memref_slice %arg6[%dma_start3A] : memref<50176xf32, #tpu.memory_space<vmem>> -> memref<3136xf32, #tpu.memory_space<vmem>>
      %dma_start3A_113 = tpu.memref_slice %arg3[%run_scoped3A_66, %mul3A_65] : memref<16x100352xf32, #tpu.memory_space<hbm>> -> memref<1x3136xf32, #tpu.memory_space<hbm>>
      %dma_start3A_114 = tpu.memref_squeeze %dma_start3A_113 : memref<1x3136xf32, #tpu.memory_space<hbm>> -> memref<3136xf32, #tpu.memory_space<hbm>>
      %dma_start3A_115 = arith.constant 9408 : i32
      %dma_start3A_116 = tpu.memref_slice %arg6[%dma_start3A_115] : memref<50176xf32, #tpu.memory_space<vmem>> -> memref<3136xf32, #tpu.memory_space<vmem>>
      %dma_start3A_117 = tpu.memref_slice %arg3[%run_scoped3A_66, %mul3A_65] : memref<16x100352xf32, #tpu.memory_space<hbm>> -> memref<1x3136xf32, #tpu.memory_space<hbm>>
      %dma_start3A_118 = tpu.memref_squeeze %dma_start3A_117 : memref<1x3136xf32, #tpu.memory_space<hbm>> -> memref<3136xf32, #tpu.memory_space<hbm>>
      tpu.enqueue_dma source(%dma_start3A_118 : memref<3136xf32, #tpu.memory_space<hbm>>) target(%dma_start3A_116 : memref<3136xf32, #tpu.memory_space<vmem>>) target_semaphore(%run_scoped3A_111 : memref<!tpu.dma_semaphore, #tpu.memory_space<semaphore_mem>>)
      %dma_wait3A = arith.constant 9408 : i32
      %dma_wait3A_119 = tpu.memref_slice %arg6[%dma_wait3A] : memref<50176xf32, #tpu.memory_space<vmem>> -> memref<3136xf32, #tpu.memory_space<vmem>>
      %dma_wait3A_120 = tpu.memref_slice %arg3[%run_scoped3A_66, %mul3A_65] : memref<16x100352xf32, #tpu.memory_space<hbm>> -> memref<1x3136xf32, #tpu.memory_space<hbm>>
      %dma_wait3A_121 = tpu.memref_squeeze %dma_wait3A_120 : memref<1x3136xf32, #tpu.memory_space<hbm>> -> memref<3136xf32, #tpu.memory_space<hbm>>
      %dma_wait3A_122 = arith.constant 9408 : i32
      %dma_wait3A_123 = tpu.memref_slice %arg6[%dma_wait3A_122] : memref<50176xf32, #tpu.memory_space<vmem>> -> memref<3136xf32, #tpu.memory_space<vmem>>
      %dma_wait3A_124 = tpu.memref_slice %arg3[%run_scoped3A_66, %mul3A_65] : memref<16x100352xf32, #tpu.memory_space<hbm>> -> memref<1x3136xf32, #tpu.memory_space<hbm>>
      %dma_wait3A_125 = tpu.memref_squeeze %dma_wait3A_124 : memref<1x3136xf32, #tpu.memory_space<hbm>> -> memref<3136xf32, #tpu.memory_space<hbm>>
      tpu.wait_dma2 semaphore(%run_scoped3A_111 : memref<!tpu.dma_semaphore, #tpu.memory_space<semaphore_mem>>) src(%dma_wait3A_125 : memref<3136xf32, #tpu.memory_space<hbm>>) dst(%dma_wait3A_123 : memref<3136xf32, #tpu.memory_space<vmem>>)
      tpu.yield
    }) : () -> ()
    %mul3A_67 = arith.constant 3136 : i32
    %mul3A_68 = arith.muli %add3A, %mul3A_67 : i32
    %run_scoped3A_69 = arith.constant 4 : i32
    "tpu.region"() ({
      %run_scoped3A_111 = tpu.sem_alloc : memref<!tpu.dma_semaphore, #tpu.memory_space<semaphore_mem>>
      %dma_start3A = arith.constant 12544 : i32
      %dma_start3A_112 = tpu.memref_slice %arg6[%dma_start3A] : memref<50176xf32, #tpu.memory_space<vmem>> -> memref<3136xf32, #tpu.memory_space<vmem>>
      %dma_start3A_113 = tpu.memref_slice %arg3[%run_scoped3A_69, %mul3A_68] : memref<16x100352xf32, #tpu.memory_space<hbm>> -> memref<1x3136xf32, #tpu.memory_space<hbm>>
      %dma_start3A_114 = tpu.memref_squeeze %dma_start3A_113 : memref<1x3136xf32, #tpu.memory_space<hbm>> -> memref<3136xf32, #tpu.memory_space<hbm>>
      %dma_start3A_115 = arith.constant 12544 : i32
      %dma_start3A_116 = tpu.memref_slice %arg6[%dma_start3A_115] : memref<50176xf32, #tpu.memory_space<vmem>> -> memref<3136xf32, #tpu.memory_space<vmem>>
      %dma_start3A_117 = tpu.memref_slice %arg3[%run_scoped3A_69, %mul3A_68] : memref<16x100352xf32, #tpu.memory_space<hbm>> -> memref<1x3136xf32, #tpu.memory_space<hbm>>
      %dma_start3A_118 = tpu.memref_squeeze %dma_start3A_117 : memref<1x3136xf32, #tpu.memory_space<hbm>> -> memref<3136xf32, #tpu.memory_space<hbm>>
      tpu.enqueue_dma source(%dma_start3A_118 : memref<3136xf32, #tpu.memory_space<hbm>>) target(%dma_start3A_116 : memref<3136xf32, #tpu.memory_space<vmem>>) target_semaphore(%run_scoped3A_111 : memref<!tpu.dma_semaphore, #tpu.memory_space<semaphore_mem>>)
      %dma_wait3A = arith.constant 12544 : i32
      %dma_wait3A_119 = tpu.memref_slice %arg6[%dma_wait3A] : memref<50176xf32, #tpu.memory_space<vmem>> -> memref<3136xf32, #tpu.memory_space<vmem>>
      %dma_wait3A_120 = tpu.memref_slice %arg3[%run_scoped3A_69, %mul3A_68] : memref<16x100352xf32, #tpu.memory_space<hbm>> -> memref<1x3136xf32, #tpu.memory_space<hbm>>
      %dma_wait3A_121 = tpu.memref_squeeze %dma_wait3A_120 : memref<1x3136xf32, #tpu.memory_space<hbm>> -> memref<3136xf32, #tpu.memory_space<hbm>>
      %dma_wait3A_122 = arith.constant 12544 : i32
      %dma_wait3A_123 = tpu.memref_slice %arg6[%dma_wait3A_122] : memref<50176xf32, #tpu.memory_space<vmem>> -> memref<3136xf32, #tpu.memory_space<vmem>>
      %dma_wait3A_124 = tpu.memref_slice %arg3[%run_scoped3A_69, %mul3A_68] : memref<16x100352xf32, #tpu.memory_space<hbm>> -> memref<1x3136xf32, #tpu.memory_space<hbm>>
      %dma_wait3A_125 = tpu.memref_squeeze %dma_wait3A_124 : memref<1x3136xf32, #tpu.memory_space<hbm>> -> memref<3136xf32, #tpu.memory_space<hbm>>
      tpu.wait_dma2 semaphore(%run_scoped3A_111 : memref<!tpu.dma_semaphore, #tpu.memory_space<semaphore_mem>>) src(%dma_wait3A_125 : memref<3136xf32, #tpu.memory_space<hbm>>) dst(%dma_wait3A_123 : memref<3136xf32, #tpu.memory_space<vmem>>)
      tpu.yield
    }) : () -> ()
    %mul3A_70 = arith.constant 3136 : i32
    %mul3A_71 = arith.muli %add3A, %mul3A_70 : i32
    %run_scoped3A_72 = arith.constant 5 : i32
    "tpu.region"() ({
      %run_scoped3A_111 = tpu.sem_alloc : memref<!tpu.dma_semaphore, #tpu.memory_space<semaphore_mem>>
      %dma_start3A = arith.constant 15680 : i32
      %dma_start3A_112 = tpu.memref_slice %arg6[%dma_start3A] : memref<50176xf32, #tpu.memory_space<vmem>> -> memref<3136xf32, #tpu.memory_space<vmem>>
      %dma_start3A_113 = tpu.memref_slice %arg3[%run_scoped3A_72, %mul3A_71] : memref<16x100352xf32, #tpu.memory_space<hbm>> -> memref<1x3136xf32, #tpu.memory_space<hbm>>
      %dma_start3A_114 = tpu.memref_squeeze %dma_start3A_113 : memref<1x3136xf32, #tpu.memory_space<hbm>> -> memref<3136xf32, #tpu.memory_space<hbm>>
      %dma_start3A_115 = arith.constant 15680 : i32
      %dma_start3A_116 = tpu.memref_slice %arg6[%dma_start3A_115] : memref<50176xf32, #tpu.memory_space<vmem>> -> memref<3136xf32, #tpu.memory_space<vmem>>
      %dma_start3A_117 = tpu.memref_slice %arg3[%run_scoped3A_72, %mul3A_71] : memref<16x100352xf32, #tpu.memory_space<hbm>> -> memref<1x3136xf32, #tpu.memory_space<hbm>>
      %dma_start3A_118 = tpu.memref_squeeze %dma_start3A_117 : memref<1x3136xf32, #tpu.memory_space<hbm>> -> memref<3136xf32, #tpu.memory_space<hbm>>
      tpu.enqueue_dma source(%dma_start3A_118 : memref<3136xf32, #tpu.memory_space<hbm>>) target(%dma_start3A_116 : memref<3136xf32, #tpu.memory_space<vmem>>) target_semaphore(%run_scoped3A_111 : memref<!tpu.dma_semaphore, #tpu.memory_space<semaphore_mem>>)
      %dma_wait3A = arith.constant 15680 : i32
      %dma_wait3A_119 = tpu.memref_slice %arg6[%dma_wait3A] : memref<50176xf32, #tpu.memory_space<vmem>> -> memref<3136xf32, #tpu.memory_space<vmem>>
      %dma_wait3A_120 = tpu.memref_slice %arg3[%run_scoped3A_72, %mul3A_71] : memref<16x100352xf32, #tpu.memory_space<hbm>> -> memref<1x3136xf32, #tpu.memory_space<hbm>>
      %dma_wait3A_121 = tpu.memref_squeeze %dma_wait3A_120 : memref<1x3136xf32, #tpu.memory_space<hbm>> -> memref<3136xf32, #tpu.memory_space<hbm>>
      %dma_wait3A_122 = arith.constant 15680 : i32
      %dma_wait3A_123 = tpu.memref_slice %arg6[%dma_wait3A_122] : memref<50176xf32, #tpu.memory_space<vmem>> -> memref<3136xf32, #tpu.memory_space<vmem>>
      %dma_wait3A_124 = tpu.memref_slice %arg3[%run_scoped3A_72, %mul3A_71] : memref<16x100352xf32, #tpu.memory_space<hbm>> -> memref<1x3136xf32, #tpu.memory_space<hbm>>
      %dma_wait3A_125 = tpu.memref_squeeze %dma_wait3A_124 : memref<1x3136xf32, #tpu.memory_space<hbm>> -> memref<3136xf32, #tpu.memory_space<hbm>>
      tpu.wait_dma2 semaphore(%run_scoped3A_111 : memref<!tpu.dma_semaphore, #tpu.memory_space<semaphore_mem>>) src(%dma_wait3A_125 : memref<3136xf32, #tpu.memory_space<hbm>>) dst(%dma_wait3A_123 : memref<3136xf32, #tpu.memory_space<vmem>>)
      tpu.yield
    }) : () -> ()
    %mul3A_73 = arith.constant 3136 : i32
    %mul3A_74 = arith.muli %add3A, %mul3A_73 : i32
    %run_scoped3A_75 = arith.constant 6 : i32
    "tpu.region"() ({
      %run_scoped3A_111 = tpu.sem_alloc : memref<!tpu.dma_semaphore, #tpu.memory_space<semaphore_mem>>
      %dma_start3A = arith.constant 18816 : i32
      %dma_start3A_112 = tpu.memref_slice %arg6[%dma_start3A] : memref<50176xf32, #tpu.memory_space<vmem>> -> memref<3136xf32, #tpu.memory_space<vmem>>
      %dma_start3A_113 = tpu.memref_slice %arg3[%run_scoped3A_75, %mul3A_74] : memref<16x100352xf32, #tpu.memory_space<hbm>> -> memref<1x3136xf32, #tpu.memory_space<hbm>>
      %dma_start3A_114 = tpu.memref_squeeze %dma_start3A_113 : memref<1x3136xf32, #tpu.memory_space<hbm>> -> memref<3136xf32, #tpu.memory_space<hbm>>
      %dma_start3A_115 = arith.constant 18816 : i32
      %dma_start3A_116 = tpu.memref_slice %arg6[%dma_start3A_115] : memref<50176xf32, #tpu.memory_space<vmem>> -> memref<3136xf32, #tpu.memory_space<vmem>>
      %dma_start3A_117 = tpu.memref_slice %arg3[%run_scoped3A_75, %mul3A_74] : memref<16x100352xf32, #tpu.memory_space<hbm>> -> memref<1x3136xf32, #tpu.memory_space<hbm>>
      %dma_start3A_118 = tpu.memref_squeeze %dma_start3A_117 : memref<1x3136xf32, #tpu.memory_space<hbm>> -> memref<3136xf32, #tpu.memory_space<hbm>>
      tpu.enqueue_dma source(%dma_start3A_118 : memref<3136xf32, #tpu.memory_space<hbm>>) target(%dma_start3A_116 : memref<3136xf32, #tpu.memory_space<vmem>>) target_semaphore(%run_scoped3A_111 : memref<!tpu.dma_semaphore, #tpu.memory_space<semaphore_mem>>)
      %dma_wait3A = arith.constant 18816 : i32
      %dma_wait3A_119 = tpu.memref_slice %arg6[%dma_wait3A] : memref<50176xf32, #tpu.memory_space<vmem>> -> memref<3136xf32, #tpu.memory_space<vmem>>
      %dma_wait3A_120 = tpu.memref_slice %arg3[%run_scoped3A_75, %mul3A_74] : memref<16x100352xf32, #tpu.memory_space<hbm>> -> memref<1x3136xf32, #tpu.memory_space<hbm>>
      %dma_wait3A_121 = tpu.memref_squeeze %dma_wait3A_120 : memref<1x3136xf32, #tpu.memory_space<hbm>> -> memref<3136xf32, #tpu.memory_space<hbm>>
      %dma_wait3A_122 = arith.constant 18816 : i32
      %dma_wait3A_123 = tpu.memref_slice %arg6[%dma_wait3A_122] : memref<50176xf32, #tpu.memory_space<vmem>> -> memref<3136xf32, #tpu.memory_space<vmem>>
      %dma_wait3A_124 = tpu.memref_slice %arg3[%run_scoped3A_75, %mul3A_74] : memref<16x100352xf32, #tpu.memory_space<hbm>> -> memref<1x3136xf32, #tpu.memory_space<hbm>>
      %dma_wait3A_125 = tpu.memref_squeeze %dma_wait3A_124 : memref<1x3136xf32, #tpu.memory_space<hbm>> -> memref<3136xf32, #tpu.memory_space<hbm>>
      tpu.wait_dma2 semaphore(%run_scoped3A_111 : memref<!tpu.dma_semaphore, #tpu.memory_space<semaphore_mem>>) src(%dma_wait3A_125 : memref<3136xf32, #tpu.memory_space<hbm>>) dst(%dma_wait3A_123 : memref<3136xf32, #tpu.memory_space<vmem>>)
      tpu.yield
    }) : () -> ()
    %mul3A_76 = arith.constant 3136 : i32
    %mul3A_77 = arith.muli %add3A, %mul3A_76 : i32
    %run_scoped3A_78 = arith.constant 7 : i32
    "tpu.region"() ({
      %run_scoped3A_111 = tpu.sem_alloc : memref<!tpu.dma_semaphore, #tpu.memory_space<semaphore_mem>>
      %dma_start3A = arith.constant 21952 : i32
      %dma_start3A_112 = tpu.memref_slice %arg6[%dma_start3A] : memref<50176xf32, #tpu.memory_space<vmem>> -> memref<3136xf32, #tpu.memory_space<vmem>>
      %dma_start3A_113 = tpu.memref_slice %arg3[%run_scoped3A_78, %mul3A_77] : memref<16x100352xf32, #tpu.memory_space<hbm>> -> memref<1x3136xf32, #tpu.memory_space<hbm>>
      %dma_start3A_114 = tpu.memref_squeeze %dma_start3A_113 : memref<1x3136xf32, #tpu.memory_space<hbm>> -> memref<3136xf32, #tpu.memory_space<hbm>>
      %dma_start3A_115 = arith.constant 21952 : i32
      %dma_start3A_116 = tpu.memref_slice %arg6[%dma_start3A_115] : memref<50176xf32, #tpu.memory_space<vmem>> -> memref<3136xf32, #tpu.memory_space<vmem>>
      %dma_start3A_117 = tpu.memref_slice %arg3[%run_scoped3A_78, %mul3A_77] : memref<16x100352xf32, #tpu.memory_space<hbm>> -> memref<1x3136xf32, #tpu.memory_space<hbm>>
      %dma_start3A_118 = tpu.memref_squeeze %dma_start3A_117 : memref<1x3136xf32, #tpu.memory_space<hbm>> -> memref<3136xf32, #tpu.memory_space<hbm>>
      tpu.enqueue_dma source(%dma_start3A_118 : memref<3136xf32, #tpu.memory_space<hbm>>) target(%dma_start3A_116 : memref<3136xf32, #tpu.memory_space<vmem>>) target_semaphore(%run_scoped3A_111 : memref<!tpu.dma_semaphore, #tpu.memory_space<semaphore_mem>>)
      %dma_wait3A = arith.constant 21952 : i32
      %dma_wait3A_119 = tpu.memref_slice %arg6[%dma_wait3A] : memref<50176xf32, #tpu.memory_space<vmem>> -> memref<3136xf32, #tpu.memory_space<vmem>>
      %dma_wait3A_120 = tpu.memref_slice %arg3[%run_scoped3A_78, %mul3A_77] : memref<16x100352xf32, #tpu.memory_space<hbm>> -> memref<1x3136xf32, #tpu.memory_space<hbm>>
      %dma_wait3A_121 = tpu.memref_squeeze %dma_wait3A_120 : memref<1x3136xf32, #tpu.memory_space<hbm>> -> memref<3136xf32, #tpu.memory_space<hbm>>
      %dma_wait3A_122 = arith.constant 21952 : i32
      %dma_wait3A_123 = tpu.memref_slice %arg6[%dma_wait3A_122] : memref<50176xf32, #tpu.memory_space<vmem>> -> memref<3136xf32, #tpu.memory_space<vmem>>
      %dma_wait3A_124 = tpu.memref_slice %arg3[%run_scoped3A_78, %mul3A_77] : memref<16x100352xf32, #tpu.memory_space<hbm>> -> memref<1x3136xf32, #tpu.memory_space<hbm>>
      %dma_wait3A_125 = tpu.memref_squeeze %dma_wait3A_124 : memref<1x3136xf32, #tpu.memory_space<hbm>> -> memref<3136xf32, #tpu.memory_space<hbm>>
      tpu.wait_dma2 semaphore(%run_scoped3A_111 : memref<!tpu.dma_semaphore, #tpu.memory_space<semaphore_mem>>) src(%dma_wait3A_125 : memref<3136xf32, #tpu.memory_space<hbm>>) dst(%dma_wait3A_123 : memref<3136xf32, #tpu.memory_space<vmem>>)
      tpu.yield
    }) : () -> ()
    %mul3A_79 = arith.constant 3136 : i32
    %mul3A_80 = arith.muli %add3A, %mul3A_79 : i32
    %run_scoped3A_81 = arith.constant 8 : i32
    "tpu.region"() ({
      %run_scoped3A_111 = tpu.sem_alloc : memref<!tpu.dma_semaphore, #tpu.memory_space<semaphore_mem>>
      %dma_start3A = arith.constant 25088 : i32
      %dma_start3A_112 = tpu.memref_slice %arg6[%dma_start3A] : memref<50176xf32, #tpu.memory_space<vmem>> -> memref<3136xf32, #tpu.memory_space<vmem>>
      %dma_start3A_113 = tpu.memref_slice %arg3[%run_scoped3A_81, %mul3A_80] : memref<16x100352xf32, #tpu.memory_space<hbm>> -> memref<1x3136xf32, #tpu.memory_space<hbm>>
      %dma_start3A_114 = tpu.memref_squeeze %dma_start3A_113 : memref<1x3136xf32, #tpu.memory_space<hbm>> -> memref<3136xf32, #tpu.memory_space<hbm>>
      %dma_start3A_115 = arith.constant 25088 : i32
      %dma_start3A_116 = tpu.memref_slice %arg6[%dma_start3A_115] : memref<50176xf32, #tpu.memory_space<vmem>> -> memref<3136xf32, #tpu.memory_space<vmem>>
      %dma_start3A_117 = tpu.memref_slice %arg3[%run_scoped3A_81, %mul3A_80] : memref<16x100352xf32, #tpu.memory_space<hbm>> -> memref<1x3136xf32, #tpu.memory_space<hbm>>
      %dma_start3A_118 = tpu.memref_squeeze %dma_start3A_117 : memref<1x3136xf32, #tpu.memory_space<hbm>> -> memref<3136xf32, #tpu.memory_space<hbm>>
      tpu.enqueue_dma source(%dma_start3A_118 : memref<3136xf32, #tpu.memory_space<hbm>>) target(%dma_start3A_116 : memref<3136xf32, #tpu.memory_space<vmem>>) target_semaphore(%run_scoped3A_111 : memref<!tpu.dma_semaphore, #tpu.memory_space<semaphore_mem>>)
      %dma_wait3A = arith.constant 25088 : i32
      %dma_wait3A_119 = tpu.memref_slice %arg6[%dma_wait3A] : memref<50176xf32, #tpu.memory_space<vmem>> -> memref<3136xf32, #tpu.memory_space<vmem>>
      %dma_wait3A_120 = tpu.memref_slice %arg3[%run_scoped3A_81, %mul3A_80] : memref<16x100352xf32, #tpu.memory_space<hbm>> -> memref<1x3136xf32, #tpu.memory_space<hbm>>
      %dma_wait3A_121 = tpu.memref_squeeze %dma_wait3A_120 : memref<1x3136xf32, #tpu.memory_space<hbm>> -> memref<3136xf32, #tpu.memory_space<hbm>>
      %dma_wait3A_122 = arith.constant 25088 : i32
      %dma_wait3A_123 = tpu.memref_slice %arg6[%dma_wait3A_122] : memref<50176xf32, #tpu.memory_space<vmem>> -> memref<3136xf32, #tpu.memory_space<vmem>>
      %dma_wait3A_124 = tpu.memref_slice %arg3[%run_scoped3A_81, %mul3A_80] : memref<16x100352xf32, #tpu.memory_space<hbm>> -> memref<1x3136xf32, #tpu.memory_space<hbm>>
      %dma_wait3A_125 = tpu.memref_squeeze %dma_wait3A_124 : memref<1x3136xf32, #tpu.memory_space<hbm>> -> memref<3136xf32, #tpu.memory_space<hbm>>
      tpu.wait_dma2 semaphore(%run_scoped3A_111 : memref<!tpu.dma_semaphore, #tpu.memory_space<semaphore_mem>>) src(%dma_wait3A_125 : memref<3136xf32, #tpu.memory_space<hbm>>) dst(%dma_wait3A_123 : memref<3136xf32, #tpu.memory_space<vmem>>)
      tpu.yield
    }) : () -> ()
    %mul3A_82 = arith.constant 3136 : i32
    %mul3A_83 = arith.muli %add3A, %mul3A_82 : i32
    %run_scoped3A_84 = arith.constant 9 : i32
    "tpu.region"() ({
      %run_scoped3A_111 = tpu.sem_alloc : memref<!tpu.dma_semaphore, #tpu.memory_space<semaphore_mem>>
      %dma_start3A = arith.constant 28224 : i32
      %dma_start3A_112 = tpu.memref_slice %arg6[%dma_start3A] : memref<50176xf32, #tpu.memory_space<vmem>> -> memref<3136xf32, #tpu.memory_space<vmem>>
      %dma_start3A_113 = tpu.memref_slice %arg3[%run_scoped3A_84, %mul3A_83] : memref<16x100352xf32, #tpu.memory_space<hbm>> -> memref<1x3136xf32, #tpu.memory_space<hbm>>
      %dma_start3A_114 = tpu.memref_squeeze %dma_start3A_113 : memref<1x3136xf32, #tpu.memory_space<hbm>> -> memref<3136xf32, #tpu.memory_space<hbm>>
      %dma_start3A_115 = arith.constant 28224 : i32
      %dma_start3A_116 = tpu.memref_slice %arg6[%dma_start3A_115] : memref<50176xf32, #tpu.memory_space<vmem>> -> memref<3136xf32, #tpu.memory_space<vmem>>
      %dma_start3A_117 = tpu.memref_slice %arg3[%run_scoped3A_84, %mul3A_83] : memref<16x100352xf32, #tpu.memory_space<hbm>> -> memref<1x3136xf32, #tpu.memory_space<hbm>>
      %dma_start3A_118 = tpu.memref_squeeze %dma_start3A_117 : memref<1x3136xf32, #tpu.memory_space<hbm>> -> memref<3136xf32, #tpu.memory_space<hbm>>
      tpu.enqueue_dma source(%dma_start3A_118 : memref<3136xf32, #tpu.memory_space<hbm>>) target(%dma_start3A_116 : memref<3136xf32, #tpu.memory_space<vmem>>) target_semaphore(%run_scoped3A_111 : memref<!tpu.dma_semaphore, #tpu.memory_space<semaphore_mem>>)
      %dma_wait3A = arith.constant 28224 : i32
      %dma_wait3A_119 = tpu.memref_slice %arg6[%dma_wait3A] : memref<50176xf32, #tpu.memory_space<vmem>> -> memref<3136xf32, #tpu.memory_space<vmem>>
      %dma_wait3A_120 = tpu.memref_slice %arg3[%run_scoped3A_84, %mul3A_83] : memref<16x100352xf32, #tpu.memory_space<hbm>> -> memref<1x3136xf32, #tpu.memory_space<hbm>>
      %dma_wait3A_121 = tpu.memref_squeeze %dma_wait3A_120 : memref<1x3136xf32, #tpu.memory_space<hbm>> -> memref<3136xf32, #tpu.memory_space<hbm>>
      %dma_wait3A_122 = arith.constant 28224 : i32
      %dma_wait3A_123 = tpu.memref_slice %arg6[%dma_wait3A_122] : memref<50176xf32, #tpu.memory_space<vmem>> -> memref<3136xf32, #tpu.memory_space<vmem>>
      %dma_wait3A_124 = tpu.memref_slice %arg3[%run_scoped3A_84, %mul3A_83] : memref<16x100352xf32, #tpu.memory_space<hbm>> -> memref<1x3136xf32, #tpu.memory_space<hbm>>
      %dma_wait3A_125 = tpu.memref_squeeze %dma_wait3A_124 : memref<1x3136xf32, #tpu.memory_space<hbm>> -> memref<3136xf32, #tpu.memory_space<hbm>>
      tpu.wait_dma2 semaphore(%run_scoped3A_111 : memref<!tpu.dma_semaphore, #tpu.memory_space<semaphore_mem>>) src(%dma_wait3A_125 : memref<3136xf32, #tpu.memory_space<hbm>>) dst(%dma_wait3A_123 : memref<3136xf32, #tpu.memory_space<vmem>>)
      tpu.yield
    }) : () -> ()
    %mul3A_85 = arith.constant 3136 : i32
    %mul3A_86 = arith.muli %add3A, %mul3A_85 : i32
    %run_scoped3A_87 = arith.constant 10 : i32
    "tpu.region"() ({
      %run_scoped3A_111 = tpu.sem_alloc : memref<!tpu.dma_semaphore, #tpu.memory_space<semaphore_mem>>
      %dma_start3A = arith.constant 31360 : i32
      %dma_start3A_112 = tpu.memref_slice %arg6[%dma_start3A] : memref<50176xf32, #tpu.memory_space<vmem>> -> memref<3136xf32, #tpu.memory_space<vmem>>
      %dma_start3A_113 = tpu.memref_slice %arg3[%run_scoped3A_87, %mul3A_86] : memref<16x100352xf32, #tpu.memory_space<hbm>> -> memref<1x3136xf32, #tpu.memory_space<hbm>>
      %dma_start3A_114 = tpu.memref_squeeze %dma_start3A_113 : memref<1x3136xf32, #tpu.memory_space<hbm>> -> memref<3136xf32, #tpu.memory_space<hbm>>
      %dma_start3A_115 = arith.constant 31360 : i32
      %dma_start3A_116 = tpu.memref_slice %arg6[%dma_start3A_115] : memref<50176xf32, #tpu.memory_space<vmem>> -> memref<3136xf32, #tpu.memory_space<vmem>>
      %dma_start3A_117 = tpu.memref_slice %arg3[%run_scoped3A_87, %mul3A_86] : memref<16x100352xf32, #tpu.memory_space<hbm>> -> memref<1x3136xf32, #tpu.memory_space<hbm>>
      %dma_start3A_118 = tpu.memref_squeeze %dma_start3A_117 : memref<1x3136xf32, #tpu.memory_space<hbm>> -> memref<3136xf32, #tpu.memory_space<hbm>>
      tpu.enqueue_dma source(%dma_start3A_118 : memref<3136xf32, #tpu.memory_space<hbm>>) target(%dma_start3A_116 : memref<3136xf32, #tpu.memory_space<vmem>>) target_semaphore(%run_scoped3A_111 : memref<!tpu.dma_semaphore, #tpu.memory_space<semaphore_mem>>)
      %dma_wait3A = arith.constant 31360 : i32
      %dma_wait3A_119 = tpu.memref_slice %arg6[%dma_wait3A] : memref<50176xf32, #tpu.memory_space<vmem>> -> memref<3136xf32, #tpu.memory_space<vmem>>
      %dma_wait3A_120 = tpu.memref_slice %arg3[%run_scoped3A_87, %mul3A_86] : memref<16x100352xf32, #tpu.memory_space<hbm>> -> memref<1x3136xf32, #tpu.memory_space<hbm>>
      %dma_wait3A_121 = tpu.memref_squeeze %dma_wait3A_120 : memref<1x3136xf32, #tpu.memory_space<hbm>> -> memref<3136xf32, #tpu.memory_space<hbm>>
      %dma_wait3A_122 = arith.constant 31360 : i32
      %dma_wait3A_123 = tpu.memref_slice %arg6[%dma_wait3A_122] : memref<50176xf32, #tpu.memory_space<vmem>> -> memref<3136xf32, #tpu.memory_space<vmem>>
      %dma_wait3A_124 = tpu.memref_slice %arg3[%run_scoped3A_87, %mul3A_86] : memref<16x100352xf32, #tpu.memory_space<hbm>> -> memref<1x3136xf32, #tpu.memory_space<hbm>>
      %dma_wait3A_125 = tpu.memref_squeeze %dma_wait3A_124 : memref<1x3136xf32, #tpu.memory_space<hbm>> -> memref<3136xf32, #tpu.memory_space<hbm>>
      tpu.wait_dma2 semaphore(%run_scoped3A_111 : memref<!tpu.dma_semaphore, #tpu.memory_space<semaphore_mem>>) src(%dma_wait3A_125 : memref<3136xf32, #tpu.memory_space<hbm>>) dst(%dma_wait3A_123 : memref<3136xf32, #tpu.memory_space<vmem>>)
      tpu.yield
    }) : () -> ()
    %mul3A_88 = arith.constant 3136 : i32
    %mul3A_89 = arith.muli %add3A, %mul3A_88 : i32
    %run_scoped3A_90 = arith.constant 11 : i32
    "tpu.region"() ({
      %run_scoped3A_111 = tpu.sem_alloc : memref<!tpu.dma_semaphore, #tpu.memory_space<semaphore_mem>>
      %dma_start3A = arith.constant 34496 : i32
      %dma_start3A_112 = tpu.memref_slice %arg6[%dma_start3A] : memref<50176xf32, #tpu.memory_space<vmem>> -> memref<3136xf32, #tpu.memory_space<vmem>>
      %dma_start3A_113 = tpu.memref_slice %arg3[%run_scoped3A_90, %mul3A_89] : memref<16x100352xf32, #tpu.memory_space<hbm>> -> memref<1x3136xf32, #tpu.memory_space<hbm>>
      %dma_start3A_114 = tpu.memref_squeeze %dma_start3A_113 : memref<1x3136xf32, #tpu.memory_space<hbm>> -> memref<3136xf32, #tpu.memory_space<hbm>>
      %dma_start3A_115 = arith.constant 34496 : i32
      %dma_start3A_116 = tpu.memref_slice %arg6[%dma_start3A_115] : memref<50176xf32, #tpu.memory_space<vmem>> -> memref<3136xf32, #tpu.memory_space<vmem>>
      %dma_start3A_117 = tpu.memref_slice %arg3[%run_scoped3A_90, %mul3A_89] : memref<16x100352xf32, #tpu.memory_space<hbm>> -> memref<1x3136xf32, #tpu.memory_space<hbm>>
      %dma_start3A_118 = tpu.memref_squeeze %dma_start3A_117 : memref<1x3136xf32, #tpu.memory_space<hbm>> -> memref<3136xf32, #tpu.memory_space<hbm>>
      tpu.enqueue_dma source(%dma_start3A_118 : memref<3136xf32, #tpu.memory_space<hbm>>) target(%dma_start3A_116 : memref<3136xf32, #tpu.memory_space<vmem>>) target_semaphore(%run_scoped3A_111 : memref<!tpu.dma_semaphore, #tpu.memory_space<semaphore_mem>>)
      %dma_wait3A = arith.constant 34496 : i32
      %dma_wait3A_119 = tpu.memref_slice %arg6[%dma_wait3A] : memref<50176xf32, #tpu.memory_space<vmem>> -> memref<3136xf32, #tpu.memory_space<vmem>>
      %dma_wait3A_120 = tpu.memref_slice %arg3[%run_scoped3A_90, %mul3A_89] : memref<16x100352xf32, #tpu.memory_space<hbm>> -> memref<1x3136xf32, #tpu.memory_space<hbm>>
      %dma_wait3A_121 = tpu.memref_squeeze %dma_wait3A_120 : memref<1x3136xf32, #tpu.memory_space<hbm>> -> memref<3136xf32, #tpu.memory_space<hbm>>
      %dma_wait3A_122 = arith.constant 34496 : i32
      %dma_wait3A_123 = tpu.memref_slice %arg6[%dma_wait3A_122] : memref<50176xf32, #tpu.memory_space<vmem>> -> memref<3136xf32, #tpu.memory_space<vmem>>
      %dma_wait3A_124 = tpu.memref_slice %arg3[%run_scoped3A_90, %mul3A_89] : memref<16x100352xf32, #tpu.memory_space<hbm>> -> memref<1x3136xf32, #tpu.memory_space<hbm>>
      %dma_wait3A_125 = tpu.memref_squeeze %dma_wait3A_124 : memref<1x3136xf32, #tpu.memory_space<hbm>> -> memref<3136xf32, #tpu.memory_space<hbm>>
      tpu.wait_dma2 semaphore(%run_scoped3A_111 : memref<!tpu.dma_semaphore, #tpu.memory_space<semaphore_mem>>) src(%dma_wait3A_125 : memref<3136xf32, #tpu.memory_space<hbm>>) dst(%dma_wait3A_123 : memref<3136xf32, #tpu.memory_space<vmem>>)
      tpu.yield
    }) : () -> ()
    %mul3A_91 = arith.constant 3136 : i32
    %mul3A_92 = arith.muli %add3A, %mul3A_91 : i32
    %run_scoped3A_93 = arith.constant 12 : i32
    "tpu.region"() ({
      %run_scoped3A_111 = tpu.sem_alloc : memref<!tpu.dma_semaphore, #tpu.memory_space<semaphore_mem>>
      %dma_start3A = arith.constant 37632 : i32
      %dma_start3A_112 = tpu.memref_slice %arg6[%dma_start3A] : memref<50176xf32, #tpu.memory_space<vmem>> -> memref<3136xf32, #tpu.memory_space<vmem>>
      %dma_start3A_113 = tpu.memref_slice %arg3[%run_scoped3A_93, %mul3A_92] : memref<16x100352xf32, #tpu.memory_space<hbm>> -> memref<1x3136xf32, #tpu.memory_space<hbm>>
      %dma_start3A_114 = tpu.memref_squeeze %dma_start3A_113 : memref<1x3136xf32, #tpu.memory_space<hbm>> -> memref<3136xf32, #tpu.memory_space<hbm>>
      %dma_start3A_115 = arith.constant 37632 : i32
      %dma_start3A_116 = tpu.memref_slice %arg6[%dma_start3A_115] : memref<50176xf32, #tpu.memory_space<vmem>> -> memref<3136xf32, #tpu.memory_space<vmem>>
      %dma_start3A_117 = tpu.memref_slice %arg3[%run_scoped3A_93, %mul3A_92] : memref<16x100352xf32, #tpu.memory_space<hbm>> -> memref<1x3136xf32, #tpu.memory_space<hbm>>
      %dma_start3A_118 = tpu.memref_squeeze %dma_start3A_117 : memref<1x3136xf32, #tpu.memory_space<hbm>> -> memref<3136xf32, #tpu.memory_space<hbm>>
      tpu.enqueue_dma source(%dma_start3A_118 : memref<3136xf32, #tpu.memory_space<hbm>>) target(%dma_start3A_116 : memref<3136xf32, #tpu.memory_space<vmem>>) target_semaphore(%run_scoped3A_111 : memref<!tpu.dma_semaphore, #tpu.memory_space<semaphore_mem>>)
      %dma_wait3A = arith.constant 37632 : i32
      %dma_wait3A_119 = tpu.memref_slice %arg6[%dma_wait3A] : memref<50176xf32, #tpu.memory_space<vmem>> -> memref<3136xf32, #tpu.memory_space<vmem>>
      %dma_wait3A_120 = tpu.memref_slice %arg3[%run_scoped3A_93, %mul3A_92] : memref<16x100352xf32, #tpu.memory_space<hbm>> -> memref<1x3136xf32, #tpu.memory_space<hbm>>
      %dma_wait3A_121 = tpu.memref_squeeze %dma_wait3A_120 : memref<1x3136xf32, #tpu.memory_space<hbm>> -> memref<3136xf32, #tpu.memory_space<hbm>>
      %dma_wait3A_122 = arith.constant 37632 : i32
      %dma_wait3A_123 = tpu.memref_slice %arg6[%dma_wait3A_122] : memref<50176xf32, #tpu.memory_space<vmem>> -> memref<3136xf32, #tpu.memory_space<vmem>>
      %dma_wait3A_124 = tpu.memref_slice %arg3[%run_scoped3A_93, %mul3A_92] : memref<16x100352xf32, #tpu.memory_space<hbm>> -> memref<1x3136xf32, #tpu.memory_space<hbm>>
      %dma_wait3A_125 = tpu.memref_squeeze %dma_wait3A_124 : memref<1x3136xf32, #tpu.memory_space<hbm>> -> memref<3136xf32, #tpu.memory_space<hbm>>
      tpu.wait_dma2 semaphore(%run_scoped3A_111 : memref<!tpu.dma_semaphore, #tpu.memory_space<semaphore_mem>>) src(%dma_wait3A_125 : memref<3136xf32, #tpu.memory_space<hbm>>) dst(%dma_wait3A_123 : memref<3136xf32, #tpu.memory_space<vmem>>)
      tpu.yield
    }) : () -> ()
    %mul3A_94 = arith.constant 3136 : i32
    %mul3A_95 = arith.muli %add3A, %mul3A_94 : i32
    %run_scoped3A_96 = arith.constant 13 : i32
    "tpu.region"() ({
      %run_scoped3A_111 = tpu.sem_alloc : memref<!tpu.dma_semaphore, #tpu.memory_space<semaphore_mem>>
      %dma_start3A = arith.constant 40768 : i32
      %dma_start3A_112 = tpu.memref_slice %arg6[%dma_start3A] : memref<50176xf32, #tpu.memory_space<vmem>> -> memref<3136xf32, #tpu.memory_space<vmem>>
      %dma_start3A_113 = tpu.memref_slice %arg3[%run_scoped3A_96, %mul3A_95] : memref<16x100352xf32, #tpu.memory_space<hbm>> -> memref<1x3136xf32, #tpu.memory_space<hbm>>
      %dma_start3A_114 = tpu.memref_squeeze %dma_start3A_113 : memref<1x3136xf32, #tpu.memory_space<hbm>> -> memref<3136xf32, #tpu.memory_space<hbm>>
      %dma_start3A_115 = arith.constant 40768 : i32
      %dma_start3A_116 = tpu.memref_slice %arg6[%dma_start3A_115] : memref<50176xf32, #tpu.memory_space<vmem>> -> memref<3136xf32, #tpu.memory_space<vmem>>
      %dma_start3A_117 = tpu.memref_slice %arg3[%run_scoped3A_96, %mul3A_95] : memref<16x100352xf32, #tpu.memory_space<hbm>> -> memref<1x3136xf32, #tpu.memory_space<hbm>>
      %dma_start3A_118 = tpu.memref_squeeze %dma_start3A_117 : memref<1x3136xf32, #tpu.memory_space<hbm>> -> memref<3136xf32, #tpu.memory_space<hbm>>
      tpu.enqueue_dma source(%dma_start3A_118 : memref<3136xf32, #tpu.memory_space<hbm>>) target(%dma_start3A_116 : memref<3136xf32, #tpu.memory_space<vmem>>) target_semaphore(%run_scoped3A_111 : memref<!tpu.dma_semaphore, #tpu.memory_space<semaphore_mem>>)
      %dma_wait3A = arith.constant 40768 : i32
      %dma_wait3A_119 = tpu.memref_slice %arg6[%dma_wait3A] : memref<50176xf32, #tpu.memory_space<vmem>> -> memref<3136xf32, #tpu.memory_space<vmem>>
      %dma_wait3A_120 = tpu.memref_slice %arg3[%run_scoped3A_96, %mul3A_95] : memref<16x100352xf32, #tpu.memory_space<hbm>> -> memref<1x3136xf32, #tpu.memory_space<hbm>>
      %dma_wait3A_121 = tpu.memref_squeeze %dma_wait3A_120 : memref<1x3136xf32, #tpu.memory_space<hbm>> -> memref<3136xf32, #tpu.memory_space<hbm>>
      %dma_wait3A_122 = arith.constant 40768 : i32
      %dma_wait3A_123 = tpu.memref_slice %arg6[%dma_wait3A_122] : memref<50176xf32, #tpu.memory_space<vmem>> -> memref<3136xf32, #tpu.memory_space<vmem>>
      %dma_wait3A_124 = tpu.memref_slice %arg3[%run_scoped3A_96, %mul3A_95] : memref<16x100352xf32, #tpu.memory_space<hbm>> -> memref<1x3136xf32, #tpu.memory_space<hbm>>
      %dma_wait3A_125 = tpu.memref_squeeze %dma_wait3A_124 : memref<1x3136xf32, #tpu.memory_space<hbm>> -> memref<3136xf32, #tpu.memory_space<hbm>>
      tpu.wait_dma2 semaphore(%run_scoped3A_111 : memref<!tpu.dma_semaphore, #tpu.memory_space<semaphore_mem>>) src(%dma_wait3A_125 : memref<3136xf32, #tpu.memory_space<hbm>>) dst(%dma_wait3A_123 : memref<3136xf32, #tpu.memory_space<vmem>>)
      tpu.yield
    }) : () -> ()
    %mul3A_97 = arith.constant 3136 : i32
    %mul3A_98 = arith.muli %add3A, %mul3A_97 : i32
    %run_scoped3A_99 = arith.constant 14 : i32
    "tpu.region"() ({
      %run_scoped3A_111 = tpu.sem_alloc : memref<!tpu.dma_semaphore, #tpu.memory_space<semaphore_mem>>
      %dma_start3A = arith.constant 43904 : i32
      %dma_start3A_112 = tpu.memref_slice %arg6[%dma_start3A] : memref<50176xf32, #tpu.memory_space<vmem>> -> memref<3136xf32, #tpu.memory_space<vmem>>
      %dma_start3A_113 = tpu.memref_slice %arg3[%run_scoped3A_99, %mul3A_98] : memref<16x100352xf32, #tpu.memory_space<hbm>> -> memref<1x3136xf32, #tpu.memory_space<hbm>>
      %dma_start3A_114 = tpu.memref_squeeze %dma_start3A_113 : memref<1x3136xf32, #tpu.memory_space<hbm>> -> memref<3136xf32, #tpu.memory_space<hbm>>
      %dma_start3A_115 = arith.constant 43904 : i32
      %dma_start3A_116 = tpu.memref_slice %arg6[%dma_start3A_115] : memref<50176xf32, #tpu.memory_space<vmem>> -> memref<3136xf32, #tpu.memory_space<vmem>>
      %dma_start3A_117 = tpu.memref_slice %arg3[%run_scoped3A_99, %mul3A_98] : memref<16x100352xf32, #tpu.memory_space<hbm>> -> memref<1x3136xf32, #tpu.memory_space<hbm>>
      %dma_start3A_118 = tpu.memref_squeeze %dma_start3A_117 : memref<1x3136xf32, #tpu.memory_space<hbm>> -> memref<3136xf32, #tpu.memory_space<hbm>>
      tpu.enqueue_dma source(%dma_start3A_118 : memref<3136xf32, #tpu.memory_space<hbm>>) target(%dma_start3A_116 : memref<3136xf32, #tpu.memory_space<vmem>>) target_semaphore(%run_scoped3A_111 : memref<!tpu.dma_semaphore, #tpu.memory_space<semaphore_mem>>)
      %dma_wait3A = arith.constant 43904 : i32
      %dma_wait3A_119 = tpu.memref_slice %arg6[%dma_wait3A] : memref<50176xf32, #tpu.memory_space<vmem>> -> memref<3136xf32, #tpu.memory_space<vmem>>
      %dma_wait3A_120 = tpu.memref_slice %arg3[%run_scoped3A_99, %mul3A_98] : memref<16x100352xf32, #tpu.memory_space<hbm>> -> memref<1x3136xf32, #tpu.memory_space<hbm>>
      %dma_wait3A_121 = tpu.memref_squeeze %dma_wait3A_120 : memref<1x3136xf32, #tpu.memory_space<hbm>> -> memref<3136xf32, #tpu.memory_space<hbm>>
      %dma_wait3A_122 = arith.constant 43904 : i32
      %dma_wait3A_123 = tpu.memref_slice %arg6[%dma_wait3A_122] : memref<50176xf32, #tpu.memory_space<vmem>> -> memref<3136xf32, #tpu.memory_space<vmem>>
      %dma_wait3A_124 = tpu.memref_slice %arg3[%run_scoped3A_99, %mul3A_98] : memref<16x100352xf32, #tpu.memory_space<hbm>> -> memref<1x3136xf32, #tpu.memory_space<hbm>>
      %dma_wait3A_125 = tpu.memref_squeeze %dma_wait3A_124 : memref<1x3136xf32, #tpu.memory_space<hbm>> -> memref<3136xf32, #tpu.memory_space<hbm>>
      tpu.wait_dma2 semaphore(%run_scoped3A_111 : memref<!tpu.dma_semaphore, #tpu.memory_space<semaphore_mem>>) src(%dma_wait3A_125 : memref<3136xf32, #tpu.memory_space<hbm>>) dst(%dma_wait3A_123 : memref<3136xf32, #tpu.memory_space<vmem>>)
      tpu.yield
    }) : () -> ()
    %mul3A_100 = arith.constant 3136 : i32
    %mul3A_101 = arith.muli %add3A, %mul3A_100 : i32
    %run_scoped3A_102 = arith.constant 15 : i32
    "tpu.region"() ({
      %run_scoped3A_111 = tpu.sem_alloc : memref<!tpu.dma_semaphore, #tpu.memory_space<semaphore_mem>>
      %dma_start3A = arith.constant 47040 : i32
      %dma_start3A_112 = tpu.memref_slice %arg6[%dma_start3A] : memref<50176xf32, #tpu.memory_space<vmem>> -> memref<3136xf32, #tpu.memory_space<vmem>>
      %dma_start3A_113 = tpu.memref_slice %arg3[%run_scoped3A_102, %mul3A_101] : memref<16x100352xf32, #tpu.memory_space<hbm>> -> memref<1x3136xf32, #tpu.memory_space<hbm>>
      %dma_start3A_114 = tpu.memref_squeeze %dma_start3A_113 : memref<1x3136xf32, #tpu.memory_space<hbm>> -> memref<3136xf32, #tpu.memory_space<hbm>>
      %dma_start3A_115 = arith.constant 47040 : i32
      %dma_start3A_116 = tpu.memref_slice %arg6[%dma_start3A_115] : memref<50176xf32, #tpu.memory_space<vmem>> -> memref<3136xf32, #tpu.memory_space<vmem>>
      %dma_start3A_117 = tpu.memref_slice %arg3[%run_scoped3A_102, %mul3A_101] : memref<16x100352xf32, #tpu.memory_space<hbm>> -> memref<1x3136xf32, #tpu.memory_space<hbm>>
      %dma_start3A_118 = tpu.memref_squeeze %dma_start3A_117 : memref<1x3136xf32, #tpu.memory_space<hbm>> -> memref<3136xf32, #tpu.memory_space<hbm>>
      tpu.enqueue_dma source(%dma_start3A_118 : memref<3136xf32, #tpu.memory_space<hbm>>) target(%dma_start3A_116 : memref<3136xf32, #tpu.memory_space<vmem>>) target_semaphore(%run_scoped3A_111 : memref<!tpu.dma_semaphore, #tpu.memory_space<semaphore_mem>>)
      %dma_wait3A = arith.constant 47040 : i32
      %dma_wait3A_119 = tpu.memref_slice %arg6[%dma_wait3A] : memref<50176xf32, #tpu.memory_space<vmem>> -> memref<3136xf32, #tpu.memory_space<vmem>>
      %dma_wait3A_120 = tpu.memref_slice %arg3[%run_scoped3A_102, %mul3A_101] : memref<16x100352xf32, #tpu.memory_space<hbm>> -> memref<1x3136xf32, #tpu.memory_space<hbm>>
      %dma_wait3A_121 = tpu.memref_squeeze %dma_wait3A_120 : memref<1x3136xf32, #tpu.memory_space<hbm>> -> memref<3136xf32, #tpu.memory_space<hbm>>
      %dma_wait3A_122 = arith.constant 47040 : i32
      %dma_wait3A_123 = tpu.memref_slice %arg6[%dma_wait3A_122] : memref<50176xf32, #tpu.memory_space<vmem>> -> memref<3136xf32, #tpu.memory_space<vmem>>
      %dma_wait3A_124 = tpu.memref_slice %arg3[%run_scoped3A_102, %mul3A_101] : memref<16x100352xf32, #tpu.memory_space<hbm>> -> memref<1x3136xf32, #tpu.memory_space<hbm>>
      %dma_wait3A_125 = tpu.memref_squeeze %dma_wait3A_124 : memref<1x3136xf32, #tpu.memory_space<hbm>> -> memref<3136xf32, #tpu.memory_space<hbm>>
      tpu.wait_dma2 semaphore(%run_scoped3A_111 : memref<!tpu.dma_semaphore, #tpu.memory_space<semaphore_mem>>) src(%dma_wait3A_125 : memref<3136xf32, #tpu.memory_space<hbm>>) dst(%dma_wait3A_123 : memref<3136xf32, #tpu.memory_space<vmem>>)
      tpu.yield
    }) : () -> ()
    %scan3A_103 = arith.constant 0 : i32
    %scan3A_104 = arith.constant 0 : i32
    %scan3A_105 = arith.constant 3136 : i32
    %scan3A_106 = arith.addi %scan3A_104, %scan3A_105 : i32
    %scan3A_107 = arith.constant 1 : i32
    scf.for %scan3A_111 = %scan3A_104 to %scan3A_106 step %scan3A_107  : i32 {
      %mul3A_112 = arith.constant 3136 : i32
      %mul3A_113 = vector.broadcast %mul3A_112 : i32 to vector<16xi32>
      %mul3A_114 = arith.muli %mul3A_113, %iota3A : vector<16xi32>
      %add3A_115 = vector.broadcast %scan3A_111 : i32 to vector<16xi32>
      %add3A_116 = arith.addi %add3A_115, %mul3A_114 : vector<16xi32>
      %gather3A = tpu.vector_load_idx %arg6[%add3A_116] : memref<50176xf32, #tpu.memory_space<vmem>>[vector<16xi32>], vector<16xf32>,
      %swap3A = arith.index_cast %scan3A_111 : i32 to index
      %swap3A_117 = arith.constant 0 : index
      %swap3A_118 = tpu.vector_load %arg7[%swap3A, %swap3A_117] {strides = array<i32>} : memref<3136x16xf32, #tpu.memory_space<vmem>>, vector<16xf32>,
      tpu.vector_store %arg7[%swap3A, %swap3A_117], %gather3A {strides = array<i32>} : memref<3136x16xf32, #tpu.memory_space<vmem>>, vector<16xf32>,
    }
    %scan3A_108 = arith.constant 3136 : i32
    %mul3A_109 = arith.constant 3136 : i32
    %mul3A_110 = arith.muli %add3A, %mul3A_109 : i32
    "tpu.region"() ({
      %run_scoped3A_111 = tpu.sem_alloc : memref<!tpu.dma_semaphore, #tpu.memory_space<semaphore_mem>>
      %dma_start3A = arith.constant 0 : i32
      %dma_start3A_112 = tpu.memref_slice %arg5[%mul3A_110, %dma_start3A] : memref<100352x16xf32, #tpu.memory_space<hbm>> -> memref<3136x16xf32, #tpu.memory_space<hbm>>
      %dma_start3A_113 = arith.constant 0 : i32
      %dma_start3A_114 = tpu.memref_slice %arg5[%mul3A_110, %dma_start3A_113] : memref<100352x16xf32, #tpu.memory_space<hbm>> -> memref<3136x16xf32, #tpu.memory_space<hbm>>
      tpu.enqueue_dma source(%arg7 : memref<3136x16xf32, #tpu.memory_space<vmem>>) target(%dma_start3A_114 : memref<3136x16xf32, #tpu.memory_space<hbm>>) target_semaphore(%run_scoped3A_111 : memref<!tpu.dma_semaphore, #tpu.memory_space<semaphore_mem>>)
      %dma_wait3A = arith.constant 0 : i32
      %dma_wait3A_115 = tpu.memref_slice %arg5[%mul3A_110, %dma_wait3A] : memref<100352x16xf32, #tpu.memory_space<hbm>> -> memref<3136x16xf32, #tpu.memory_space<hbm>>
      %dma_wait3A_116 = arith.constant 0 : i32
      %dma_wait3A_117 = tpu.memref_slice %arg5[%mul3A_110, %dma_wait3A_116] : memref<100352x16xf32, #tpu.memory_space<hbm>> -> memref<3136x16xf32, #tpu.memory_space<hbm>>
      tpu.wait_dma2 semaphore(%run_scoped3A_111 : memref<!tpu.dma_semaphore, #tpu.memory_space<semaphore_mem>>) src(%arg7 : memref<3136x16xf32, #tpu.memory_space<vmem>>) dst(%dma_wait3A_117 : memref<3136x16xf32, #tpu.memory_space<hbm>>)
      tpu.yield
    }) : () -> ()
    return
  }
}

module attributes {stable_mosaic.version = 14 : i64} {
  func.func @_prep_body(%arg0: i32, %arg1: memref<1x1024xf32, #tpu.memory_space<vmem>>, %arg2: memref<8x1024xf32, #tpu.memory_space<vmem>>, %arg3: memref<8x1024xf32, #tpu.memory_space<vmem>>, %arg4: memref<16x1024xf32, #tpu.memory_space<vmem>>, %arg5: memref<16x1024xf32, #tpu.memory_space<vmem>>, %arg6: memref<8x128xi32, #tpu.memory_space<vmem>>) attributes {dimension_semantics = [#tpu.dimension_semantics<arbitrary>], iteration_bounds = array<i64: 98>, scalar_prefetch = 0 : i64, scratch_operands = 0 : i64, tpu.core_type = #tpu.core_type<tc>, window_params = [{transform_indices = @transform_0, window_bounds = array<i64: 1, 1024>}, {transform_indices = @transform_1, window_bounds = array<i64: 8, 1024>}, {transform_indices = @transform_2, window_bounds = array<i64: 8, 1024>}, {transform_indices = @transform_3, window_bounds = array<i64: 16, 1024>}, {transform_indices = @transform_4, window_bounds = array<i64: 16, 1024>}, {transform_indices = @transform_5, window_bounds = array<i64: 8, 128>}]} {
    %get3A = arith.constant 0 : index
    %get3A_0 = arith.constant 0 : index
    %get3A_1 = vector.load %arg1[%get3A, %get3A_0] : memref<1x1024xf32, #tpu.memory_space<vmem>>, vector<1x1024xf32>
    %get3A_2 = arith.constant 0 : index
    %get3A_3 = arith.constant 0 : index
    %get3A_4 = vector.load %arg2[%get3A_2, %get3A_3] : memref<8x1024xf32, #tpu.memory_space<vmem>>, vector<8x1024xf32>
    %get3A_5 = arith.constant 0 : index
    %get3A_6 = arith.constant 0 : index
    %get3A_7 = vector.load %arg3[%get3A_5, %get3A_6] : memref<8x1024xf32, #tpu.memory_space<vmem>>, vector<8x1024xf32>
    %mul3A = arith.constant 1024 : i32
    %mul3A_8 = arith.muli %arg0, %mul3A : i32
    %iota3A = tpu.iota {dimensions = array<i32: 1>} : vector<1x1024xi32>
    %add3A = vector.broadcast %mul3A_8 : i32 to vector<1x1024xi32>
    %add3A_9 = arith.addi %add3A, %iota3A : vector<1x1024xi32>
    %lt3A = arith.constant 100000 : i32
    %lt3A_10 = vector.broadcast %lt3A : i32 to vector<1x1024xi32>
    %lt3A_11 = arith.cmpi slt, %add3A_9, %lt3A_10 : vector<1x1024xi32>
    %broadcast_in_dim3A = vector.shape_cast %lt3A_11 : vector<1x1024xi1> to vector<1x1024xi1>
    %broadcast_in_dim3A_12 = vector.broadcast %broadcast_in_dim3A : vector<1x1024xi1> to vector<8x1024xi1>
    %add3A_13 = arith.constant 1.000000e-07 : f32
    %add3A_14 = vector.broadcast %add3A_13 : f32 to vector<8x1024xf32>
    %add3A_15 = arith.addf %get3A_4, %add3A_14 : vector<8x1024xf32>
    %log3A = math.log %add3A_15 : vector<8x1024xf32>
    %gt3A = arith.constant 0.000000e+00 : f32
    %gt3A_16 = vector.broadcast %gt3A : f32 to vector<8x1024xf32>
    %gt3A_17 = arith.cmpf ogt, %get3A_7, %gt3A_16 : vector<8x1024xf32>
    %jit3A = arith.constant 1.000000e+00 : f32
    %broadcast_in_dim3A_18 = vector.broadcast %jit3A : f32 to vector<8x1024xf32>
    %select_n3A = arith.select %gt3A_17, %get3A_7, %broadcast_in_dim3A_18 : vector<8x1024xi1>, vector<8x1024xf32>
    %gt3A_19 = arith.constant 0.000000e+00 : f32
    %gt3A_20 = vector.broadcast %gt3A_19 : f32 to vector<8x1024xf32>
    %gt3A_21 = arith.cmpf ogt, %get3A_7, %gt3A_20 : vector<8x1024xf32>
    %log3A_22 = math.log %select_n3A : vector<8x1024xf32>
    %mul3A_23 = arith.mulf %get3A_7, %log3A_22 : vector<8x1024xf32>
    %jit3A_24 = arith.constant 0.000000e+00 : f32
    %broadcast_in_dim3A_25 = vector.broadcast %jit3A_24 : f32 to vector<8x1024xf32>
    %select_n3A_26 = arith.select %gt3A_21, %mul3A_23, %broadcast_in_dim3A_25 : vector<8x1024xi1>, vector<8x1024xf32>
    %reduce_sum3A = arith.constant dense<0.000000e+00> : vector<1024xf32>
    %reduce_sum3A_27 = vector.multi_reduction <add>, %select_n3A_26, %reduce_sum3A [0] : vector<8x1024xf32> to vector<1024xf32>
    %broadcast_in_dim3A_28 = vector.shape_cast %reduce_sum3A_27 : vector<1024xf32> to vector<1x1024xf32>
    %reduce_max3A = arith.constant dense<0xFF800000> : vector<1024xf32>
    %reduce_max3A_29 = vector.multi_reduction <maximumf>, %get3A_7, %reduce_max3A [0] : vector<8x1024xf32> to vector<1024xf32>
    %broadcast_in_dim3A_30 = vector.shape_cast %reduce_max3A_29 : vector<1024xf32> to vector<1x1024xf32>
    %iota3A_31 = tpu.iota {dimensions = array<i32: 0>} : vector<8x1024xi32>
    %eq3A = vector.broadcast %broadcast_in_dim3A_30 : vector<1x1024xf32> to vector<8x1024xf32>
    %eq3A_32 = arith.cmpf oeq, %get3A_7, %eq3A : vector<8x1024xf32>
    %jit3A_33 = arith.constant 8 : i32
    %broadcast_in_dim3A_34 = vector.broadcast %jit3A_33 : i32 to vector<8x1024xi32>
    %select_n3A_35 = arith.select %eq3A_32, %iota3A_31, %broadcast_in_dim3A_34 : vector<8x1024xi1>, vector<8x1024xi32>
    %reduce_min3A = arith.constant dense<2147483647> : vector<1024xi32>
    %reduce_min3A_36 = vector.multi_reduction <minsi>, %select_n3A_35, %reduce_min3A [0] : vector<8x1024xi32> to vector<1024xi32>
    %broadcast_in_dim3A_37 = vector.shape_cast %reduce_min3A_36 : vector<1024xi32> to vector<1x1024xi32>
    %ge3A = arith.constant 5.000000e-01 : f32
    %ge3A_38 = vector.broadcast %ge3A : f32 to vector<1x1024xf32>
    %ge3A_39 = arith.cmpf oge, %get3A_1, %ge3A_38 : vector<1x1024xf32>
    %convert_element_type3A = arith.extui %ge3A_39 : vector<1x1024xi1> to vector<1x1024xi32>
    %mul3A_40 = arith.constant 8 : i32
    %mul3A_41 = vector.broadcast %mul3A_40 : i32 to vector<1x1024xi32>
    %mul3A_42 = arith.muli %mul3A_41, %convert_element_type3A : vector<1x1024xi32>
    %add3A_43 = arith.addi %broadcast_in_dim3A_37, %mul3A_42 : vector<1x1024xi32>
    %bitcast_convert_type3A = tpu.bitcast %broadcast_in_dim3A_28 : vector<1x1024xf32> -> vector<1x1024xi32>
    %and3A = arith.constant -16 : i32
    %and3A_44 = vector.broadcast %and3A : i32 to vector<1x1024xi32>
    %and3A_45 = arith.andi %bitcast_convert_type3A, %and3A_44 : vector<1x1024xi32>
    %or3A = arith.ori %and3A_45, %add3A_43 : vector<1x1024xi32>
    %jit3A_46 = arith.constant 0 : i32
    %broadcast_in_dim3A_47 = vector.broadcast %jit3A_46 : i32 to vector<1x1024xi32>
    %select_n3A_48 = arith.select %lt3A_11, %or3A, %broadcast_in_dim3A_47 : vector<1x1024xi1>, vector<1x1024xi32>
    %jit3A_49 = arith.constant 0.000000e+00 : f32
    %broadcast_in_dim3A_50 = vector.broadcast %jit3A_49 : f32 to vector<8x1024xf32>
    %select_n3A_51 = arith.select %broadcast_in_dim3A_12, %get3A_7, %broadcast_in_dim3A_50 : vector<8x1024xi1>, vector<8x1024xf32>
    %jit3A_52 = arith.constant 0.000000e+00 : f32
    %broadcast_in_dim3A_53 = vector.broadcast %jit3A_52 : f32 to vector<8x1024xf32>
    %select_n3A_54 = arith.select %broadcast_in_dim3A_12, %log3A, %broadcast_in_dim3A_53 : vector<8x1024xi1>, vector<8x1024xf32>
    %swap3A = arith.constant 0 : index
    %swap3A_55 = arith.constant 0 : index
    %swap3A_56 = vector.load %arg4[%swap3A, %swap3A_55] : memref<16x1024xf32, #tpu.memory_space<vmem>>, vector<8x1024xf32>
    tpu.vector_store %arg4[%swap3A, %swap3A_55], %select_n3A_51 {strides = array<i32>} : memref<16x1024xf32, #tpu.memory_space<vmem>>, vector<8x1024xf32>,
    %swap3A_57 = arith.constant 8 : index
    %swap3A_58 = arith.constant 0 : index
    %swap3A_59 = vector.load %arg4[%swap3A_57, %swap3A_58] : memref<16x1024xf32, #tpu.memory_space<vmem>>, vector<8x1024xf32>
    tpu.vector_store %arg4[%swap3A_57, %swap3A_58], %select_n3A_54 {strides = array<i32>} : memref<16x1024xf32, #tpu.memory_space<vmem>>, vector<8x1024xf32>,
    %swap3A_60 = arith.constant 0 : index
    %swap3A_61 = arith.constant 0 : index
    %swap3A_62 = vector.load %arg5[%swap3A_60, %swap3A_61] : memref<16x1024xf32, #tpu.memory_space<vmem>>, vector<8x1024xf32>
    tpu.vector_store %arg5[%swap3A_60, %swap3A_61], %select_n3A_54 {strides = array<i32>} : memref<16x1024xf32, #tpu.memory_space<vmem>>, vector<8x1024xf32>,
    %swap3A_63 = arith.constant 8 : index
    %swap3A_64 = arith.constant 0 : index
    %swap3A_65 = vector.load %arg5[%swap3A_63, %swap3A_64] : memref<16x1024xf32, #tpu.memory_space<vmem>>, vector<8x1024xf32>
    tpu.vector_store %arg5[%swap3A_63, %swap3A_64], %select_n3A_51 {strides = array<i32>} : memref<16x1024xf32, #tpu.memory_space<vmem>>, vector<8x1024xf32>,
    %slice3A = vector.extract_strided_slice %select_n3A_48 {offsets = [0, 0], sizes = [1, 128], strides = [1, 1]} : vector<1x1024xi32> to vector<1x128xi32>
    %swap3A_66 = arith.constant 0 : index
    %swap3A_67 = arith.constant 0 : index
    %swap3A_68 = vector.load %arg6[%swap3A_66, %swap3A_67] : memref<8x128xi32, #tpu.memory_space<vmem>>, vector<1x128xi32>
    tpu.vector_store %arg6[%swap3A_66, %swap3A_67], %slice3A {strides = array<i32>} : memref<8x128xi32, #tpu.memory_space<vmem>>, vector<1x128xi32>,
    %slice3A_69 = vector.extract_strided_slice %select_n3A_48 {offsets = [0, 128], sizes = [1, 128], strides = [1, 1]} : vector<1x1024xi32> to vector<1x128xi32>
    %swap3A_70 = arith.constant 1 : index
    %swap3A_71 = arith.constant 0 : index
    %swap3A_72 = vector.load %arg6[%swap3A_70, %swap3A_71] : memref<8x128xi32, #tpu.memory_space<vmem>>, vector<1x128xi32>
    tpu.vector_store %arg6[%swap3A_70, %swap3A_71], %slice3A_69 {strides = array<i32>} : memref<8x128xi32, #tpu.memory_space<vmem>>, vector<1x128xi32>,
    %slice3A_73 = vector.extract_strided_slice %select_n3A_48 {offsets = [0, 256], sizes = [1, 128], strides = [1, 1]} : vector<1x1024xi32> to vector<1x128xi32>
    %swap3A_74 = arith.constant 2 : index
    %swap3A_75 = arith.constant 0 : index
    %swap3A_76 = vector.load %arg6[%swap3A_74, %swap3A_75] : memref<8x128xi32, #tpu.memory_space<vmem>>, vector<1x128xi32>
    tpu.vector_store %arg6[%swap3A_74, %swap3A_75], %slice3A_73 {strides = array<i32>} : memref<8x128xi32, #tpu.memory_space<vmem>>, vector<1x128xi32>,
    %slice3A_77 = vector.extract_strided_slice %select_n3A_48 {offsets = [0, 384], sizes = [1, 128], strides = [1, 1]} : vector<1x1024xi32> to vector<1x128xi32>
    %swap3A_78 = arith.constant 3 : index
    %swap3A_79 = arith.constant 0 : index
    %swap3A_80 = vector.load %arg6[%swap3A_78, %swap3A_79] : memref<8x128xi32, #tpu.memory_space<vmem>>, vector<1x128xi32>
    tpu.vector_store %arg6[%swap3A_78, %swap3A_79], %slice3A_77 {strides = array<i32>} : memref<8x128xi32, #tpu.memory_space<vmem>>, vector<1x128xi32>,
    %slice3A_81 = vector.extract_strided_slice %select_n3A_48 {offsets = [0, 512], sizes = [1, 128], strides = [1, 1]} : vector<1x1024xi32> to vector<1x128xi32>
    %swap3A_82 = arith.constant 4 : index
    %swap3A_83 = arith.constant 0 : index
    %swap3A_84 = vector.load %arg6[%swap3A_82, %swap3A_83] : memref<8x128xi32, #tpu.memory_space<vmem>>, vector<1x128xi32>
    tpu.vector_store %arg6[%swap3A_82, %swap3A_83], %slice3A_81 {strides = array<i32>} : memref<8x128xi32, #tpu.memory_space<vmem>>, vector<1x128xi32>,
    %slice3A_85 = vector.extract_strided_slice %select_n3A_48 {offsets = [0, 640], sizes = [1, 128], strides = [1, 1]} : vector<1x1024xi32> to vector<1x128xi32>
    %swap3A_86 = arith.constant 5 : index
    %swap3A_87 = arith.constant 0 : index
    %swap3A_88 = vector.load %arg6[%swap3A_86, %swap3A_87] : memref<8x128xi32, #tpu.memory_space<vmem>>, vector<1x128xi32>
    tpu.vector_store %arg6[%swap3A_86, %swap3A_87], %slice3A_85 {strides = array<i32>} : memref<8x128xi32, #tpu.memory_space<vmem>>, vector<1x128xi32>,
    %slice3A_89 = vector.extract_strided_slice %select_n3A_48 {offsets = [0, 768], sizes = [1, 128], strides = [1, 1]} : vector<1x1024xi32> to vector<1x128xi32>
    %swap3A_90 = arith.constant 6 : index
    %swap3A_91 = arith.constant 0 : index
    %swap3A_92 = vector.load %arg6[%swap3A_90, %swap3A_91] : memref<8x128xi32, #tpu.memory_space<vmem>>, vector<1x128xi32>
    tpu.vector_store %arg6[%swap3A_90, %swap3A_91], %slice3A_89 {strides = array<i32>} : memref<8x128xi32, #tpu.memory_space<vmem>>, vector<1x128xi32>,
    %slice3A_93 = vector.extract_strided_slice %select_n3A_48 {offsets = [0, 896], sizes = [1, 128], strides = [1, 1]} : vector<1x1024xi32> to vector<1x128xi32>
    %swap3A_94 = arith.constant 7 : index
    %swap3A_95 = arith.constant 0 : index
    %swap3A_96 = vector.load %arg6[%swap3A_94, %swap3A_95] : memref<8x128xi32, #tpu.memory_space<vmem>>, vector<1x128xi32>
    tpu.vector_store %arg6[%swap3A_94, %swap3A_95], %slice3A_93 {strides = array<i32>} : memref<8x128xi32, #tpu.memory_space<vmem>>, vector<1x128xi32>,
    return
  }
  func.func @transform_0(%arg0: i32) -> (i32, i32) {
    %c0_i32 = arith.constant 0 : i32
    %c0_i32_0 = arith.constant 0 : i32
    return %c0_i32, %arg0 : i32, i32
  }
  func.func @transform_1(%arg0: i32) -> (i32, i32) {
    %c0_i32 = arith.constant 0 : i32
    %c0_i32_0 = arith.constant 0 : i32
    return %c0_i32, %arg0 : i32, i32
  }
  func.func @transform_2(%arg0: i32) -> (i32, i32) {
    %c0_i32 = arith.constant 0 : i32
    %c0_i32_0 = arith.constant 0 : i32
    return %c0_i32, %arg0 : i32, i32
  }
  func.func @transform_3(%arg0: i32) -> (i32, i32) {
    %c0_i32 = arith.constant 0 : i32
    %c0_i32_0 = arith.constant 0 : i32
    return %c0_i32, %arg0 : i32, i32
  }
  func.func @transform_4(%arg0: i32) -> (i32, i32) {
    %c0_i32 = arith.constant 0 : i32
    %c0_i32_0 = arith.constant 0 : i32
    return %c0_i32, %arg0 : i32, i32
  }
  func.func @transform_5(%arg0: i32) -> (i32, i32) {
    %c0_i32 = arith.constant 0 : i32
    %c0_i32_0 = arith.constant 0 : i32
    return %arg0, %c0_i32 : i32, i32
  }
}

</mosaic_0001>

<sc_bundles>
// kernel: kernel.5.cloned.1.call-start
scs
__scs_entry_jumppad:
0x0: {  	(pc) =	sbr.rel $0x88, $3  }
0x1: {  	(tag) =	ssettag $0x0;
	lr =	simm.s32 $0x1  }
0x2: {  	[smem:$0x3F9D] =	sst lr;
	_ =	strace $0xD0000000  }
0x3: {  	_ = 	snop  }
0x4: {  	_ = 	snop  }
0x5: {  	_ = 	snop  }
0x6: {  	_ = 	snop  }
0x7: {  	_ = 	snop  }
__scs_overlays_trampoline_lowered:
0x8: {  	[smem:$0x3FAC] =	sst s0  }
0x9: {  	[smem:$0x3FAD] =	sst s1  }
0xa: {  	[smem:$0x3FAE] =	sst s2  }
0xb: {  	[smem:$0x3FAF] =	sst s3  }
0xc: {  	[smem:$0x3FB0] =	sst s4  }
0xd: {  	[smem:$0x3FB1] =	sst s5  }
0xe: {  	[smem:$0x3FB2] =	sst s6  }
0xf: {  	[smem:$0x3FB3] =	sst s7  }
0x10: {  	[smem:$0x3FB4] =	sst s8  }
0x11: {  	[smem:$0x3FB5] =	sst s9;
	s0 =	simm.s32 @!p0 $0x0  }
0x12: {  	s1 =	sld [smem:$0x3F9B];
	s0 =	simm.s32 @p0 $0x1  }
0x13: {  	[smem:$0x3FB6] =	sst s0;
	s0 =	simm.s32 @!p1 $0x0  }
0x14: {  	s2 =	sld [smem:$0x3F9A];
	s0 =	simm.s32 @p1 $0x1  }
0x15: {  	[smem:$0x3FB7] =	sst s0;
	s0 =	simm.s32 @!p2 $0x0  }
0x16: {  	s3 =	sld [smem:$0x3FDB];
	s0 =	simm.s32 @p2 $0x1  }
0x17: {  	s4 =	simm.s32 $0x1BF5;
	[smem:$0x3FB9] =	sst s0  }
0x18: {  	s0 =	sld [smem:$0x3F9C];
	_ =	swait.ge [sflag:s4], $0x0  }
0x19: {  	s7 =	sld [smem:$0x3F9D]  }
0x1a: {  	s8 =	sadd.s32 $0xFFFFE003, lr  }
0x1b: {  	s9 =	sadd.s32 $0xFFFFFEF7, lr;
	s5 =	simm.s32 $0xFFFFFFFF;
	p2 =	slt.u32 s8, $0xFFFFF086  }
0x1c: {  	p1 =	slt.u32 s9, $0xF7A;
	s5 =	simm.s32 @!p2 $0x0  }
0x1d: {  	s5 =	simm.s32 @p1 $0x1;
	p0 =	seq.s32 s7, s2  }
0x1e: {  	s7 =	smul.u32 @!p0 $0xF7A, s2;
	p2 =	seq.s32 @!p0 s5, $0x0  }
0x1f: {  	s9 =	smul.u32 $0xF7A, s1;
	s8 =	simm.s32 @!p0 $0x1BF5;
	p2 =	por !p2, p0  }
0x20: {  	[sflag:s8] =	ssyncset.s32 @!p0 $0xFFFFF086;
	s6 =	sadd.s32 @!p0 s3, s7;
	s7 =	simm.s32 @!p0 $0x108  }
0x21: {  	s3 =	sadd.s32 s3, s9;
	s6 =	sadd.s32 @!p0 $0x88, s6;
	s7 =	simm.s32 @p2 $0x1082  }
0x22: {  	[simem:s7], [sflag:s8] =	dma.local @!p0 [hbm:s6], $0xF7A  }
0x23: {  	s9 =	sor.u32 $0xD0000000, s2;
	s6 =	simm.s32 $0x108;
	_ =	swait.ge @!p0 [sflag:s8], $0x0  }
0x24: {  	s3 =	sadd.s32 $0x88, s3;
	s6 =	simm.s32 @!p1 $0x1082;
	[sflag:s4] =	ssyncset.s32 $0xFFFFF086  }
0x25: {  	[simem:s6], [sflag:s4] =	dma.local [hbm:s3], $0xF7A  }
0x26: {  	[smem:$0x3F9D] =	sst s1;
	(tag) =	ssettag s2;
	_ =	strace s9  }
0x27: {  	s1 =	sld [smem:$0x3FAD]  }
0x28: {  	s2 =	sld [smem:$0x3FAE]  }
0x29: {  	s4 =	sld [smem:$0x3FB0]  }
0x2a: {  	p0 =	seq.s32 s5, $0x0;
	s5 =	sld [smem:$0x3FB1]  }
0x2b: {  	s6 =	sld [smem:$0x3FB2]  }
0x2c: {  	s7 =	sld [smem:$0x3FB3]  }
0x2d: {  	s3 =	simm.s32 $0x108;
	s8 =	sld [smem:$0x3FB4]  }
0x2e: {  	s3 =	simm.s32 @!p0 $0x1082;
	s9 =	sld [smem:$0x3FB5]  }
0x2f: {  	lr =	sadd.s32 s0, s3;
	s0 =	sld [smem:$0x3FAC]  }
0x30: {  	s3 =	sld [smem:$0x3FAF]  }
0x31: {  	[smem:$0x3FB8] =	sst s10  }
0x32: {  	s10 =	sld [smem:$0x3FB6];
	_ =	sdelay $0x3  }
0x33: {  	p0 =	seq.s32 s10, $0x1;
	s10 =	sld [smem:$0x3FB8];
	_ =	sdelay $0x3  }
0x34: {  	[smem:$0x3FB8] =	sst s10  }
0x35: {  	s10 =	sld [smem:$0x3FB7];
	_ =	sdelay $0x3  }
0x36: {  	p1 =	seq.s32 s10, $0x1;
	s10 =	sld [smem:$0x3FB8];
	_ =	sdelay $0x3  }
0x37: {  	[smem:$0x3FB8] =	sst s10  }
0x38: {  	s10 =	sld [smem:$0x3FB9]  }
0x39: {  	_ = 	snop;
	(pc) =	sbr.ind lr, $3  }
0x3a: {  	_ = 	snop  }
0x3b: {  	_ = 	snop  }
0x3c: {  	p2 =	seq.s32 s10, $0x1;
	s10 =	sld [smem:$0x3FB8]  }
0x3d: {  	_ =	shalt  }
0x3e: {  	_ =	shalt  }
0x3f: {  	_ =	shalt  }
0x40: {  	_ =	shalt  }
0x41: {  	_ =	shalt  }
0x42: {  	_ =	shalt  }
0x43: {  	_ =	shalt  }
0x44: {  	_ =	shalt  }
0x45: {  	_ =	shalt  }
0x46: {  	_ =	shalt  }
0x47: {  	_ =	shalt  }
0x48: {  	_ =	shalt  }
0x49: {  	_ =	shalt  }
0x4a: {  	_ =	shalt  }
0x4b: {  	_ =	shalt  }
0x4c: {  	_ =	shalt  }
0x4d: {  	_ =	shalt  }
0x4e: {  	_ =	shalt  }
0x4f: {  	_ =	shalt  }
0x50: {  	_ =	shalt  }
0x51: {  	_ =	shalt  }
0x52: {  	_ =	shalt  }
0x53: {  	_ =	shalt  }
0x54: {  	_ =	shalt  }
0x55: {  	_ =	shalt  }
0x56: {  	_ =	shalt  }
0x57: {  	_ =	shalt  }
0x58: {  	_ =	shalt  }
0x59: {  	_ =	shalt  }
0x5a: {  	_ =	shalt  }
0x5b: {  	_ =	shalt  }
0x5c: {  	_ =	shalt  }
0x5d: {  	_ =	shalt  }
0x5e: {  	_ =	shalt  }
0x5f: {  	_ =	shalt  }
0x60: {  	_ =	shalt  }
0x61: {  	_ =	shalt  }
0x62: {  	_ =	shalt  }
0x63: {  	_ =	shalt  }
0x64: {  	_ =	shalt  }
0x65: {  	_ =	shalt  }
0x66: {  	_ =	shalt  }
0x67: {  	_ =	shalt  }
0x68: {  	_ =	shalt  }
0x69: {  	_ =	shalt  }
0x6a: {  	_ =	shalt  }
0x6b: {  	_ =	shalt  }
0x6c: {  	_ =	shalt  }
0x6d: {  	_ =	shalt  }
0x6e: {  	_ =	shalt  }
0x6f: {  	_ =	shalt  }
0x70: {  	_ =	shalt  }
0x71: {  	_ =	shalt  }
0x72: {  	_ =	shalt  }
0x73: {  	_ =	shalt  }
0x74: {  	_ =	shalt  }
0x75: {  	_ =	shalt  }
0x76: {  	_ =	shalt  }
0x77: {  	_ =	shalt  }
0x78: {  	_ =	shalt  }
0x79: {  	_ =	shalt  }
0x7a: {  	_ =	shalt  }
0x7b: {  	_ =	shalt  }
0x7c: {  	_ =	shalt  }
0x7d: {  	_ =	shalt  }
0x7e: {  	_ =	shalt  }
0x7f: {  	_ =	shalt  }
0x80: {  	_ =	shalt  }
0x81: {  	_ =	shalt  }
0x82: {  	_ =	shalt  }
0x83: {  	_ =	shalt  }
0x84: {  	_ =	shalt  }
0x85: {  	_ =	shalt  }
0x86: {  	_ =	shalt  }
0x87: {  	_ =	shalt  }
.Lfunc_end0:
.L_simem_size_0:
called_computation_lowered:
.L_overlay_start_0:
0x88: {  	s2 =	sld [smem:$0x3FD9]  }
0x89: {  	s3 =	sld [smem:$0x3FFE];
	_ =	sdelay $0x1  }
0x8a: {  	s1 =	srdreg.scid  }
0x8b: {  	s0 =	sand.u32 $0x1, s1  }
0x8c: {  	s16 =	sshll.u32 s0, $0xA;
	s2 =	sadd.s32 s3, s2  }
0x8d: {  	s2 =	sadd.s32 s2, s16  }
0x8e: {  	[smem:$0x3FC4] =	sst s2  }
0x8f: {  	_ = 	snop  }
0x90: {  	(tm) =	ssettm $0x1  }
0x91: {  	s17 =	sld [smem:$0x3FFB];
	_ =	sdelay $0x3  }
0x92: {  	_ =	strace s17  }
0x93: {  	s2 =	sld [smem:$0x3FFC];
	_ =	sdelay $0x3  }
0x94: {  	_ =	strace s2  }
0x95: {  	s2 =	sld [smem:$0x3FFD];
	_ =	sdelay $0x3  }
0x96: {  	_ =	strace s2  }
0x97: {  	_ =	strace $0x8FFFFFFF  }
0x98: {  	s18 =	sld [smem:$0x3FDB];
	_ =	sdelay $0x1  }
0x99: {  	s19 =	simm.s32 $_scs_section_size  }
0x9a: {  	s4 =	simm.s32 $_size__tile_overlayer_lowered;
	s5 =	simm.s32 $_tile_overlayer_lowered  }
0x9b: {  	s22 =	simm.s32 $0x1BFF;
	s21 =	sshll.u32 s5, $0x1;
	s2 =	sadd.s32 s19, s18  }
0x9c: {  	s6 =	simm.s32 $0x0;
	s20 =	sshll.u32 s4, $0x1;
	s4 =	sadd.s32 s21, s2  }
0x9d: {  	[timem:s6], [sflag:s22] =	dma.local [hbm:s4], s20  }
0x9e: {  	_ =	swait.ge [sflag:s22], s20  }
0x9f: {  	s3 =	ssub.s32 $0x0, s20;
	[sflag:s22] =	ssyncset.done $0x0  }
0xa0: {  	[sflag:s22] =	ssyncadd.s32 s3;
	_ =	sdelay $0x1  }
0xa1: {  	s23 =	simm.s32 $0x1B8B  }
0xa2: {  	_ =	swait.ge [sflag:s23], $0x1  }
0xa3: {  	[sflag:s23] =	ssyncset.done $0x0  }
0xa4: {  	s25 =	simm.s32 $0x1B8E;
	s24 =	sld [smem:$0x3FFE];
	[sflag:s23] =	ssyncadd.s32 $0xFFFFFFFF  }
0xa5: {  	s26 =	simm.s32 $execute0_lowered;
	[smem:$0x3FD2] =	sst s25  }
0xa6: {  	s4 =	sshll.u32 s26, $0x1;
	_ =	strace $0x80000046;
	[dreg:$0x1] =	wrdreg $0xFFFFFFFF  }
0xa7: {  	s28 =	simm.s32 $_size_execute0_lowered;
	s2 =	sadd.s32 s2, s4;
	[dreg:$0x0] =	wrdreg $0x0  }
0xa8: {  	s4 =	sshll.u32 s28, $0x1;
	[dreg:$0x2] =	wrdreg s2  }
0xa9: {  	[dreg:$0x3] =	wrdreg s4  }
0xaa: {  	[dreg:$0x4] =	wrdreg $0xC0  }
0xab: {  	_ =	task [dreg:s6], $0x5FFFF  }
0xac: {  	[dreg:$0x1] =	wrdreg $0xFFFFFFFF  }
0xad: {  	[dreg:$0x0] =	wrdreg $0x60  }
0xae: {  	[dreg:$0x2] =	wrdreg s24  }
0xaf: {  	[dreg:$0x3] =	wrdreg $0x9  }
0xb0: {  	_ =	task.clear_ibuf [dreg:s6], $0x4FFFF;
	_ =	strace $0x90000046  }
0xb1: {  	s29 =	simm.s32 $0x9;
	_ =	strace $0x80000048  }
0xb2: {  	_ =	swait.ge [sflag:s29], $0x1  }
0xb3: {  	[sflag:s29] =	ssyncadd.s32 $0xFFFFFFFF  }
0xb4: {  	_ =	strace $0x90000048  }
0xb5: {  	_ =	sfence  }
0xb6: {  	s30 =	sld [smem:$0x0];
	_ =	sdelay $0x2  }
0xb7: {  	s31 =	sshll.u32 s1, $0xD;
	s1 =	sshrl.u32 s1, $0x2  }
0xb8: {  	s3 =	sand.u32 $0x4000, s31;
	s1 =	sadd.s32 s1, s30  }
0xb9: {  	s0 =	sor.u32 s3, s0;
	s1 =	sshll.u32 s1, $0x11  }
0xba: {  	s0 =	sor.u32 s1, s0  }
0xbb: {  	s0 =	sadd.s32 $0x8F2B, s0  }
0xbc: {  	[sflag:s0] =	ssyncadd.remote.s32 $0x1  }
0xbd: {  	_ =	sfence.sel $0xFFFF  }
0xbe: {  	[dreg:$0x0] =	wrdreg $0xFFFFFFFF;
	(pc) =	sbr.abs _section_cstart, $3  }
0xbf: {  	[dreg:$0x1] =	wrdreg $0xFFFFFFFF  }
0xc0: {  	_ =	task.clear_ibuf [dreg:s6], $0x2FFFF;
	_ =	strace $0x9FFFFFFF  }
0xc1: {  	(tm) =	ssettm $0x7FFFFFFF  }
tec
execute0_lowered:
.L_overlay_start_1:
0x0: {  	(tag) =	ssettag $0x1  }
0x1: {  	s0 =	srdreg.scid;
	s1 =	stileid.u32  }
0x2: {  	s0 =	sand.u32 $0x1, s0;
	s2 =	sshll.u32 s1, $0x1  }
0x3: {  	s3 =	rddreg [dreg:$0x0];
	s1 =	simm.s32 $0x0;
	s2 =	sor.u32 s0, s2  }
0x4: {  	s5 =	sadd.s32 $0x5600, s3;
	s0 =	ssub.s32 $0x2, s0;
	s4 =	smul.u32 $0xC40, s2  }
0x5: {  	s6 =	sadd.s32 $0x36600, s3;
	s2 =	smul.u32 $0x1880, s2;
	s7 =	sshrl.u32 s0, $0x1  }
0x6: {  	[smem:$0x7FF] =	sst s1;
	s7 =	ssub.s32 s0, s7;
	s4 =	sshrl.u32 s4, $0x3  }
0x7: {  	s8 =	sadd.s32 s2, s3;
	s19 =	sadd.s32 s5, s4;
	s0 =	sadd.s32 $0x3100, s4  }
0x8: {  	s2 =	sadd.s32 $0x6200, s4;
	s3 =	sadd.s32 $0x9300, s4;
	s10 =	sadd.s32 $0xF500, s4  }
0x9: {  	s11 =	sadd.s32 $0x12600, s4;
	[dreg:$0x2] =	wrdreg s19;
	s9 =	sadd.s32 s5, s0  }
0xa: {  	s13 =	sadd.s32 $0x18800, s4;
	s20 =	sadd.s32 s5, s2;
	[dreg:$0x3] =	wrdreg s9  }
0xb: {  	s14 =	sadd.s32 $0x1B900, s4;
	s21 =	sadd.s32 s5, s3;
	[dreg:$0x4] =	wrdreg s20  }
0xc: {  	s16 =	sadd.s32 $0x21B00, s4;
	s22 =	sadd.s32 s5, s10;
	[dreg:$0x5] =	wrdreg s21  }
0xd: {  	s17 =	sadd.s32 $0x24C00, s4;
	s23 =	sadd.s32 s5, s11;
	[dreg:$0x7] =	wrdreg s22  }
0xe: {  	s24 =	sadd.s32 s5, s13;
	s25 =	sadd.s32 s5, s14;
	[dreg:$0x8] =	wrdreg s23  }
0xf: {  	s26 =	sadd.s32 s5, s16;
	s28 =	sadd.s32 s5, s17;
	[dreg:$0xa] =	wrdreg s24  }
0x10: {  	s19 =	sadd.s32 $0x2AE00, s4;
	s0 =	sadd.s32 s6, s0;
	[dreg:$0xb] =	wrdreg s25  }
0x11: {  	s31 =	sadd.s32 s6, s16;
	s16 =	simm.s32 $0x6E40;
	[dreg:$0xd] =	wrdreg s26  }
0x12: {  	s9 =	sadd.s32 $0xC400, s4;
	[dreg:$0xe] =	wrdreg s28;
	s20 =	sadd.s32 $0x2DF00, s4  }
0x13: {  	s29 =	sadd.s32 s5, s19;
	[dreg:$0x13] =	wrdreg s0;
	s22 =	sadd.s32 s6, s3  }
0x14: {  	s24 =	sadd.s32 s6, s10;
	s25 =	sadd.s32 s6, s11;
	[dreg:$0x10] =	wrdreg s29  }
0x15: {  	s28 =	sadd.s32 s6, s13;
	s10 =	simm.s32 $0x24C0;
	[dreg:$0x15] =	wrdreg s22  }
0x16: {  	s11 =	simm.s32 $0x3100;
	s13 =	simm.s32 $0x4980;
	[dreg:$0x17] =	wrdreg s24  }
0x17: {  	s12 =	sadd.s32 s5, s9;
	s23 =	sadd.s32 s6, s9;
	[dreg:$0x18] =	wrdreg s25  }
0x18: {  	[dreg:$0x1a] =	wrdreg s28;
	s29 =	sadd.s32 s6, s14;
	s3 =	sadd.s32 s6, s20  }
0x19: {  	s9 =	simm.s32 $0x1880;
	s14 =	simm.s32 $0x55C0;
	[dreg:$0x6] =	wrdreg s12  }
0x1a: {  	s22 =	simm.s32 $0xB7C0;
	s12 =	sadd.s32 $0x15700, s4;
	[dreg:$0x16] =	wrdreg s23  }
0x1b: {  	s24 =	simm.s32 $0x0;
	[dreg:$0x1b] =	wrdreg s29;
	s15 =	sadd.s32 s5, s12  }
0x1c: {  	s23 =	simm.s32 $0xC400;
	s26 =	sadd.s32 s6, s12;
	[dreg:$0x9] =	wrdreg s15  }
0x1d: {  	s12 =	simm.s32 $0x3D40;
	s15 =	sadd.s32 $0x1EA00, s4;
	[dreg:$0x19] =	wrdreg s26  }
0x1e: {  	s26 =	sadd.s32 s6, s17;
	s17 =	simm.s32 $0x7A80;
	s18 =	sadd.s32 s5, s15  }
0x1f: {  	s30 =	sadd.s32 s6, s15;
	[dreg:$0xc] =	wrdreg s18;
	s18 =	sadd.s32 $0x27D00, s4  }
0x20: {  	s15 =	simm.s32 $0x6200;
	s4 =	sadd.s32 s6, s4;
	s21 =	sadd.s32 s5, s18  }
0x21: {  	s5 =	sadd.s32 s5, s20;
	[dreg:$0x12] =	wrdreg s4;
	s0 =	sadd.s32 s6, s18  }
0x22: {  	s4 =	sadd.s32 $0x67600, s8;
	s18 =	simm.s32 $0x86C0;
	[dreg:$0xf] =	wrdreg s21  }
0x23: {  	s20 =	simm.s32 $0x9F40;
	[dreg:$0x11] =	wrdreg s5;
	s21 =	sadd.s32 s6, s2  }
0x24: {  	s2 =	sadd.s32 s6, s19;
	s5 =	sadd.s32 $0x98600, s8;
	s6 =	smax.u32 s7, $0x1  }
0x25: {  	v0 =	vlaneseq.u32;
	s7 =	simm.s32 $0x1;
	s8 =	simm.s32 $0xC40;
	[dreg:$0x14] =	wrdreg s21  }
0x26: {  	v0 =	vmul.u32 $0xC40, v0;
	s19 =	simm.s32 $0x9300;
	s21 =	simm.s32 $0xAB80;
	_ =	strace $0x80000047  }
.LBB2_1:
0x27: {  	s25 =	rddreg [dreg:$0x2]  }
0x28: {  	[tilespmem:s1], [sflag:$0x1] =	stream.linear.gather [hbm4b:s25+s1], $0xC40, $0x38;
	[tilespmem:$0x18800] =	vst v63  }
0x29: {  	_ =	swait.ge [sflag:s7], $0xC40  }
0x2a: {  	[sflag:s7] =	ssyncset.done $0x0  }
0x2b: {  	s29 =	rddreg [dreg:$0x3];
	[sflag:s7] =	ssyncadd.s32 $0xFFFFF3C0  }
0x2c: {  	[tilespmem:s8], [sflag:$0x1] =	stream.linear.gather [hbm4b:s29+s1], $0xC40, $0x38;
	[tilespmem:$0x18800] =	vst v63  }
0x2d: {  	_ =	swait.ge [sflag:s7], $0xC40  }
0x2e: {  	[sflag:s7] =	ssyncset.done $0x0  }
0x2f: {  	s29 =	rddreg [dreg:$0x4];
	[sflag:s7] =	ssyncadd.s32 $0xFFFFF3C0  }
0x30: {  	[tilespmem:s9], [sflag:$0x1] =	stream.linear.gather [hbm4b:s29+s1], $0xC40, $0x38;
	[tilespmem:$0x18800] =	vst v63  }
0x31: {  	_ =	swait.ge [sflag:s7], $0xC40  }
0x32: {  	[sflag:s7] =	ssyncset.done $0x0  }
0x33: {  	s29 =	rddreg [dreg:$0x5];
	[sflag:s7] =	ssyncadd.s32 $0xFFFFF3C0  }
0x34: {  	[tilespmem:s10], [sflag:$0x1] =	stream.linear.gather [hbm4b:s29+s1], $0xC40, $0x38;
	[tilespmem:$0x18800] =	vst v63  }
0x35: {  	_ =	swait.ge [sflag:s7], $0xC40  }
0x36: {  	[sflag:s7] =	ssyncset.done $0x0  }
0x37: {  	s29 =	rddreg [dreg:$0x6];
	[sflag:s7] =	ssyncadd.s32 $0xFFFFF3C0  }
0x38: {  	[tilespmem:s11], [sflag:$0x1] =	stream.linear.gather [hbm4b:s29+s1], $0xC40, $0x38;
	[tilespmem:$0x18800] =	vst v63  }
0x39: {  	_ =	swait.ge [sflag:s7], $0xC40  }
0x3a: {  	[sflag:s7] =	ssyncset.done $0x0  }
0x3b: {  	s29 =	rddreg [dreg:$0x7];
	[sflag:s7] =	ssyncadd.s32 $0xFFFFF3C0  }
0x3c: {  	[tilespmem:s12], [sflag:$0x1] =	stream.linear.gather [hbm4b:s29+s1], $0xC40, $0x38;
	[tilespmem:$0x18800] =	vst v63  }
0x3d: {  	_ =	swait.ge [sflag:s7], $0xC40  }
0x3e: {  	[sflag:s7] =	ssyncset.done $0x0  }
0x3f: {  	s29 =	rddreg [dreg:$0x8];
	[sflag:s7] =	ssyncadd.s32 $0xFFFFF3C0  }
0x40: {  	[tilespmem:s13], [sflag:$0x1] =	stream.linear.gather [hbm4b:s29+s1], $0xC40, $0x38;
	[tilespmem:$0x18800] =	vst v63  }
0x41: {  	_ =	swait.ge [sflag:s7], $0xC40  }
0x42: {  	[sflag:s7] =	ssyncset.done $0x0  }
0x43: {  	s29 =	rddreg [dreg:$0x9];
	[sflag:s7] =	ssyncadd.s32 $0xFFFFF3C0  }
0x44: {  	[tilespmem:s14], [sflag:$0x1] =	stream.linear.gather [hbm4b:s29+s1], $0xC40, $0x38;
	[tilespmem:$0x18800] =	vst v63  }
0x45: {  	_ =	swait.ge [sflag:s7], $0xC40  }
0x46: {  	[sflag:s7] =	ssyncset.done $0x0  }
0x47: {  	s29 =	rddreg [dreg:$0xa];
	[sflag:s7] =	ssyncadd.s32 $0xFFFFF3C0  }
0x48: {  	[tilespmem:s15], [sflag:$0x1] =	stream.linear.gather [hbm4b:s29+s1], $0xC40, $0x38;
	[tilespmem:$0x18800] =	vst v63  }
0x49: {  	_ =	swait.ge [sflag:s7], $0xC40  }
0x4a: {  	[sflag:s7] =	ssyncset.done $0x0  }
0x4b: {  	s29 =	rddreg [dreg:$0xb];
	[sflag:s7] =	ssyncadd.s32 $0xFFFFF3C0  }
0x4c: {  	[tilespmem:s16], [sflag:$0x1] =	stream.linear.gather [hbm4b:s29+s1], $0xC40, $0x38;
	[tilespmem:$0x18800] =	vst v63  }
0x4d: {  	_ =	swait.ge [sflag:s7], $0xC40  }
0x4e: {  	[sflag:s7] =	ssyncset.done $0x0  }
0x4f: {  	s29 =	rddreg [dreg:$0xc];
	[sflag:s7] =	ssyncadd.s32 $0xFFFFF3C0  }
0x50: {  	[tilespmem:s17], [sflag:$0x1] =	stream.linear.gather [hbm4b:s29+s1], $0xC40, $0x38;
	[tilespmem:$0x18800] =	vst v63  }
0x51: {  	_ =	swait.ge [sflag:s7], $0xC40  }
0x52: {  	[sflag:s7] =	ssyncset.done $0x0  }
0x53: {  	s29 =	rddreg [dreg:$0xd];
	[sflag:s7] =	ssyncadd.s32 $0xFFFFF3C0  }
0x54: {  	[tilespmem:s18], [sflag:$0x1] =	stream.linear.gather [hbm4b:s29+s1], $0xC40, $0x38;
	[tilespmem:$0x18800] =	vst v63  }
0x55: {  	_ =	swait.ge [sflag:s7], $0xC40  }
0x56: {  	[sflag:s7] =	ssyncset.done $0x0  }
0x57: {  	s29 =	rddreg [dreg:$0xe];
	[sflag:s7] =	ssyncadd.s32 $0xFFFFF3C0  }
0x58: {  	[tilespmem:s19], [sflag:$0x1] =	stream.linear.gather [hbm4b:s29+s1], $0xC40, $0x38;
	[tilespmem:$0x18800] =	vst v63  }
0x59: {  	_ =	swait.ge [sflag:s7], $0xC40  }
0x5a: {  	[sflag:s7] =	ssyncset.done $0x0  }
0x5b: {  	s29 =	rddreg [dreg:$0xf];
	[sflag:s7] =	ssyncadd.s32 $0xFFFFF3C0  }
0x5c: {  	[tilespmem:s20], [sflag:$0x1] =	stream.linear.gather [hbm4b:s29+s1], $0xC40, $0x38;
	[tilespmem:$0x18800] =	vst v63  }
0x5d: {  	_ =	swait.ge [sflag:s7], $0xC40  }
0x5e: {  	[sflag:s7] =	ssyncset.done $0x0  }
0x5f: {  	s29 =	rddreg [dreg:$0x10];
	[sflag:s7] =	ssyncadd.s32 $0xFFFFF3C0  }
0x60: {  	[tilespmem:s21], [sflag:$0x1] =	stream.linear.gather [hbm4b:s29+s1], $0xC40, $0x38;
	[tilespmem:$0x18800] =	vst v63  }
0x61: {  	_ =	swait.ge [sflag:s7], $0xC40  }
0x62: {  	[sflag:s7] =	ssyncset.done $0x0  }
0x63: {  	v1 =	vadd.s32 s1, v0;
	s29 =	rddreg [dreg:$0x11];
	[sflag:s7] =	ssyncadd.s32 $0xFFFFF3C0  }
0x64: {  	[tilespmem:s22], [sflag:$0x1] =	stream.linear.gather [hbm4b:s29+s1], $0xC40, $0x38;
	[tilespmem:$0x18800] =	vst v63  }
0x65: {  	_ =	swait.ge [sflag:s7], $0xC40  }
0x66: {  	[sflag:s7] =	ssyncset.done $0x0  }
0x67: {  	[sflag:s7] =	ssyncadd.s32 $0xFFFFF3C0  }
0x68: {  	s29 =	simm.s32 $0x1;
	v1 =	vld.idx.msk [tilespmem:v1+s1+$0x0], $0xffff  }
0x69: {  	v2 =	vadd.s32 s29, v0;
	_ =	sdelay $0x3  }
0x6a: {  	[tilespmem:s23+$0x0] =	vst v1  }
0x6b: {  	s29 =	simm.s32 $0x2;
	v1 =	vld.idx.msk [tilespmem:v2+s1+$0x0], $0xffff  }
0x6c: {  	s28 =	simm.s32 $0x3;
	s25 =	simm.s32 $0xC400;
	v2 =	vadd.s32 s29, v0  }
.LBB2_2:
0x6d: {  	p0 =	sne.s32 s28, $0xC3F;
	_ =	sdelay $0x1  }
.Ltmp0:
0x6e: {  	s25 =	sadd.s32 $0x10, s25;
	(pc) =	sbr.rel @p0 .LBB2_2-.Ltmp0, $3  }
0x6f: {  	[tilespmem:s25+$0x0] =	vst v1  }
0x70: {  	v1 =	vld.idx.msk [tilespmem:v2+s1+$0x0], $0xffff;
	_ =	sdelay $0x1  }
0x71: {  	v2 =	vadd.s32 s28, v0;
	s28 =	sadd.s32 $0x1, s28  }
0x72: {  	_ =	sdelay $0x1  }
0x73: {  	s25 =	sadd.s32 $0x10, s25  }
0x74: {  	[tilespmem:s25+$0x0] =	vst v1  }
0x75: {  	v1 =	vld.idx.msk [tilespmem:v2+s1+$0x0], $0xffff;
	_ =	sdelay $0x3  }
0x76: {  	s25 =	sadd.s32 $0x10, s25  }
0x77: {  	s28 =	simm.s32 $0x0;
	[tilespmem:s25+$0x0] =	vst v1;
	s25 =	simm.s32 $0xC400  }
0x78: {  	[hbm4b:s4+s28] =	stream.linear.scatter [tilespmem:s25], [sflag:$0x1], $0xC400, $0x38;
	[tilespmem:$0x18800] =	vst v63  }
0x79: {  	_ =	swait.ge [sflag:s7], $0xC400  }
0x7a: {  	[sflag:s7] =	ssyncset.done $0x0  }
0x7b: {  	s29 =	rddreg [dreg:$0x12];
	[sflag:s7] =	ssyncadd.s32 $0xFFFF3C00  }
0x7c: {  	[tilespmem:s28], [sflag:$0x1] =	stream.linear.gather [hbm4b:s29+s28], $0xC40, $0x38;
	[tilespmem:$0x18800] =	vst v63  }
0x7d: {  	_ =	swait.ge [sflag:s7], $0xC40  }
0x7e: {  	[sflag:s7] =	ssyncset.done $0x0  }
0x7f: {  	s29 =	rddreg [dreg:$0x13];
	[sflag:s7] =	ssyncadd.s32 $0xFFFFF3C0  }
0x80: {  	[tilespmem:s8], [sflag:$0x1] =	stream.linear.gather [hbm4b:s29+s28], $0xC40, $0x38;
	[tilespmem:$0x18800] =	vst v63  }
0x81: {  	_ =	swait.ge [sflag:s7], $0xC40  }
0x82: {  	[sflag:s7] =	ssyncset.done $0x0  }
0x83: {  	s29 =	rddreg [dreg:$0x14];
	[sflag:s7] =	ssyncadd.s32 $0xFFFFF3C0  }
0x84: {  	[tilespmem:s9], [sflag:$0x1] =	stream.linear.gather [hbm4b:s29+s28], $0xC40, $0x38;
	[tilespmem:$0x18800] =	vst v63  }
0x85: {  	_ =	swait.ge [sflag:s7], $0xC40  }
0x86: {  	[sflag:s7] =	ssyncset.done $0x0  }
0x87: {  	s29 =	rddreg [dreg:$0x15];
	[sflag:s7] =	ssyncadd.s32 $0xFFFFF3C0  }
0x88: {  	[tilespmem:s10], [sflag:$0x1] =	stream.linear.gather [hbm4b:s29+s28], $0xC40, $0x38;
	[tilespmem:$0x18800] =	vst v63  }
0x89: {  	_ =	swait.ge [sflag:s7], $0xC40  }
0x8a: {  	[sflag:s7] =	ssyncset.done $0x0  }
0x8b: {  	s29 =	rddreg [dreg:$0x16];
	[sflag:s7] =	ssyncadd.s32 $0xFFFFF3C0  }
0x8c: {  	[tilespmem:s11], [sflag:$0x1] =	stream.linear.gather [hbm4b:s29+s28], $0xC40, $0x38;
	[tilespmem:$0x18800] =	vst v63  }
0x8d: {  	_ =	swait.ge [sflag:s7], $0xC40  }
0x8e: {  	[sflag:s7] =	ssyncset.done $0x0  }
0x8f: {  	s29 =	rddreg [dreg:$0x17];
	[sflag:s7] =	ssyncadd.s32 $0xFFFFF3C0  }
0x90: {  	[tilespmem:s12], [sflag:$0x1] =	stream.linear.gather [hbm4b:s29+s28], $0xC40, $0x38;
	[tilespmem:$0x18800] =	vst v63  }
0x91: {  	_ =	swait.ge [sflag:s7], $0xC40  }
0x92: {  	[sflag:s7] =	ssyncset.done $0x0  }
0x93: {  	s29 =	rddreg [dreg:$0x18];
	[sflag:s7] =	ssyncadd.s32 $0xFFFFF3C0  }
0x94: {  	[tilespmem:s13], [sflag:$0x1] =	stream.linear.gather [hbm4b:s29+s28], $0xC40, $0x38;
	[tilespmem:$0x18800] =	vst v63  }
0x95: {  	_ =	swait.ge [sflag:s7], $0xC40  }
0x96: {  	[sflag:s7] =	ssyncset.done $0x0  }
0x97: {  	s29 =	rddreg [dreg:$0x19];
	[sflag:s7] =	ssyncadd.s32 $0xFFFFF3C0  }
0x98: {  	[tilespmem:s14], [sflag:$0x1] =	stream.linear.gather [hbm4b:s29+s28], $0xC40, $0x38;
	[tilespmem:$0x18800] =	vst v63  }
0x99: {  	_ =	swait.ge [sflag:s7], $0xC40  }
0x9a: {  	[sflag:s7] =	ssyncset.done $0x0  }
0x9b: {  	s29 =	rddreg [dreg:$0x1a];
	[sflag:s7] =	ssyncadd.s32 $0xFFFFF3C0  }
0x9c: {  	[tilespmem:s15], [sflag:$0x1] =	stream.linear.gather [hbm4b:s29+s28], $0xC40, $0x38;
	[tilespmem:$0x18800] =	vst v63  }
0x9d: {  	_ =	swait.ge [sflag:s7], $0xC40  }
0x9e: {  	[sflag:s7] =	ssyncset.done $0x0  }
0x9f: {  	s29 =	rddreg [dreg:$0x1b];
	[sflag:s7] =	ssyncadd.s32 $0xFFFFF3C0  }
0xa0: {  	[tilespmem:s16], [sflag:$0x1] =	stream.linear.gather [hbm4b:s29+s28], $0xC40, $0x38;
	[tilespmem:$0x18800] =	vst v63  }
0xa1: {  	_ =	swait.ge [sflag:s7], $0xC40  }
0xa2: {  	[sflag:s7] =	ssyncset.done $0x0  }
0xa3: {  	[sflag:s7] =	ssyncadd.s32 $0xFFFFF3C0  }
0xa4: {  	[tilespmem:s17], [sflag:$0x1] =	stream.linear.gather [hbm4b:s30+s28], $0xC40, $0x38;
	[tilespmem:$0x18800] =	vst v63  }
0xa5: {  	_ =	swait.ge [sflag:s7], $0xC40  }
0xa6: {  	[sflag:s7] =	ssyncset.done $0x0  }
0xa7: {  	[sflag:s7] =	ssyncadd.s32 $0xFFFFF3C0  }
0xa8: {  	[tilespmem:s18], [sflag:$0x1] =	stream.linear.gather [hbm4b:s31+s28], $0xC40, $0x38;
	[tilespmem:$0x18800] =	vst v63  }
0xa9: {  	_ =	swait.ge [sflag:s7], $0xC40  }
0xaa: {  	[sflag:s7] =	ssyncset.done $0x0  }
0xab: {  	[sflag:s7] =	ssyncadd.s32 $0xFFFFF3C0  }
0xac: {  	[tilespmem:s19], [sflag:$0x1] =	stream.linear.gather [hbm4b:s26+s28], $0xC40, $0x38;
	[tilespmem:$0x18800] =	vst v63  }
0xad: {  	_ =	swait.ge [sflag:s7], $0xC40  }
0xae: {  	[sflag:s7] =	ssyncset.done $0x0  }
0xaf: {  	[sflag:s7] =	ssyncadd.s32 $0xFFFFF3C0  }
0xb0: {  	[tilespmem:s20], [sflag:$0x1] =	stream.linear.gather [hbm4b:s0+s28], $0xC40, $0x38;
	[tilespmem:$0x18800] =	vst v63  }
0xb1: {  	_ =	swait.ge [sflag:s7], $0xC40  }
0xb2: {  	[sflag:s7] =	ssyncset.done $0x0  }
0xb3: {  	[sflag:s7] =	ssyncadd.s32 $0xFFFFF3C0  }
0xb4: {  	[tilespmem:s21], [sflag:$0x1] =	stream.linear.gather [hbm4b:s2+s28], $0xC40, $0x38;
	[tilespmem:$0x18800] =	vst v63  }
0xb5: {  	_ =	swait.ge [sflag:s7], $0xC40  }
0xb6: {  	[sflag:s7] =	ssyncset.done $0x0  }
0xb7: {  	v1 =	vadd.s32 s28, v0;
	[sflag:s7] =	ssyncadd.s32 $0xFFFFF3C0  }
0xb8: {  	[tilespmem:s22], [sflag:$0x1] =	stream.linear.gather [hbm4b:s3+s28], $0xC40, $0x38;
	[tilespmem:$0x18800] =	vst v63  }
0xb9: {  	_ =	swait.ge [sflag:s7], $0xC40  }
0xba: {  	[sflag:s7] =	ssyncset.done $0x0  }
0xbb: {  	[sflag:s7] =	ssyncadd.s32 $0xFFFFF3C0  }
0xbc: {  	s28 =	simm.s32 $0x1;
	v1 =	vld.idx.msk [tilespmem:v1+s1+$0x0], $0xffff  }
0xbd: {  	v2 =	vadd.s32 s28, v0;
	_ =	sdelay $0x3  }
0xbe: {  	[tilespmem:s25+$0x0] =	vst v1  }
0xbf: {  	s28 =	simm.s32 $0x2;
	v1 =	vld.idx.msk [tilespmem:v2+s1+$0x0], $0xffff  }
0xc0: {  	v2 =	vadd.s32 s28, v0;
	s28 =	simm.s32 $0x3  }
.LBB2_4:
0xc1: {  	p0 =	sne.s32 s28, $0xC3F;
	_ =	sdelay $0x1  }
.Ltmp1:
0xc2: {  	s25 =	sadd.s32 $0x10, s25;
	(pc) =	sbr.rel @p0 .LBB2_4-.Ltmp1, $3  }
0xc3: {  	[tilespmem:s25+$0x0] =	vst v1  }
0xc4: {  	v1 =	vld.idx.msk [tilespmem:v2+s1+$0x0], $0xffff;
	_ =	sdelay $0x1  }
0xc5: {  	v2 =	vadd.s32 s28, v0;
	s28 =	sadd.s32 $0x1, s28  }
0xc6: {  	_ =	sdelay $0x1  }
0xc7: {  	s25 =	sadd.s32 $0x10, s25  }
0xc8: {  	[tilespmem:s25+$0x0] =	vst v1  }
0xc9: {  	v1 =	vld.idx.msk [tilespmem:v2+s1+$0x0], $0xffff;
	_ =	sdelay $0x2  }
0xca: {  	s24 =	sadd.s32 $0x1, s24  }
0xcb: {  	p0 =	sne.s32 s24, s6;
	s25 =	sadd.s32 $0x10, s25  }
.Ltmp2:
0xcc: {  	[tilespmem:s25+$0x0] =	vst v1;
	(pc) =	sbr.rel @p0 .LBB2_1-.Ltmp2, $4  }
0xcd: {  	[hbm4b:s5+s1] =	stream.linear.scatter [tilespmem:s23], [sflag:$0x1], $0xC400, $0x38;
	[tilespmem:$0x18800] =	vst v63  }
0xce: {  	_ =	swait.ge [sflag:s7], $0xC400  }
0xcf: {  	[sflag:s7] =	ssyncset.done $0x0  }
0xd0: {  	[sflag:s7] =	ssyncadd.s32 $0xFFFF3C00  }
0xd1: {  	_ =	sfence.sel $0x180000  }
0xd2: {  	[bflag:$0x0] =	sbarrier.arrive $0xFFFF  }
0xd3: {  	_ =	strace $0x90000047  }
0xd4: {  	s0 =	stileid.u32;
	[bflag:$0x2] =	sbarrier.arrive $0xFFFF  }
0xd5: {  	p0 =	sne.s32 s0, $0x0;
	s0 =	rddreg [dreg:$0x1]  }
0xd6: {  	s0 =	sadd.s32 @!p0 $0x100000, s0  }
0xd7: {  	[sflag:s0] =	ssyncadd.tile.s32 @!p0 $0x1;
	_ =	shalt  }
.Lfunc_end2:
_tile_overlayer_lowered:
.L_overlay_start_2:
0xd8: {  	(tag) =	ssettag $0x2  }
0xd9: {  	s0 =	rddreg [dreg:$0x0];
	s2 =	stileid.u32  }
0xda: {  	s1 =	rddreg [dreg:$0x1];
	p0 =	sne.s32 s2, $0x0  }
0xdb: {  	s3 =	rddreg [dreg:$0x2];
	[bflag:$0x3] =	sbarrier.arrive $0xFFFF;
	s2 =	simm.s32 @!p0 $0x1C01  }
0xdc: {  	[timem:s3], [sflag:s2] =	dma.local @!p0 [hbm:s0], s1  }
0xdd: {  	s0 =	simm.s32 @!p0 $0x1  }
0xde: {  	_ =	swait.ge @!p0 [sflag:s0], s1  }
0xdf: {  	s1 =	ssub.s32 @!p0 $0x0, s1;
	[sflag:s0] =	ssyncset.done @!p0 $0x0  }
0xe0: {  	[sflag:s0] =	ssyncadd.s32 @!p0 s1  }
0xe1: {  	[bflag:$0x3] =	sbarrier.arrive $0xFFFF  }
0xe2: {  	_ =	shalt  }

// kernel: kernel.8.cloned.1.call-start
scs
__scs_entry_jumppad:
0x0: {  	(pc) =	sbr.rel $0x88, $3  }
0x1: {  	(tag) =	ssettag $0x0;
	lr =	simm.s32 $0x1  }
0x2: {  	[smem:$0x3F9D] =	sst lr;
	_ =	strace $0xD0000000  }
0x3: {  	_ = 	snop  }
0x4: {  	_ = 	snop  }
0x5: {  	_ = 	snop  }
0x6: {  	_ = 	snop  }
0x7: {  	_ = 	snop  }
__scs_overlays_trampoline_lowered:
0x8: {  	[smem:$0x3FAC] =	sst s0  }
0x9: {  	[smem:$0x3FAD] =	sst s1  }
0xa: {  	[smem:$0x3FAE] =	sst s2  }
0xb: {  	[smem:$0x3FAF] =	sst s3  }
0xc: {  	[smem:$0x3FB0] =	sst s4  }
0xd: {  	[smem:$0x3FB1] =	sst s5  }
0xe: {  	[smem:$0x3FB2] =	sst s6  }
0xf: {  	[smem:$0x3FB3] =	sst s7  }
0x10: {  	[smem:$0x3FB4] =	sst s8  }
0x11: {  	[smem:$0x3FB5] =	sst s9;
	s0 =	simm.s32 @!p0 $0x0  }
0x12: {  	s1 =	sld [smem:$0x3F9B];
	s0 =	simm.s32 @p0 $0x1  }
0x13: {  	[smem:$0x3FB6] =	sst s0;
	s0 =	simm.s32 @!p1 $0x0  }
0x14: {  	s2 =	sld [smem:$0x3F9A];
	s0 =	simm.s32 @p1 $0x1  }
0x15: {  	[smem:$0x3FB7] =	sst s0;
	s0 =	simm.s32 @!p2 $0x0  }
0x16: {  	s3 =	sld [smem:$0x3FDB];
	s0 =	simm.s32 @p2 $0x1  }
0x17: {  	s4 =	simm.s32 $0x1BF5;
	[smem:$0x3FB9] =	sst s0  }
0x18: {  	s0 =	sld [smem:$0x3F9C];
	_ =	swait.ge [sflag:s4], $0x0  }
0x19: {  	s7 =	sld [smem:$0x3F9D]  }
0x1a: {  	s8 =	sadd.s32 $0xFFFFE003, lr  }
0x1b: {  	s9 =	sadd.s32 $0xFFFFFEF7, lr;
	s5 =	simm.s32 $0xFFFFFFFF;
	p2 =	slt.u32 s8, $0xFFFFF086  }
0x1c: {  	p1 =	slt.u32 s9, $0xF7A;
	s5 =	simm.s32 @!p2 $0x0  }
0x1d: {  	s5 =	simm.s32 @p1 $0x1;
	p0 =	seq.s32 s7, s2  }
0x1e: {  	s7 =	smul.u32 @!p0 $0xF7A, s2;
	p2 =	seq.s32 @!p0 s5, $0x0  }
0x1f: {  	s9 =	smul.u32 $0xF7A, s1;
	s8 =	simm.s32 @!p0 $0x1BF5;
	p2 =	por !p2, p0  }
0x20: {  	[sflag:s8] =	ssyncset.s32 @!p0 $0xFFFFF086;
	s6 =	sadd.s32 @!p0 s3, s7;
	s7 =	simm.s32 @!p0 $0x108  }
0x21: {  	s3 =	sadd.s32 s3, s9;
	s6 =	sadd.s32 @!p0 $0x88, s6;
	s7 =	simm.s32 @p2 $0x1082  }
0x22: {  	[simem:s7], [sflag:s8] =	dma.local @!p0 [hbm:s6], $0xF7A  }
0x23: {  	s9 =	sor.u32 $0xD0000000, s2;
	s6 =	simm.s32 $0x108;
	_ =	swait.ge @!p0 [sflag:s8], $0x0  }
0x24: {  	s3 =	sadd.s32 $0x88, s3;
	s6 =	simm.s32 @!p1 $0x1082;
	[sflag:s4] =	ssyncset.s32 $0xFFFFF086  }
0x25: {  	[simem:s6], [sflag:s4] =	dma.local [hbm:s3], $0xF7A  }
0x26: {  	[smem:$0x3F9D] =	sst s1;
	(tag) =	ssettag s2;
	_ =	strace s9  }
0x27: {  	s1 =	sld [smem:$0x3FAD]  }
0x28: {  	s2 =	sld [smem:$0x3FAE]  }
0x29: {  	s4 =	sld [smem:$0x3FB0]  }
0x2a: {  	p0 =	seq.s32 s5, $0x0;
	s5 =	sld [smem:$0x3FB1]  }
0x2b: {  	s6 =	sld [smem:$0x3FB2]  }
0x2c: {  	s7 =	sld [smem:$0x3FB3]  }
0x2d: {  	s3 =	simm.s32 $0x108;
	s8 =	sld [smem:$0x3FB4]  }
0x2e: {  	s3 =	simm.s32 @!p0 $0x1082;
	s9 =	sld [smem:$0x3FB5]  }
0x2f: {  	lr =	sadd.s32 s0, s3;
	s0 =	sld [smem:$0x3FAC]  }
0x30: {  	s3 =	sld [smem:$0x3FAF]  }
0x31: {  	[smem:$0x3FB8] =	sst s10  }
0x32: {  	s10 =	sld [smem:$0x3FB6];
	_ =	sdelay $0x3  }
0x33: {  	p0 =	seq.s32 s10, $0x1;
	s10 =	sld [smem:$0x3FB8];
	_ =	sdelay $0x3  }
0x34: {  	[smem:$0x3FB8] =	sst s10  }
0x35: {  	s10 =	sld [smem:$0x3FB7];
	_ =	sdelay $0x3  }
0x36: {  	p1 =	seq.s32 s10, $0x1;
	s10 =	sld [smem:$0x3FB8];
	_ =	sdelay $0x3  }
0x37: {  	[smem:$0x3FB8] =	sst s10  }
0x38: {  	s10 =	sld [smem:$0x3FB9]  }
0x39: {  	_ = 	snop;
	(pc) =	sbr.ind lr, $3  }
0x3a: {  	_ = 	snop  }
0x3b: {  	_ = 	snop  }
0x3c: {  	p2 =	seq.s32 s10, $0x1;
	s10 =	sld [smem:$0x3FB8]  }
0x3d: {  	_ =	shalt  }
0x3e: {  	_ =	shalt  }
0x3f: {  	_ =	shalt  }
0x40: {  	_ =	shalt  }
0x41: {  	_ =	shalt  }
0x42: {  	_ =	shalt  }
0x43: {  	_ =	shalt  }
0x44: {  	_ =	shalt  }
0x45: {  	_ =	shalt  }
0x46: {  	_ =	shalt  }
0x47: {  	_ =	shalt  }
0x48: {  	_ =	shalt  }
0x49: {  	_ =	shalt  }
0x4a: {  	_ =	shalt  }
0x4b: {  	_ =	shalt  }
0x4c: {  	_ =	shalt  }
0x4d: {  	_ =	shalt  }
0x4e: {  	_ =	shalt  }
0x4f: {  	_ =	shalt  }
0x50: {  	_ =	shalt  }
0x51: {  	_ =	shalt  }
0x52: {  	_ =	shalt  }
0x53: {  	_ =	shalt  }
0x54: {  	_ =	shalt  }
0x55: {  	_ =	shalt  }
0x56: {  	_ =	shalt  }
0x57: {  	_ =	shalt  }
0x58: {  	_ =	shalt  }
0x59: {  	_ =	shalt  }
0x5a: {  	_ =	shalt  }
0x5b: {  	_ =	shalt  }
0x5c: {  	_ =	shalt  }
0x5d: {  	_ =	shalt  }
0x5e: {  	_ =	shalt  }
0x5f: {  	_ =	shalt  }
0x60: {  	_ =	shalt  }
0x61: {  	_ =	shalt  }
0x62: {  	_ =	shalt  }
0x63: {  	_ =	shalt  }
0x64: {  	_ =	shalt  }
0x65: {  	_ =	shalt  }
0x66: {  	_ =	shalt  }
0x67: {  	_ =	shalt  }
0x68: {  	_ =	shalt  }
0x69: {  	_ =	shalt  }
0x6a: {  	_ =	shalt  }
0x6b: {  	_ =	shalt  }
0x6c: {  	_ =	shalt  }
0x6d: {  	_ =	shalt  }
0x6e: {  	_ =	shalt  }
0x6f: {  	_ =	shalt  }
0x70: {  	_ =	shalt  }
0x71: {  	_ =	shalt  }
0x72: {  	_ =	shalt  }
0x73: {  	_ =	shalt  }
0x74: {  	_ =	shalt  }
0x75: {  	_ =	shalt  }
0x76: {  	_ =	shalt  }
0x77: {  	_ =	shalt  }
0x78: {  	_ =	shalt  }
0x79: {  	_ =	shalt  }
0x7a: {  	_ =	shalt  }
0x7b: {  	_ =	shalt  }
0x7c: {  	_ =	shalt  }
0x7d: {  	_ =	shalt  }
0x7e: {  	_ =	shalt  }
0x7f: {  	_ =	shalt  }
0x80: {  	_ =	shalt  }
0x81: {  	_ =	shalt  }
0x82: {  	_ =	shalt  }
0x83: {  	_ =	shalt  }
0x84: {  	_ =	shalt  }
0x85: {  	_ =	shalt  }
0x86: {  	_ =	shalt  }
0x87: {  	_ =	shalt  }
.Lfunc_end0:
.L_simem_size_0:
called_computation.1_lowered:
.L_overlay_start_0:
0x88: {  	s2 =	sld [smem:$0x3FD9]  }
0x89: {  	s3 =	sld [smem:$0x3FFE];
	_ =	sdelay $0x1  }
0x8a: {  	s1 =	srdreg.scid  }
0x8b: {  	s0 =	sand.u32 $0x1, s1  }
0x8c: {  	s16 =	sshll.u32 s0, $0xA;
	s2 =	sadd.s32 s3, s2  }
0x8d: {  	s2 =	sadd.s32 s2, s16  }
0x8e: {  	[smem:$0x3FC4] =	sst s2  }
0x8f: {  	_ = 	snop  }
0x90: {  	(tm) =	ssettm $0x1  }
0x91: {  	s17 =	sld [smem:$0x3FFB];
	_ =	sdelay $0x3  }
0x92: {  	_ =	strace s17  }
0x93: {  	s2 =	sld [smem:$0x3FFC];
	_ =	sdelay $0x3  }
0x94: {  	_ =	strace s2  }
0x95: {  	s2 =	sld [smem:$0x3FFD];
	_ =	sdelay $0x3  }
0x96: {  	_ =	strace s2  }
0x97: {  	_ =	strace $0x8FFFFFFF  }
0x98: {  	s18 =	sld [smem:$0x3FDB];
	_ =	sdelay $0x1  }
0x99: {  	s19 =	simm.s32 $_scs_section_size  }
0x9a: {  	s4 =	simm.s32 $_size__tile_overlayer_lowered;
	s5 =	simm.s32 $_tile_overlayer_lowered  }
0x9b: {  	s22 =	simm.s32 $0x1BFF;
	s21 =	sshll.u32 s5, $0x1;
	s2 =	sadd.s32 s19, s18  }
0x9c: {  	s6 =	simm.s32 $0x0;
	s20 =	sshll.u32 s4, $0x1;
	s4 =	sadd.s32 s21, s2  }
0x9d: {  	[timem:s6], [sflag:s22] =	dma.local [hbm:s4], s20  }
0x9e: {  	_ =	swait.ge [sflag:s22], s20  }
0x9f: {  	s3 =	ssub.s32 $0x0, s20;
	[sflag:s22] =	ssyncset.done $0x0  }
0xa0: {  	[sflag:s22] =	ssyncadd.s32 s3;
	_ =	sdelay $0x1  }
0xa1: {  	s23 =	simm.s32 $0x1B8B  }
0xa2: {  	_ =	swait.ge [sflag:s23], $0x1  }
0xa3: {  	[sflag:s23] =	ssyncset.done $0x0  }
0xa4: {  	s25 =	simm.s32 $0x1B8E;
	s24 =	sld [smem:$0x3FFE];
	[sflag:s23] =	ssyncadd.s32 $0xFFFFFFFF  }
0xa5: {  	s26 =	simm.s32 $execute0_lowered;
	[smem:$0x3FD2] =	sst s25  }
0xa6: {  	s4 =	sshll.u32 s26, $0x1;
	_ =	strace $0x80000049;
	[dreg:$0x1] =	wrdreg $0xFFFFFFFF  }
0xa7: {  	s28 =	simm.s32 $_size_execute0_lowered;
	s2 =	sadd.s32 s2, s4;
	[dreg:$0x0] =	wrdreg $0x0  }
0xa8: {  	s4 =	sshll.u32 s28, $0x1;
	[dreg:$0x2] =	wrdreg s2  }
0xa9: {  	[dreg:$0x3] =	wrdreg s4  }
0xaa: {  	[dreg:$0x4] =	wrdreg $0xC0  }
0xab: {  	_ =	task [dreg:s6], $0x5FFFF  }
0xac: {  	[dreg:$0x1] =	wrdreg $0xFFFFFFFF  }
0xad: {  	[dreg:$0x0] =	wrdreg $0x60  }
0xae: {  	[dreg:$0x2] =	wrdreg s24  }
0xaf: {  	[dreg:$0x3] =	wrdreg $0x9  }
0xb0: {  	_ =	task.clear_ibuf [dreg:s6], $0x4FFFF;
	_ =	strace $0x90000049  }
0xb1: {  	s29 =	simm.s32 $0x9;
	_ =	strace $0x8000004B  }
0xb2: {  	_ =	swait.ge [sflag:s29], $0x1  }
0xb3: {  	[sflag:s29] =	ssyncadd.s32 $0xFFFFFFFF  }
0xb4: {  	_ =	strace $0x9000004B  }
0xb5: {  	_ =	sfence  }
0xb6: {  	s30 =	sld [smem:$0x0];
	_ =	sdelay $0x2  }
0xb7: {  	s31 =	sshll.u32 s1, $0xD;
	s1 =	sshrl.u32 s1, $0x2  }
0xb8: {  	s3 =	sand.u32 $0x4000, s31;
	s1 =	sadd.s32 s1, s30  }
0xb9: {  	s0 =	sor.u32 s3, s0;
	s1 =	sshll.u32 s1, $0x11  }
0xba: {  	s0 =	sor.u32 s1, s0  }
0xbb: {  	s0 =	sadd.s32 $0x8F2B, s0  }
0xbc: {  	[sflag:s0] =	ssyncadd.remote.s32 $0x1  }
0xbd: {  	_ =	sfence.sel $0xFFFF  }
0xbe: {  	[dreg:$0x0] =	wrdreg $0xFFFFFFFF;
	(pc) =	sbr.abs _section_cstart, $3  }
0xbf: {  	[dreg:$0x1] =	wrdreg $0xFFFFFFFF  }
0xc0: {  	_ =	task.clear_ibuf [dreg:s6], $0x2FFFF;
	_ =	strace $0x9FFFFFFF  }
0xc1: {  	(tm) =	ssettm $0x7FFFFFFF  }
tec
execute0_lowered:
.L_overlay_start_1:
0x0: {  	(tag) =	ssettag $0x1  }
0x1: {  	s9 =	rddreg [dreg:$0x0];
	s3 =	srdreg.scid  }
0x2: {  	s0 =	stileid.u32;
	s2 =	simm.s32 $0x0;
	s15 =	simm.s32 $0x1A740  }
0x3: {  	s16 =	simm.s32 $0x1F780;
	s17 =	simm.s32 $0x40;
	s18 =	simm.s32 $0x1C680  }
0x4: {  	s19 =	simm.s32 $0x1E780;
	s10 =	sand.u32 $0x1, s3;
	s30 =	sshll.u32 s0, $0x1  }
0x5: {  	s20 =	simm.s32 $0x1D700;
	s21 =	simm.s32 $0x1EF80;
	s6 =	sor.u32 s10, s30  }
0x6: {  	s22 =	simm.s32 $0x0;
	[smem:$0x7FF] =	sst s2;
	s11 =	smul.u32 $0x6, s6  }
0x7: {  	s3 =	sadd.s32 $0x12B200, s9;
	s4 =	sadd.s32 $0xC9600, s9;
	s6 =	smul.u32 $0x186A0, s6  }
.Ltmp0:
0x8: {  	s5 =	sadd.s32 $0x2400, s9;
	s10 =	ssub.s32 $0x2, s10;
	(pc) =	sbr.rel .LBB2_1-.Ltmp0, $4  }
0x9: {  	s7 =	sadd.s32 $0x67600, s9;
	s8 =	sadd.s32 $0x98600, s9;
	s31 =	sshrl.u32 s10, $0x1  }
0xa: {  	_ =	strace $0x8000004A;
	s13 =	ssub.s32 s10, s31;
	s12 =	sshrl.u32 s6, $0x3  }
0xb: {  	s11 =	sadd.s32 s11, s9;
	s9 =	sadd.s32 s3, s12;
	s10 =	sadd.s32 s4, s12  }
0xc: {  	v0 =	vimm.s32 $0x0;
	v1 =	vimm.s32 $0x186A0;
	s11 =	sadd.s32 $0x5600, s11;
	s12 =	smax.u32 s13, $0x1;
	s13 =	simm.s32 $0x9  }
.LBB2_11:
0xd: {  	v4 =	vcvt.s32.f32 v4;
	[tilespmem:$0x1F790] =	vst v3;
	s22 =	sadd.s32 $0x1, s22  }
0xe: {  	[tilespmem:$0x1F7A0] =	vst v2;
	p0 =	sne.s32 s22, s12  }
.Ltmp1:
0xf: {  	[tilespmem:$0x1F780] =	vst v4;
	(pc) =	sbr.rel @!p0 .LBB2_12-.Ltmp1, $4  }
0x10: {  	[hbm4b:s11+s2] =	stream.linear.scatter [tilespmem:s16], [sflag:$0x9], $0x30, $0x38;
	[tilespmem:$0x1F7B0] =	vst v63  }
0x11: {  	_ =	swait.ge [sflag:s13], $0x30  }
0x12: {  	[sflag:s13] =	ssyncset.done $0x0  }
0x13: {  	[sflag:s13] =	ssyncadd.s32 $0xFFFFFFD0  }
.LBB2_1:
0x14: {  	[tilespmem:s2], [sflag:$0x9] =	stream.linear.gather [hbm4b:s5+s2], $0x18800, $0x38;
	[tilespmem:$0x1F7B0] =	vst v63  }
0x15: {  	_ =	swait.ge [sflag:s13], $0x18800  }
.Ltmp2:
0x16: {  	[sflag:s13] =	ssyncset.done $0x0;
	(pc) =	sbr.rel .LBB2_3-.Ltmp2, $4  }
0x17: {  	s0 =	simm.s32 $0x18800;
	[sflag:s13] =	ssyncadd.s32 $0xFFFE7800  }
0x18: {  	[tilespmem:s0], [sflag:$0x5] =	stream.linear.gather [hbm4b:s9+s2], $0xFA0, $0x38;
	[tilespmem:$0x1F7B0] =	vst v63  }
0x19: {  	p0 =	por $0x0, $0x0;
	s23 =	simm.s32 $0x0  }
0x1a: {  	v2 =	vimm.f32 $0.0e+00;
	v3 =	vimm.f32 $0.0e+00;
	v4 =	vimm.s32 $0x0;
	[tilespmem:s15], [sflag:$0x7] =	stream.linear.gather [hbm4b:s10+s2], $0xFA0, $0x38;
	[tilespmem:$0x1F7B0] =	vst v63  }
.LBB2_2:
0x1b: {  	p1 =	seq.s32 s23, $0x19  }
.Ltmp3:
0x1c: {  	_ = 	snop;
	(pc) =	sbr.rel @p1 .LBB2_11-.Ltmp3, $2  }
0x1d: {  	_ =	sdelay $0x2  }
0x1e: {  	p0 =	por !p0, !p0  }
.LBB2_3:
0x1f: {  	s24 =	smov.u32 s23  }
0x20: {  	s23 =	sadd.s32 $0x1, s23;
	p1 =	seq.s32 s24, $0x18  }
0x21: {  	s26 =	smul.u32 @!p1 $0xFA0, s23  }
0x22: {  	s28 =	simm.s32 $0x1;
	s25 =	sand.u32 @!p1 $0x1, s23  }
0x23: {  	s28 =	simm.s32 @!p0 $0x0;
	s29 =	smul.u32 @!p1 $0xFA0, s25;
	s26 =	sadd.s32 @!p1 s6, s26  }
0x24: {  	s28 =	smul.u32 $0x3E80, s28;
	s1 =	simm.s32 @!p1 $0x0;
	s26 =	sshrl.u32 @!p1 s26, $0x3  }
0x25: {  	s31 =	sadd.s32 @!p1 $0x5, s25;
	s30 =	sadd.s32 @!p1 $0x18800, s29;
	s0 =	sadd.s32 @!p1 s3, s26  }
0x26: {  	[tilespmem:s30], [sflag:s31] =	stream.linear.gather @!p1 [hbm4b:s0+s1], $0xFA0, $0x38;
	[tilespmem:$0x1F7B0] =	vst v63  }
0x27: {  	s25 =	sadd.s32 @!p1 $0x7, s25;
	s26 =	sadd.s32 @!p1 s4, s26;
	s0 =	sadd.s32 @!p1 $0x1A740, s29  }
0x28: {  	[tilespmem:s0], [sflag:s25] =	stream.linear.gather @!p1 [hbm4b:s26+s1], $0xFA0, $0x38;
	[tilespmem:$0x1F7B0] =	vst v63  }
0x29: {  	s26 =	sand.u32 $0x1, s24  }
0x2a: {  	s29 =	sshrl.u32 s28, $0x2;
	s24 =	sadd.s32 $0x5, s26  }
0x2b: {  	s30 =	sadd.s32 $0x1A740, s29;
	_ =	swait.ge [sflag:s24], $0xFA0  }
0x2c: {  	s1 =	sadd.s32 $0x18800, s29;
	v5 =	vmov s30;
	[sflag:s24] =	ssyncset.done $0x0  }
0x2d: {  	s0 =	sadd.s32 $0x7, s26;
	v6 =	vmov s1;
	[sflag:s24] =	ssyncadd.s32 $0xFFFFF060  }
0x2e: {  	_ =	swait.ge [sflag:s0], $0xFA0  }
0x2f: {  	[sflag:s0] =	ssyncset.done $0x0  }
0x30: {  	s31 =	simm.s32 $0x0;
	[sflag:s0] =	ssyncadd.s32 $0xFFFFF060  }
0x31: {  	v7 =	vld.idx.msk [tilespmem:v5+s31+$0x0 ss:$0x1], $0xffff  }
0x32: {  	v8 =	vld.idx.msk [tilespmem:v6+s31+$0x0 ss:$0x1], $0xffff;
	_ =	sdelay $0x6  }
0x33: {  	v9 =	vld.idx.msk [tilespmem:v7+s2+$0x0], $0xffff  }
0x34: {  	v10 =	vld.idx.msk [tilespmem:v8+s2+$0x0], $0xffff;
	_ =	sdelay $0x4  }
0x35: {  	v11 =	vxor.u32 v10, v9  }
0x36: {  	v11 =	vand.u32 $0xF, v11  }
0x37: {  	s24 =	simm.s32 $0x0;
	vm0 =	veq.s32 v11, $0x0  }
0x38: {  	[tilespmem:s24+$0x1C680] =	vst.msk vm0, v7;
	v7 =	vsel vm0, $0x1, v0  }
0x39: {  	v9 =	vand.u32 $0xFFFFFFF0, v9;
	v10 =	vand.u32 $0xFFFFFFF0, v10;
	(xrf0) =	vadd.scan.msk.s32 $0xffff, v7  }
0x3a: {  	v9 =	vadd.f32 v9, v10;
	_ =	sdelay $0x1  }
0x3b: {  	s26 =	simm.s32 $0x10;
	v9 =	vnsel vm0, $0x0, v9;
	[tilespmem:s24+$0x1D700] =	vst.msk vm0, v8  }
0x3c: {  	s25 =	simm.s32 $0x80;
	v4 =	vadd.s32 v7, v4;
	v3 =	vadd.f32 v9, v3;
	v7 =	vld.idx.msk [tilespmem:v5+s26+$0x0 ss:$0x1], $0xffff  }
.LBB2_4:
0x3d: {  	p1 =	sne.s32 s25, $0x3E40;
	v8 =	vld.idx.msk [tilespmem:v6+s26+$0x0 ss:$0x1], $0xffff  }
0x3e: {  	v9, _, _ =	vpop (xrf0)  }
0x3f: {  	(v2sf) =	vpush v9, $0xF;
	_ =	sdelay $0x4  }
0x40: {  	v9 =	vld.idx.msk [tilespmem:v7+s2+$0x0], $0xffff  }
0x41: {  	v10 =	vld.idx.msk [tilespmem:v8+s2+$0x0], $0xffff;
	_ =	sdelay $0x4  }
0x42: {  	v11 =	vand.u32 $0xFFFFFFF0, v9  }
0x43: {  	v9 =	vxor.u32 v10, v9;
	v10 =	vand.u32 $0xFFFFFFF0, v10  }
0x44: {  	v9 =	vand.u32 $0xF, v9;
	v10 =	vadd.f32 v11, v10  }
0x45: {  	vm0 =	veq.s32 v9, $0x0  }
0x46: {  	v9 =	vsel vm0, $0x1, v0;
	v10 =	vnsel vm0, $0x0, v10;
	s0 =	spop (v2sf)  }
.Ltmp4:
0x47: {  	v4 =	vadd.s32 v9, v4;
	v3 =	vadd.f32 v10, v3;
	(xrf0) =	vadd.scan.msk.s32 $0xffff, v9;
	s24 =	sadd.s32 s24, s0;
	(pc) =	sbr.rel @p1 .LBB2_4-.Ltmp4, $4  }
0x48: {  	[tilespmem:s24+$0x1C680] =	vst.msk vm0, v7  }
0x49: {  	[tilespmem:s24+$0x1D700] =	vst.msk vm0, v8  }
0x4a: {  	s26 =	sshra.s32 s25, $0x2  }
0x4b: {  	s25 =	sadd.s32 $0x40, s25;
	v7 =	vld.idx.msk [tilespmem:v5+s26+$0x0 ss:$0x1], $0xffff  }
0x4c: {  	_ =	sdelay $0x3  }
0x4d: {  	v5 =	vld.idx.msk [tilespmem:v6+s26+$0x0 ss:$0x1], $0xffff;
	_ =	sdelay $0x6  }
0x4e: {  	v6 =	vld.idx.msk [tilespmem:v7+s2+$0x0], $0xffff  }
0x4f: {  	v8 =	vld.idx.msk [tilespmem:v5+s2+$0x0], $0xffff;
	_ =	sdelay $0x4  }
0x50: {  	v9 =	vxor.u32 v8, v6  }
0x51: {  	v9 =	vand.u32 $0xF, v9  }
0x52: {  	vm0 =	veq.s32 v9, $0x0  }
0x53: {  	v9 =	vsel vm0, $0x1, v0  }
0x54: {  	(xrf0) =	vadd.scan.msk.s32 $0xffff, v9;
	_ =	sdelay $0x3  }
0x55: {  	v10, _, _ =	vpop (xrf0)  }
0x56: {  	(v2sf) =	vpush v10, $0xF  }
0x57: {  	v63, _, _ =	vpop (xrf0)  }
0x58: {  	(v2sf) =	vpush v63, $0xF;
	_ =	sdelay $0xc  }
0x59: {  	s0 =	spop (v2sf)  }
0x5a: {  	s0 =	sadd.s32 s24, s0  }
0x5b: {  	[tilespmem:s0+$0x1C680] =	vst.msk vm0, v7;
	s1 =	spop (v2sf)  }
0x5c: {  	[tilespmem:s0+$0x1D700] =	vst.msk vm0, v5;
	s0 =	sadd.s32 s0, s1  }
0x5d: {  	[tilespmem:s0+$0x1C680] =	vst v1;
	s1 =	sadd.s32 $0x3F, s0  }
0x5e: {  	[tilespmem:s0+$0x1D700] =	vst v1;
	s24 =	sshrl.u32 s1, $0x6  }
0x5f: {  	v5 =	vand.u32 $0xFFFFFFF0, v6;
	v6 =	vand.u32 $0xFFFFFFF0, v8;
	[tilespmem:s0+$0x1C690] =	vst v1;
	p1 =	seq.s32 s24, $0x0  }
.Ltmp5:
0x60: {  	v5 =	vadd.f32 v5, v6;
	[tilespmem:s0+$0x1D710] =	vst v1;
	(pc) =	sbr.rel @p1 .LBB2_2-.Ltmp5, $4  }
0x61: {  	[tilespmem:s0+$0x1C6A0] =	vst v1  }
0x62: {  	v5 =	vnsel vm0, $0x0, v5;
	[tilespmem:s0+$0x1D720] =	vst v1  }
0x63: {  	v3 =	vadd.f32 v5, v3;
	[tilespmem:s0+$0x1C6B0] =	vst v1  }
0x64: {  	v4 =	vadd.s32 v9, v4;
	[tilespmem:s0+$0x1D730] =	vst v1  }
0x65: {  	[tilespmem:s19], [sflag:$0x1] =	stream.indirect.gather [hbm4b:s7+s17], $0x10, s18, s17, $0xb8;
	[tilespmem:$0x1F7B0] =	vst v63  }
0x66: {  	s25 =	simm.s32 $0x0;
	p1 =	por $0x0, $0x0  }
0x67: {  	[tilespmem:s21], [sflag:$0x3] =	stream.indirect.gather [hbm4b:s8+s17], $0x10, s20, s17, $0xb8;
	[tilespmem:$0x1F7B0] =	vst v63  }
.LBB2_8:
0x68: {  	s0 =	smov.u32 s25;
	s25 =	sadd.s32 $0x1, s25  }
0x69: {  	p2 =	sge.u32 s25, s24  }
0x6a: {  	s0 =	sand.u32 $0x1, s0;
	s1 =	sand.u32 @!p2 $0x1, s25;
	s29 =	sshll.u32 @!p2 s25, $0x6  }
0x6b: {  	s14 =	simm.s32 @!p2 $0x40;
	s26 =	sshll.u32 @!p2 s1, $0xA;
	s30 =	sadd.s32 @!p2 $0x1C680, s29  }
0x6c: {  	s31 =	sadd.s32 @!p2 $0x1, s1;
	s1 =	sadd.s32 @!p2 $0x3, s1;
	s28 =	sadd.s32 @!p2 $0x1E780, s26  }
0x6d: {  	[tilespmem:s28], [sflag:s31] =	stream.indirect.gather @!p2 [hbm4b:s7+s14], $0x10, s30, s14, $0xb8;
	[tilespmem:$0x1F7B0] =	vst v63  }
0x6e: {  	s26 =	sadd.s32 @!p2 $0x1EF80, s26;
	s28 =	sadd.s32 @!p2 $0x1D700, s29;
	s30 =	sadd.s32 $0x1, s0  }
0x6f: {  	[tilespmem:s26], [sflag:s1] =	stream.indirect.gather @!p2 [hbm4b:s8+s14], $0x10, s28, s14, $0xb8;
	[tilespmem:$0x1F7B0] =	vst v63  }
0x70: {  	_ =	swait.ge [sflag:s30], $0x400  }
0x71: {  	[sflag:s30] =	ssyncset.done $0x0  }
0x72: {  	s0 =	sadd.s32 $0x3, s0;
	s14 =	simm.s32 $0x1;
	[sflag:s30] =	ssyncadd.s32 $0xFFFFFC00  }
0x73: {  	s14 =	simm.s32 @!p1 $0x0;
	_ =	swait.ge [sflag:s0], $0x400  }
0x74: {  	s31 =	sshll.u32 s14, $0xA;
	[sflag:s0] =	ssyncset.done $0x0  }
0x75: {  	s14 =	sadd.s32 $0x1E7A0, s31;
	[sflag:s0] =	ssyncadd.s32 $0xFFFFFC00  }
0x76: {  	s26 =	sadd.s32 $0x1EFA0, s31;
	v9 =	vld [tilespmem:s14+$0xFFFFFFE0]  }
0x77: {  	v11 =	vld [tilespmem:s26+$0xFFFFFFE0]  }
0x78: {  	v7 =	vld [tilespmem:s14+$0xFFFFFFF0]  }
0x79: {  	v10 =	vld [tilespmem:s26+$0xFFFFFFF0]  }
0x7a: {  	v5 =	vld [tilespmem:s14+$0x0]  }
0x7b: {  	v8 =	vld [tilespmem:s26+$0x0]  }
0x7c: {  	v6 =	vld [tilespmem:s14+$0x10];
	v11 =	vmul.f32 v11, v9  }
0x7d: {  	s28 =	simm.s32 $0x0;
	s29 =	sadd.s32 $0x40, s14;
	v9 =	vld [tilespmem:s26+$0x10]  }
.LBB2_9:
0x7e: {  	v12 =	vld [tilespmem:s29+$0xFFFFFFE0];
	v2 =	vadd.f32 v11, v2;
	v10 =	vmul.f32 v10, v7;
	s26 =	sadd.s32 $0x40, s26  }
0x7f: {  	s28 =	sadd.s32 $0x4, s28;
	v11 =	vld [tilespmem:s26+$0xFFFFFFE0]  }
0x80: {  	p2 =	slt.u32 s28, $0x3C;
	v7 =	vld [tilespmem:s29+$0xFFFFFFF0];
	v2 =	vadd.f32 v10, v2;
	v8 =	vmul.f32 v8, v5  }
.Ltmp6:
0x81: {  	v10 =	vld [tilespmem:s26+$0xFFFFFFF0];
	(pc) =	sbr.rel @p2 .LBB2_9-.Ltmp6, $4  }
0x82: {  	v5 =	vld [tilespmem:s29+$0x0];
	v2 =	vadd.f32 v8, v2;
	v9 =	vmul.f32 v9, v6  }
0x83: {  	v8 =	vld [tilespmem:s26+$0x0]  }
0x84: {  	v11 =	vmul.f32 v11, v12;
	v6 =	vld [tilespmem:s29+$0x10];
	v2 =	vadd.f32 v9, v2  }
0x85: {  	s29 =	sadd.s32 $0x40, s29;
	v9 =	vld [tilespmem:s26+$0x10]  }
0x86: {  	v2 =	vadd.f32 v11, v2;
	v7 =	vmul.f32 v10, v7;
	_ =	sdelay $0x1  }
0x87: {  	v2 =	vadd.f32 v7, v2;
	v5 =	vmul.f32 v8, v5;
	_ =	sdelay $0x1  }
0x88: {  	v2 =	vadd.f32 v5, v2;
	v5 =	vmul.f32 v9, v6;
	_ =	sdelay $0x1  }
0x89: {  	v2 =	vadd.f32 v5, v2  }
0x8a: {  	p2 =	seq.s32 s25, s24  }
.Ltmp7:
0x8b: {  	_ = 	snop;
	(pc) =	sbr.rel @!p2 .LBB2_8-.Ltmp7, $4  }
.Ltmp8:
0x8c: {  	_ = 	snop;
	(pc) =	sbr.rel @p2 .LBB2_2-.Ltmp8, $4  }
0x8d: {  	_ = 	snop  }
0x8e: {  	_ = 	snop  }
0x8f: {  	p1 =	por !p1, !p1  }
0x90: {  	_ = 	snop  }
.LBB2_12:
0x91: {  	_ =	sfence.sel $0x180000  }
0x92: {  	[bflag:$0x0] =	sbarrier.arrive $0xFFFF  }
0x93: {  	_ =	strace $0x9000004A  }
0x94: {  	s0 =	stileid.u32;
	[bflag:$0x2] =	sbarrier.arrive $0xFFFF  }
0x95: {  	p0 =	sne.s32 s0, $0x0;
	s0 =	rddreg [dreg:$0x1]  }
0x96: {  	s0 =	sadd.s32 @!p0 $0x100000, s0  }
0x97: {  	[sflag:s0] =	ssyncadd.tile.s32 @!p0 $0x1;
	_ =	shalt  }
.Lfunc_end2:
_tile_overlayer_lowered:
.L_overlay_start_2:
0x98: {  	(tag) =	ssettag $0x2  }
0x99: {  	s0 =	rddreg [dreg:$0x0];
	s2 =	stileid.u32  }
0x9a: {  	s1 =	rddreg [dreg:$0x1];
	p0 =	sne.s32 s2, $0x0  }
0x9b: {  	s3 =	rddreg [dreg:$0x2];
	[bflag:$0x3] =	sbarrier.arrive $0xFFFF;
	s2 =	simm.s32 @!p0 $0x1C09  }
0x9c: {  	[timem:s3], [sflag:s2] =	dma.local @!p0 [hbm:s0], s1  }
0x9d: {  	s0 =	simm.s32 @!p0 $0x9  }
0x9e: {  	_ =	swait.ge @!p0 [sflag:s0], s1  }
0x9f: {  	s1 =	ssub.s32 @!p0 $0x0, s1;
	[sflag:s0] =	ssyncset.done @!p0 $0x0  }
0xa0: {  	[sflag:s0] =	ssyncadd.s32 @!p0 s1  }
0xa1: {  	[bflag:$0x3] =	sbarrier.arrive $0xFFFF  }
0xa2: {  	_ =	shalt  }

</sc_bundles>
